<compile_context>
chip_gen: v7x
topology: tpu7x:2x2x1
jax: 0.10.2.dev20260603
libtpu: 0.0.44.dev20260713+nightly
codegen_flags: <defaults>
</compile_context>

<pallas_src>
import functools

import jax
import jax.numpy as jnp
from jax import lax
from jax.experimental import pallas as pl
from jax.experimental.pallas import tpu as pltpu
from jax.experimental.pallas import tpu_sc as plsc

_L = 16
_CH_ROWS = 80


def _make_kernel(n_rows: int, n_cols: int, n_seg: int):
    info = plsc.get_sparse_core_info()
    nc, ns = info.num_cores, info.num_subcores
    half = n_cols // nc
    kc = half // _L
    assert half % 128 == 0
    assert n_rows % _CH_ROWS == 0
    n_chunks = n_rows // _CH_ROWS
    n_rounds = 4
    qrows = n_seg // n_rounds
    seg_rows = qrows // ns
    blk = seg_rows * half
    qblk = qrows * half

    mesh = plsc.VectorSubcoreMesh(core_axis_name="c", subcore_axis_name="s")

    @functools.partial(
        pl.kernel,
        mesh=mesh,
        out_type=jax.ShapeDtypeStruct((nc, n_rounds, ns, blk), jnp.float32),
        scratch_types=[
            pltpu.VMEM((_CH_ROWS, half), jnp.float32),
            pltpu.VMEM((_CH_ROWS, half), jnp.float32),
            pltpu.VMEM((_CH_ROWS + _L,), jnp.int32),
            pltpu.VMEM((_CH_ROWS + _L,), jnp.int32),
            pltpu.VMEM((n_seg * half,), jnp.float32),
            pltpu.VMEM((blk,), jnp.float32),
            pltpu.VMEM((blk,), jnp.float32),
            pltpu.VMEM_SHARED((ns, qblk), jnp.float32),
            pltpu.SemaphoreType.DMA,
            pltpu.SemaphoreType.DMA,
        ],
    )
    def _k(node_hbm, idx_hbm, out_hbm, buf0, buf1, idxv0, idxv1, acc,
           cbuf, obuf, partials, sem0, sem1):
        c = lax.axis_index("c")
        s = lax.axis_index("s")
        col0 = pl.multiple_of(c * half, 128)

        zero = jnp.zeros((_L,), jnp.float32)

        def _zrow(i, carry):
            acc[pl.ds(i * _L, _L)] = zero
            return carry

        lax.fori_loop(0, n_seg * kc, _zrow, 0)

        n_mine = (n_chunks - s + ns - 1) // ns

        def _refs(j, buf_b, idxv_b):
            r0 = (s + j * ns) * _CH_ROWS
            rows = (node_hbm.at[pl.ds(r0, _CH_ROWS), pl.ds(col0, half)], buf_b)
            ids = (idx_hbm.at[pl.ds(r0, _CH_ROWS)], idxv_b.at[pl.ds(0, _CH_ROWS)])
            return rows, ids

        def _start(j, buf_b, idxv_b, sem_b):
            rows, ids = _refs(j, buf_b, idxv_b)
            pltpu.async_copy(*rows, sem_b)
            pltpu.async_copy(*ids, sem_b)

        def _wait(j, buf_b, idxv_b, sem_b):
            rows, ids = _refs(j, buf_b, idxv_b)
            pltpu.make_async_copy(*rows, sem_b).wait()
            pltpu.make_async_copy(*ids, sem_b).wait()

        def _process(buf_b, idxv_b):
            @plsc.parallel_loop(0, _CH_ROWS, unroll=2)
            def _row(r):
                sj = idxv_b[pl.ds(r, _L)][0]
                for k in range(kc):
                    plsc.addupdate(
                        acc.at[pl.ds(sj * half + k * _L, _L)],
                        buf_b[r, pl.ds(k * _L, _L)],
                    )

        n_pairs = n_mine // 2
        odd = n_mine - 2 * n_pairs

        _start(0, buf0, idxv0, sem0)

        def _pair(i, carry):
            j1 = 2 * i + 1
            _start(j1, buf1, idxv1, sem1)
            _wait(2 * i, buf0, idxv0, sem0)
            _process(buf0, idxv0)

            @pl.when(j1 + 1 < n_mine)
            def _prefetch():
                _start(j1 + 1, buf0, idxv0, sem0)

            _wait(j1, buf1, idxv1, sem1)
            _process(buf1, idxv1)
            return carry

        lax.fori_loop(0, n_pairs, _pair, 0)

        @pl.when(odd == 1)
        def _tail():
            _wait(n_mine - 1, buf0, idxv0, sem0)
            _process(buf0, idxv0)

        for h in range(n_rounds):
            pltpu.sync_copy(acc.at[pl.ds(h * qblk, qblk)], partials.at[s])
            plsc.subcore_barrier()

            def _zorow(i, carry):
                obuf[pl.ds(i * _L, _L)] = zero
                return carry

            lax.fori_loop(0, blk // _L, _zorow, 0)

            def _tbody(t, carry):
                pltpu.sync_copy(partials.at[t, pl.ds(s * blk, blk)], cbuf)

                def _add(i, carry2):
                    plsc.addupdate(obuf.at[pl.ds(i * _L, _L)], cbuf[pl.ds(i * _L, _L)])
                    return carry2

                lax.fori_loop(0, blk // _L, _add, 0)
                return carry

            lax.fori_loop(0, ns, _tbody, 0)

            pltpu.sync_copy(obuf, out_hbm.at[c, h, s])
            plsc.subcore_barrier()

    return _k


def kernel(node_ft, batch, num_graphs):
    n_rows, n_cols = node_ft.shape
    seg = jnp.minimum(batch, num_graphs - 1).astype(jnp.int32)
    k = _make_kernel(n_rows, n_cols, 256)
    blocks = k(node_ft, seg)
    o5 = blocks.reshape(2, 4, 16, 4, 256)
    return o5.transpose(1, 2, 3, 0, 4).reshape(256, 512)

# --- scband reference (transcript-rebuilt; emitter-appended) ---
"""Pipeline reference for scband-global-elementwise-pooling-48137993454070 (READ-ONLY COPY).

The authoritative reference and input builder live on the scoring server;
editing this copy changes nothing except your own understanding.
"""

import jax, jax.numpy as jnp
import numpy as np


def setup_inputs(seed: int = 0) -> dict:
    key = jax.random.key(seed)
    k1, k2 = jax.random.split(key)
    node_ft = jax.random.normal(k1, (100000, 512), dtype=jnp.float32)
    batch = jnp.sort(jax.random.randint(k2, (100000,), 0, 256, dtype=jnp.int64))
    num_graphs = 256
    return {"node_ft": node_ft, "batch": batch, "num_graphs": num_graphs}


def reference(node_ft, batch, num_graphs):
    # GlobalElementwisePooling with reduce='sum':
    # scatter(node_ft, batch, dim=-2, dim_size=num_graphs, reduce='sum')
    segment_ids = jnp.minimum(batch, num_graphs - 1)
    out = jax.ops.segment_sum(node_ft, segment_ids, num_segments=256)
    return out

if __name__ == "__main__":
    import jax
    _d = setup_inputs()
    print(jax.jit(kernel)(*tuple(_d.values())))

</pallas_src>

<mosaic_0001>
#map = affine_map<(d0, d1) -> (0, 0)>
#map1 = affine_map<(d0, d1) -> (0)>
#map2 = affine_map<(d0, d1) -> (0, 0, 0, 0)>
module attributes {stable_mosaic.version = 14 : i64} {
  func.func @_k(%arg0: i32, %arg1: i32, %arg2: memref<100000x512xf32, #tpu.memory_space<hbm>>, %arg3: memref<100000xi32, #tpu.memory_space<hbm>>, %arg4: memref<2x4x16x1024xf32, #tpu.memory_space<hbm>>, %arg5: memref<80x256xf32, #tpu.memory_space<vmem>>, %arg6: memref<80x256xf32, #tpu.memory_space<vmem>>, %arg7: memref<96xi32, #tpu.memory_space<vmem>>, %arg8: memref<96xi32, #tpu.memory_space<vmem>>, %arg9: memref<65536xf32, #tpu.memory_space<vmem>>, %arg10: memref<1024xf32, #tpu.memory_space<vmem>>, %arg11: memref<1024xf32, #tpu.memory_space<vmem>>, %arg12: memref<16x16384xf32, #tpu.memory_space<vmem_shared>>, %arg13: memref<!tpu.dma_semaphore, #tpu.memory_space<semaphore_mem>>, %arg14: memref<!tpu.dma_semaphore, #tpu.memory_space<semaphore_mem>>) attributes {dimension_semantics = [#tpu.dimension_semantics<core_parallel>, #tpu.dimension_semantics<subcore_parallel>], iteration_bounds = array<i64: 2, 16>, scalar_prefetch = 0 : i64, scratch_operands = 10 : i64, tpu.core_type = #tpu.core_type<sc_vector_subcore>, window_params = [{transform_indices = #map}, {transform_indices = #map1}, {transform_indices = #map2}]} {
    %mul3A = arith.constant 256 : i32
    %mul3A_0 = arith.muli %arg0, %mul3A : i32
    %multiple_of3A = tpu.assume_multiple %mul3A_0, 128 : i32
    %broadcast_in_dim3A = arith.constant 0.000000e+00 : f32
    %broadcast_in_dim3A_1 = vector.broadcast %broadcast_in_dim3A : f32 to vector<16xf32>
    %scan3A = arith.constant 0 : i32
    %scan3A_2 = arith.constant 0 : i32
    %scan3A_3 = arith.constant 4096 : i32
    %scan3A_4 = arith.addi %scan3A_2, %scan3A_3 : i32
    %scan3A_5 = arith.constant 1 : i32
    scf.for %scan3A_135 = %scan3A_2 to %scan3A_4 step %scan3A_5  : i32 {
      %mul3A_136 = arith.constant 16 : i32
      %mul3A_137 = arith.muli %scan3A_135, %mul3A_136 : i32
      %swap3A = arith.index_cast %mul3A_137 : i32 to index
      %swap3A_138 = tpu.vector_load %arg9[%swap3A] {strides = array<i32>} : memref<65536xf32, #tpu.memory_space<vmem>>, vector<16xf32>,
      %swap3A_139 = vector.shape_cast %swap3A_138 : vector<16xf32> to vector<16xf32>
      %swap3A_140 = vector.shape_cast %broadcast_in_dim3A_1 : vector<16xf32> to vector<16xf32>
      tpu.vector_store %arg9[%swap3A], %swap3A_140 {strides = array<i32>} : memref<65536xf32, #tpu.memory_space<vmem>>, vector<16xf32>,
    }
    %scan3A_6 = arith.constant 4096 : i32
    %sub3A = arith.constant 1250 : i32
    %sub3A_7 = arith.subi %sub3A, %arg1 : i32
    %add3A = arith.constant 16 : i32
    %add3A_8 = arith.addi %sub3A_7, %add3A : i32
    %sub3A_9 = arith.constant 1 : i32
    %sub3A_10 = arith.subi %add3A_8, %sub3A_9 : i32
    %jit3A = arith.constant 16 : i32
    %div3A = arith.divsi %sub3A_10, %jit3A : i32
    %sign3A = arith.constant 0 : i32
    %sign3A_11 = arith.cmpi sgt, %sub3A_10, %sign3A : i32
    %sign3A_12 = arith.extui %sign3A_11 : i1 to i32
    %sign3A_13 = arith.constant 0 : i32
    %sign3A_14 = arith.cmpi slt, %sub3A_10, %sign3A_13 : i32
    %sign3A_15 = arith.extui %sign3A_14 : i1 to i32
    %sign3A_16 = arith.subi %sign3A_12, %sign3A_15 : i32
    %sign3A_17 = arith.constant 0 : i32
    %sign3A_18 = arith.cmpi sgt, %jit3A, %sign3A_17 : i32
    %sign3A_19 = arith.extui %sign3A_18 : i1 to i32
    %sign3A_20 = arith.constant 0 : i32
    %sign3A_21 = arith.cmpi slt, %jit3A, %sign3A_20 : i32
    %sign3A_22 = arith.extui %sign3A_21 : i1 to i32
    %sign3A_23 = arith.subi %sign3A_19, %sign3A_22 : i32
    %ne3A = arith.cmpi ne, %sign3A_16, %sign3A_23 : i32
    %rem3A = arith.remsi %sub3A_10, %jit3A : i32
    %ne3A_24 = arith.constant 0 : i32
    %ne3A_25 = arith.cmpi ne, %rem3A, %ne3A_24 : i32
    %and3A = arith.andi %ne3A, %ne3A_25 : i1
    %sub3A_26 = arith.constant 1 : i32
    %sub3A_27 = arith.subi %div3A, %sub3A_26 : i32
    %select_n3A = arith.select %and3A, %sub3A_27, %div3A : i32
    %jit3A_28 = arith.constant 2 : i32
    %div3A_29 = arith.divsi %select_n3A, %jit3A_28 : i32
    %sign3A_30 = arith.constant 0 : i32
    %sign3A_31 = arith.cmpi sgt, %select_n3A, %sign3A_30 : i32
    %sign3A_32 = arith.extui %sign3A_31 : i1 to i32
    %sign3A_33 = arith.constant 0 : i32
    %sign3A_34 = arith.cmpi slt, %select_n3A, %sign3A_33 : i32
    %sign3A_35 = arith.extui %sign3A_34 : i1 to i32
    %sign3A_36 = arith.subi %sign3A_32, %sign3A_35 : i32
    %sign3A_37 = arith.constant 0 : i32
    %sign3A_38 = arith.cmpi sgt, %jit3A_28, %sign3A_37 : i32
    %sign3A_39 = arith.extui %sign3A_38 : i1 to i32
    %sign3A_40 = arith.constant 0 : i32
    %sign3A_41 = arith.cmpi slt, %jit3A_28, %sign3A_40 : i32
    %sign3A_42 = arith.extui %sign3A_41 : i1 to i32
    %sign3A_43 = arith.subi %sign3A_39, %sign3A_42 : i32
    %ne3A_44 = arith.cmpi ne, %sign3A_36, %sign3A_43 : i32
    %rem3A_45 = arith.remsi %select_n3A, %jit3A_28 : i32
    %ne3A_46 = arith.constant 0 : i32
    %ne3A_47 = arith.cmpi ne, %rem3A_45, %ne3A_46 : i32
    %and3A_48 = arith.andi %ne3A_44, %ne3A_47 : i1
    %sub3A_49 = arith.constant 1 : i32
    %sub3A_50 = arith.subi %div3A_29, %sub3A_49 : i32
    %select_n3A_51 = arith.select %and3A_48, %sub3A_50, %div3A_29 : i32
    %mul3A_52 = arith.constant 2 : i32
    %mul3A_53 = arith.muli %mul3A_52, %select_n3A_51 : i32
    %sub3A_54 = arith.subi %select_n3A, %mul3A_53 : i32
    %add3A_55 = arith.constant 0 : i32
    %add3A_56 = arith.addi %arg1, %add3A_55 : i32
    %mul3A_57 = arith.constant 80 : i32
    %mul3A_58 = arith.muli %add3A_56, %mul3A_57 : i32
    %dma_start3A = tpu.memref_slice %arg2[%mul3A_58, %multiple_of3A] : memref<100000x512xf32, #tpu.memory_space<hbm>> -> memref<80x256xf32, #tpu.memory_space<hbm>>
    %dma_start3A_59 = tpu.memref_slice %arg2[%mul3A_58, %multiple_of3A] : memref<100000x512xf32, #tpu.memory_space<hbm>> -> memref<80x256xf32, #tpu.memory_space<hbm>>
    tpu.enqueue_dma source(%dma_start3A_59 : memref<80x256xf32, #tpu.memory_space<hbm>>) target(%arg5 : memref<80x256xf32, #tpu.memory_space<vmem>>) target_semaphore(%arg13 : memref<!tpu.dma_semaphore, #tpu.memory_space<semaphore_mem>>)
    %dma_start3A_60 = arith.constant 0 : i32
    %dma_start3A_61 = tpu.memref_slice %arg7[%dma_start3A_60] : memref<96xi32, #tpu.memory_space<vmem>> -> memref<80xi32, #tpu.memory_space<vmem>>
    %dma_start3A_62 = tpu.memref_slice %arg3[%mul3A_58] : memref<100000xi32, #tpu.memory_space<hbm>> -> memref<80xi32, #tpu.memory_space<hbm>>
    %dma_start3A_63 = arith.constant 0 : i32
    %dma_start3A_64 = tpu.memref_slice %arg7[%dma_start3A_63] : memref<96xi32, #tpu.memory_space<vmem>> -> memref<80xi32, #tpu.memory_space<vmem>>
    %dma_start3A_65 = tpu.memref_slice %arg3[%mul3A_58] : memref<100000xi32, #tpu.memory_space<hbm>> -> memref<80xi32, #tpu.memory_space<hbm>>
    tpu.enqueue_dma source(%dma_start3A_65 : memref<80xi32, #tpu.memory_space<hbm>>) target(%dma_start3A_64 : memref<80xi32, #tpu.memory_space<vmem>>) target_semaphore(%arg13 : memref<!tpu.dma_semaphore, #tpu.memory_space<semaphore_mem>>)
    %while3A = arith.constant 0 : i32
    %while3A_66 = arith.constant 0 : i32
    %while3A_67 = arith.subi %select_n3A_51, %while3A_66 : i32
    %while3A_68 = arith.addi %while3A_66, %while3A_67 : i32
    %while3A_69 = arith.constant 1 : i32
    %while3A_70 = arith.divsi %while3A_67, %while3A_69 : i32
    %while3A_71 = arith.muli %while3A_70, %while3A_69 : i32
    %while3A_72 = arith.addi %while3A_66, %while3A_71 : i32
    %while3A_73 = arith.constant 1 : i32
    scf.for %while3A_135 = %while3A_66 to %while3A_72 step %while3A_73  : i32 {
      %mul3A_136 = arith.constant 2 : i32
      %mul3A_137 = arith.muli %mul3A_136, %while3A_135 : i32
      %add3A_138 = arith.constant 1 : i32
      %add3A_139 = arith.addi %mul3A_137, %add3A_138 : i32
      %mul3A_140 = arith.constant 16 : i32
      %mul3A_141 = arith.muli %add3A_139, %mul3A_140 : i32
      %add3A_142 = arith.addi %arg1, %mul3A_141 : i32
      %mul3A_143 = arith.constant 80 : i32
      %mul3A_144 = arith.muli %add3A_142, %mul3A_143 : i32
      %dma_start3A_145 = tpu.memref_slice %arg2[%mul3A_144, %multiple_of3A] : memref<100000x512xf32, #tpu.memory_space<hbm>> -> memref<80x256xf32, #tpu.memory_space<hbm>>
      %dma_start3A_146 = tpu.memref_slice %arg2[%mul3A_144, %multiple_of3A] : memref<100000x512xf32, #tpu.memory_space<hbm>> -> memref<80x256xf32, #tpu.memory_space<hbm>>
      tpu.enqueue_dma source(%dma_start3A_146 : memref<80x256xf32, #tpu.memory_space<hbm>>) target(%arg6 : memref<80x256xf32, #tpu.memory_space<vmem>>) target_semaphore(%arg14 : memref<!tpu.dma_semaphore, #tpu.memory_space<semaphore_mem>>)
      %dma_start3A_147 = arith.constant 0 : i32
      %dma_start3A_148 = tpu.memref_slice %arg8[%dma_start3A_147] : memref<96xi32, #tpu.memory_space<vmem>> -> memref<80xi32, #tpu.memory_space<vmem>>
      %dma_start3A_149 = tpu.memref_slice %arg3[%mul3A_144] : memref<100000xi32, #tpu.memory_space<hbm>> -> memref<80xi32, #tpu.memory_space<hbm>>
      %dma_start3A_150 = arith.constant 0 : i32
      %dma_start3A_151 = tpu.memref_slice %arg8[%dma_start3A_150] : memref<96xi32, #tpu.memory_space<vmem>> -> memref<80xi32, #tpu.memory_space<vmem>>
      %dma_start3A_152 = tpu.memref_slice %arg3[%mul3A_144] : memref<100000xi32, #tpu.memory_space<hbm>> -> memref<80xi32, #tpu.memory_space<hbm>>
      tpu.enqueue_dma source(%dma_start3A_152 : memref<80xi32, #tpu.memory_space<hbm>>) target(%dma_start3A_151 : memref<80xi32, #tpu.memory_space<vmem>>) target_semaphore(%arg14 : memref<!tpu.dma_semaphore, #tpu.memory_space<semaphore_mem>>)
      %mul3A_153 = arith.constant 2 : i32
      %mul3A_154 = arith.muli %mul3A_153, %while3A_135 : i32
      %mul3A_155 = arith.constant 16 : i32
      %mul3A_156 = arith.muli %mul3A_154, %mul3A_155 : i32
      %add3A_157 = arith.addi %arg1, %mul3A_156 : i32
      %mul3A_158 = arith.constant 80 : i32
      %mul3A_159 = arith.muli %add3A_157, %mul3A_158 : i32
      %dma_wait3A = tpu.memref_slice %arg2[%mul3A_159, %multiple_of3A] : memref<100000x512xf32, #tpu.memory_space<hbm>> -> memref<80x256xf32, #tpu.memory_space<hbm>>
      %dma_wait3A_160 = tpu.memref_slice %arg2[%mul3A_159, %multiple_of3A] : memref<100000x512xf32, #tpu.memory_space<hbm>> -> memref<80x256xf32, #tpu.memory_space<hbm>>
      tpu.wait_dma2 semaphore(%arg13 : memref<!tpu.dma_semaphore, #tpu.memory_space<semaphore_mem>>) src(%dma_wait3A_160 : memref<80x256xf32, #tpu.memory_space<hbm>>) dst(%arg5 : memref<80x256xf32, #tpu.memory_space<vmem>>)
      %dma_wait3A_161 = arith.constant 0 : i32
      %dma_wait3A_162 = tpu.memref_slice %arg7[%dma_wait3A_161] : memref<96xi32, #tpu.memory_space<vmem>> -> memref<80xi32, #tpu.memory_space<vmem>>
      %dma_wait3A_163 = tpu.memref_slice %arg3[%mul3A_159] : memref<100000xi32, #tpu.memory_space<hbm>> -> memref<80xi32, #tpu.memory_space<hbm>>
      %dma_wait3A_164 = arith.constant 0 : i32
      %dma_wait3A_165 = tpu.memref_slice %arg7[%dma_wait3A_164] : memref<96xi32, #tpu.memory_space<vmem>> -> memref<80xi32, #tpu.memory_space<vmem>>
      %dma_wait3A_166 = tpu.memref_slice %arg3[%mul3A_159] : memref<100000xi32, #tpu.memory_space<hbm>> -> memref<80xi32, #tpu.memory_space<hbm>>
      tpu.wait_dma2 semaphore(%arg13 : memref<!tpu.dma_semaphore, #tpu.memory_space<semaphore_mem>>) src(%dma_wait3A_166 : memref<80xi32, #tpu.memory_space<hbm>>) dst(%dma_wait3A_165 : memref<80xi32, #tpu.memory_space<vmem>>)
      %parallel_loop3A = arith.constant 0 : i32
      %parallel_loop3A_167 = arith.constant 80 : i32
      %parallel_loop3A_168 = arith.constant 1 : i32
      scf.for %parallel_loop3A_190 = %parallel_loop3A to %parallel_loop3A_167 step %parallel_loop3A_168  : i32 {
        %parallel_loop3A_191 = arith.index_cast %parallel_loop3A_190 : i32 to index
        %parallel_loop3A_192 = tpu.vector_load %arg7[%parallel_loop3A_191] {strides = array<i32>} : memref<96xi32, #tpu.memory_space<vmem>>, vector<16xi32>,
        %parallel_loop3A_193 = vector.shape_cast %parallel_loop3A_192 : vector<16xi32> to vector<16xi32>
        %parallel_loop3A_194 = vector.extract_strided_slice %parallel_loop3A_193 {offsets = [0], sizes = [1], strides = [1]} : vector<16xi32> to vector<1xi32>
        %parallel_loop3A_195 = vector.extract %parallel_loop3A_194[0] : i32 from vector<1xi32>
        %parallel_loop3A_196 = arith.constant 256 : i32
        %parallel_loop3A_197 = arith.muli %parallel_loop3A_195, %parallel_loop3A_196 : i32
        %parallel_loop3A_198 = arith.constant 0 : i32
        %parallel_loop3A_199 = arith.addi %parallel_loop3A_197, %parallel_loop3A_198 : i32
        %parallel_loop3A_200 = arith.index_cast %parallel_loop3A_190 : i32 to index
        %parallel_loop3A_201 = arith.constant 0 : index
        %parallel_loop3A_202 = tpu.vector_load %arg5[%parallel_loop3A_200, %parallel_loop3A_201] {strides = array<i32>} : memref<80x256xf32, #tpu.memory_space<vmem>>, vector<1x16xf32>,
        %parallel_loop3A_203 = vector.shape_cast %parallel_loop3A_202 : vector<1x16xf32> to vector<16xf32>
        %parallel_loop3A_204 = arith.index_cast %parallel_loop3A_199 : i32 to index
        %parallel_loop3A_205 = tpu.vector_load %arg9[%parallel_loop3A_204] {strides = array<i32>} : memref<65536xf32, #tpu.memory_space<vmem>>, vector<16xf32>,
        %parallel_loop3A_206 = vector.shape_cast %parallel_loop3A_205 : vector<16xf32> to vector<16xf32>
        %parallel_loop3A_207 = vector.shape_cast %parallel_loop3A_203 : vector<16xf32> to vector<16xf32>
        tpu.vector_store %arg9[%parallel_loop3A_204], %parallel_loop3A_207 {add = true, strides = array<i32>} : memref<65536xf32, #tpu.memory_space<vmem>>, vector<16xf32>,
        %parallel_loop3A_208 = arith.constant 256 : i32
        %parallel_loop3A_209 = arith.muli %parallel_loop3A_195, %parallel_loop3A_208 : i32
        %parallel_loop3A_210 = arith.constant 16 : i32
        %parallel_loop3A_211 = arith.addi %parallel_loop3A_209, %parallel_loop3A_210 : i32
        %parallel_loop3A_212 = arith.index_cast %parallel_loop3A_190 : i32 to index
        %parallel_loop3A_213 = arith.constant 16 : index
        %parallel_loop3A_214 = tpu.vector_load %arg5[%parallel_loop3A_212, %parallel_loop3A_213] {strides = array<i32>} : memref<80x256xf32, #tpu.memory_space<vmem>>, vector<1x16xf32>,
        %parallel_loop3A_215 = vector.shape_cast %parallel_loop3A_214 : vector<1x16xf32> to vector<16xf32>
        %parallel_loop3A_216 = arith.index_cast %parallel_loop3A_211 : i32 to index
        %parallel_loop3A_217 = tpu.vector_load %arg9[%parallel_loop3A_216] {strides = array<i32>} : memref<65536xf32, #tpu.memory_space<vmem>>, vector<16xf32>,
        %parallel_loop3A_218 = vector.shape_cast %parallel_loop3A_217 : vector<16xf32> to vector<16xf32>
        %parallel_loop3A_219 = vector.shape_cast %parallel_loop3A_215 : vector<16xf32> to vector<16xf32>
        tpu.vector_store %arg9[%parallel_loop3A_216], %parallel_loop3A_219 {add = true, strides = array<i32>} : memref<65536xf32, #tpu.memory_space<vmem>>, vector<16xf32>,
        %parallel_loop3A_220 = arith.constant 256 : i32
        %parallel_loop3A_221 = arith.muli %parallel_loop3A_195, %parallel_loop3A_220 : i32
        %parallel_loop3A_222 = arith.constant 32 : i32
        %parallel_loop3A_223 = arith.addi %parallel_loop3A_221, %parallel_loop3A_222 : i32
        %parallel_loop3A_224 = arith.index_cast %parallel_loop3A_190 : i32 to index
        %parallel_loop3A_225 = arith.constant 32 : index
        %parallel_loop3A_226 = tpu.vector_load %arg5[%parallel_loop3A_224, %parallel_loop3A_225] {strides = array<i32>} : memref<80x256xf32, #tpu.memory_space<vmem>>, vector<1x16xf32>,
        %parallel_loop3A_227 = vector.shape_cast %parallel_loop3A_226 : vector<1x16xf32> to vector<16xf32>
        %parallel_loop3A_228 = arith.index_cast %parallel_loop3A_223 : i32 to index
        %parallel_loop3A_229 = tpu.vector_load %arg9[%parallel_loop3A_228] {strides = array<i32>} : memref<65536xf32, #tpu.memory_space<vmem>>, vector<16xf32>,
        %parallel_loop3A_230 = vector.shape_cast %parallel_loop3A_229 : vector<16xf32> to vector<16xf32>
        %parallel_loop3A_231 = vector.shape_cast %parallel_loop3A_227 : vector<16xf32> to vector<16xf32>
        tpu.vector_store %arg9[%parallel_loop3A_228], %parallel_loop3A_231 {add = true, strides = array<i32>} : memref<65536xf32, #tpu.memory_space<vmem>>, vector<16xf32>,
        %parallel_loop3A_232 = arith.constant 256 : i32
        %parallel_loop3A_233 = arith.muli %parallel_loop3A_195, %parallel_loop3A_232 : i32
        %parallel_loop3A_234 = arith.constant 48 : i32
        %parallel_loop3A_235 = arith.addi %parallel_loop3A_233, %parallel_loop3A_234 : i32
        %parallel_loop3A_236 = arith.index_cast %parallel_loop3A_190 : i32 to index
        %parallel_loop3A_237 = arith.constant 48 : index
        %parallel_loop3A_238 = tpu.vector_load %arg5[%parallel_loop3A_236, %parallel_loop3A_237] {strides = array<i32>} : memref<80x256xf32, #tpu.memory_space<vmem>>, vector<1x16xf32>,
        %parallel_loop3A_239 = vector.shape_cast %parallel_loop3A_238 : vector<1x16xf32> to vector<16xf32>
        %parallel_loop3A_240 = arith.index_cast %parallel_loop3A_235 : i32 to index
        %parallel_loop3A_241 = tpu.vector_load %arg9[%parallel_loop3A_240] {strides = array<i32>} : memref<65536xf32, #tpu.memory_space<vmem>>, vector<16xf32>,
        %parallel_loop3A_242 = vector.shape_cast %parallel_loop3A_241 : vector<16xf32> to vector<16xf32>
        %parallel_loop3A_243 = vector.shape_cast %parallel_loop3A_239 : vector<16xf32> to vector<16xf32>
        tpu.vector_store %arg9[%parallel_loop3A_240], %parallel_loop3A_243 {add = true, strides = array<i32>} : memref<65536xf32, #tpu.memory_space<vmem>>, vector<16xf32>,
        %parallel_loop3A_244 = arith.constant 256 : i32
        %parallel_loop3A_245 = arith.muli %parallel_loop3A_195, %parallel_loop3A_244 : i32
        %parallel_loop3A_246 = arith.constant 64 : i32
        %parallel_loop3A_247 = arith.addi %parallel_loop3A_245, %parallel_loop3A_246 : i32
        %parallel_loop3A_248 = arith.index_cast %parallel_loop3A_190 : i32 to index
        %parallel_loop3A_249 = arith.constant 64 : index
        %parallel_loop3A_250 = tpu.vector_load %arg5[%parallel_loop3A_248, %parallel_loop3A_249] {strides = array<i32>} : memref<80x256xf32, #tpu.memory_space<vmem>>, vector<1x16xf32>,
        %parallel_loop3A_251 = vector.shape_cast %parallel_loop3A_250 : vector<1x16xf32> to vector<16xf32>
        %parallel_loop3A_252 = arith.index_cast %parallel_loop3A_247 : i32 to index
        %parallel_loop3A_253 = tpu.vector_load %arg9[%parallel_loop3A_252] {strides = array<i32>} : memref<65536xf32, #tpu.memory_space<vmem>>, vector<16xf32>,
        %parallel_loop3A_254 = vector.shape_cast %parallel_loop3A_253 : vector<16xf32> to vector<16xf32>
        %parallel_loop3A_255 = vector.shape_cast %parallel_loop3A_251 : vector<16xf32> to vector<16xf32>
        tpu.vector_store %arg9[%parallel_loop3A_252], %parallel_loop3A_255 {add = true, strides = array<i32>} : memref<65536xf32, #tpu.memory_space<vmem>>, vector<16xf32>,
        %parallel_loop3A_256 = arith.constant 256 : i32
        %parallel_loop3A_257 = arith.muli %parallel_loop3A_195, %parallel_loop3A_256 : i32
        %parallel_loop3A_258 = arith.constant 80 : i32
        %parallel_loop3A_259 = arith.addi %parallel_loop3A_257, %parallel_loop3A_258 : i32
        %parallel_loop3A_260 = arith.index_cast %parallel_loop3A_190 : i32 to index
        %parallel_loop3A_261 = arith.constant 80 : index
        %parallel_loop3A_262 = tpu.vector_load %arg5[%parallel_loop3A_260, %parallel_loop3A_261] {strides = array<i32>} : memref<80x256xf32, #tpu.memory_space<vmem>>, vector<1x16xf32>,
        %parallel_loop3A_263 = vector.shape_cast %parallel_loop3A_262 : vector<1x16xf32> to vector<16xf32>
        %parallel_loop3A_264 = arith.index_cast %parallel_loop3A_259 : i32 to index
        %parallel_loop3A_265 = tpu.vector_load %arg9[%parallel_loop3A_264] {strides = array<i32>} : memref<65536xf32, #tpu.memory_space<vmem>>, vector<16xf32>,
        %parallel_loop3A_266 = vector.shape_cast %parallel_loop3A_265 : vector<16xf32> to vector<16xf32>
        %parallel_loop3A_267 = vector.shape_cast %parallel_loop3A_263 : vector<16xf32> to vector<16xf32>
        tpu.vector_store %arg9[%parallel_loop3A_264], %parallel_loop3A_267 {add = true, strides = array<i32>} : memref<65536xf32, #tpu.memory_space<vmem>>, vector<16xf32>,
        %parallel_loop3A_268 = arith.constant 256 : i32
        %parallel_loop3A_269 = arith.muli %parallel_loop3A_195, %parallel_loop3A_268 : i32
        %parallel_loop3A_270 = arith.constant 96 : i32
        %parallel_loop3A_271 = arith.addi %parallel_loop3A_269, %parallel_loop3A_270 : i32
        %parallel_loop3A_272 = arith.index_cast %parallel_loop3A_190 : i32 to index
        %parallel_loop3A_273 = arith.constant 96 : index
        %parallel_loop3A_274 = tpu.vector_load %arg5[%parallel_loop3A_272, %parallel_loop3A_273] {strides = array<i32>} : memref<80x256xf32, #tpu.memory_space<vmem>>, vector<1x16xf32>,
        %parallel_loop3A_275 = vector.shape_cast %parallel_loop3A_274 : vector<1x16xf32> to vector<16xf32>
        %parallel_loop3A_276 = arith.index_cast %parallel_loop3A_271 : i32 to index
        %parallel_loop3A_277 = tpu.vector_load %arg9[%parallel_loop3A_276] {strides = array<i32>} : memref<65536xf32, #tpu.memory_space<vmem>>, vector<16xf32>,
        %parallel_loop3A_278 = vector.shape_cast %parallel_loop3A_277 : vector<16xf32> to vector<16xf32>
        %parallel_loop3A_279 = vector.shape_cast %parallel_loop3A_275 : vector<16xf32> to vector<16xf32>
        tpu.vector_store %arg9[%parallel_loop3A_276], %parallel_loop3A_279 {add = true, strides = array<i32>} : memref<65536xf32, #tpu.memory_space<vmem>>, vector<16xf32>,
        %parallel_loop3A_280 = arith.constant 256 : i32
        %parallel_loop3A_281 = arith.muli %parallel_loop3A_195, %parallel_loop3A_280 : i32
        %parallel_loop3A_282 = arith.constant 112 : i32
        %parallel_loop3A_283 = arith.addi %parallel_loop3A_281, %parallel_loop3A_282 : i32
        %parallel_loop3A_284 = arith.index_cast %parallel_loop3A_190 : i32 to index
        %parallel_loop3A_285 = arith.constant 112 : index
        %parallel_loop3A_286 = tpu.vector_load %arg5[%parallel_loop3A_284, %parallel_loop3A_285] {strides = array<i32>} : memref<80x256xf32, #tpu.memory_space<vmem>>, vector<1x16xf32>,
        %parallel_loop3A_287 = vector.shape_cast %parallel_loop3A_286 : vector<1x16xf32> to vector<16xf32>
        %parallel_loop3A_288 = arith.index_cast %parallel_loop3A_283 : i32 to index
        %parallel_loop3A_289 = tpu.vector_load %arg9[%parallel_loop3A_288] {strides = array<i32>} : memref<65536xf32, #tpu.memory_space<vmem>>, vector<16xf32>,
        %parallel_loop3A_290 = vector.shape_cast %parallel_loop3A_289 : vector<16xf32> to vector<16xf32>
        %parallel_loop3A_291 = vector.shape_cast %parallel_loop3A_287 : vector<16xf32> to vector<16xf32>
        tpu.vector_store %arg9[%parallel_loop3A_288], %parallel_loop3A_291 {add = true, strides = array<i32>} : memref<65536xf32, #tpu.memory_space<vmem>>, vector<16xf32>,
        %parallel_loop3A_292 = arith.constant 256 : i32
        %parallel_loop3A_293 = arith.muli %parallel_loop3A_195, %parallel_loop3A_292 : i32
        %parallel_loop3A_294 = arith.constant 128 : i32
        %parallel_loop3A_295 = arith.addi %parallel_loop3A_293, %parallel_loop3A_294 : i32
        %parallel_loop3A_296 = arith.index_cast %parallel_loop3A_190 : i32 to index
        %parallel_loop3A_297 = arith.constant 128 : index
        %parallel_loop3A_298 = tpu.vector_load %arg5[%parallel_loop3A_296, %parallel_loop3A_297] {strides = array<i32>} : memref<80x256xf32, #tpu.memory_space<vmem>>, vector<1x16xf32>,
        %parallel_loop3A_299 = vector.shape_cast %parallel_loop3A_298 : vector<1x16xf32> to vector<16xf32>
        %parallel_loop3A_300 = arith.index_cast %parallel_loop3A_295 : i32 to index
        %parallel_loop3A_301 = tpu.vector_load %arg9[%parallel_loop3A_300] {strides = array<i32>} : memref<65536xf32, #tpu.memory_space<vmem>>, vector<16xf32>,
        %parallel_loop3A_302 = vector.shape_cast %parallel_loop3A_301 : vector<16xf32> to vector<16xf32>
        %parallel_loop3A_303 = vector.shape_cast %parallel_loop3A_299 : vector<16xf32> to vector<16xf32>
        tpu.vector_store %arg9[%parallel_loop3A_300], %parallel_loop3A_303 {add = true, strides = array<i32>} : memref<65536xf32, #tpu.memory_space<vmem>>, vector<16xf32>,
        %parallel_loop3A_304 = arith.constant 256 : i32
        %parallel_loop3A_305 = arith.muli %parallel_loop3A_195, %parallel_loop3A_304 : i32
        %parallel_loop3A_306 = arith.constant 144 : i32
        %parallel_loop3A_307 = arith.addi %parallel_loop3A_305, %parallel_loop3A_306 : i32
        %parallel_loop3A_308 = arith.index_cast %parallel_loop3A_190 : i32 to index
        %parallel_loop3A_309 = arith.constant 144 : index
        %parallel_loop3A_310 = tpu.vector_load %arg5[%parallel_loop3A_308, %parallel_loop3A_309] {strides = array<i32>} : memref<80x256xf32, #tpu.memory_space<vmem>>, vector<1x16xf32>,
        %parallel_loop3A_311 = vector.shape_cast %parallel_loop3A_310 : vector<1x16xf32> to vector<16xf32>
        %parallel_loop3A_312 = arith.index_cast %parallel_loop3A_307 : i32 to index
        %parallel_loop3A_313 = tpu.vector_load %arg9[%parallel_loop3A_312] {strides = array<i32>} : memref<65536xf32, #tpu.memory_space<vmem>>, vector<16xf32>,
        %parallel_loop3A_314 = vector.shape_cast %parallel_loop3A_313 : vector<16xf32> to vector<16xf32>
        %parallel_loop3A_315 = vector.shape_cast %parallel_loop3A_311 : vector<16xf32> to vector<16xf32>
        tpu.vector_store %arg9[%parallel_loop3A_312], %parallel_loop3A_315 {add = true, strides = array<i32>} : memref<65536xf32, #tpu.memory_space<vmem>>, vector<16xf32>,
        %parallel_loop3A_316 = arith.constant 256 : i32
        %parallel_loop3A_317 = arith.muli %parallel_loop3A_195, %parallel_loop3A_316 : i32
        %parallel_loop3A_318 = arith.constant 160 : i32
        %parallel_loop3A_319 = arith.addi %parallel_loop3A_317, %parallel_loop3A_318 : i32
        %parallel_loop3A_320 = arith.index_cast %parallel_loop3A_190 : i32 to index
        %parallel_loop3A_321 = arith.constant 160 : index
        %parallel_loop3A_322 = tpu.vector_load %arg5[%parallel_loop3A_320, %parallel_loop3A_321] {strides = array<i32>} : memref<80x256xf32, #tpu.memory_space<vmem>>, vector<1x16xf32>,
        %parallel_loop3A_323 = vector.shape_cast %parallel_loop3A_322 : vector<1x16xf32> to vector<16xf32>
        %parallel_loop3A_324 = arith.index_cast %parallel_loop3A_319 : i32 to index
        %parallel_loop3A_325 = tpu.vector_load %arg9[%parallel_loop3A_324] {strides = array<i32>} : memref<65536xf32, #tpu.memory_space<vmem>>, vector<16xf32>,
        %parallel_loop3A_326 = vector.shape_cast %parallel_loop3A_325 : vector<16xf32> to vector<16xf32>
        %parallel_loop3A_327 = vector.shape_cast %parallel_loop3A_323 : vector<16xf32> to vector<16xf32>
        tpu.vector_store %arg9[%parallel_loop3A_324], %parallel_loop3A_327 {add = true, strides = array<i32>} : memref<65536xf32, #tpu.memory_space<vmem>>, vector<16xf32>,
        %parallel_loop3A_328 = arith.constant 256 : i32
        %parallel_loop3A_329 = arith.muli %parallel_loop3A_195, %parallel_loop3A_328 : i32
        %parallel_loop3A_330 = arith.constant 176 : i32
        %parallel_loop3A_331 = arith.addi %parallel_loop3A_329, %parallel_loop3A_330 : i32
        %parallel_loop3A_332 = arith.index_cast %parallel_loop3A_190 : i32 to index
        %parallel_loop3A_333 = arith.constant 176 : index
        %parallel_loop3A_334 = tpu.vector_load %arg5[%parallel_loop3A_332, %parallel_loop3A_333] {strides = array<i32>} : memref<80x256xf32, #tpu.memory_space<vmem>>, vector<1x16xf32>,
        %parallel_loop3A_335 = vector.shape_cast %parallel_loop3A_334 : vector<1x16xf32> to vector<16xf32>
        %parallel_loop3A_336 = arith.index_cast %parallel_loop3A_331 : i32 to index
        %parallel_loop3A_337 = tpu.vector_load %arg9[%parallel_loop3A_336] {strides = array<i32>} : memref<65536xf32, #tpu.memory_space<vmem>>, vector<16xf32>,
        %parallel_loop3A_338 = vector.shape_cast %parallel_loop3A_337 : vector<16xf32> to vector<16xf32>
        %parallel_loop3A_339 = vector.shape_cast %parallel_loop3A_335 : vector<16xf32> to vector<16xf32>
        tpu.vector_store %arg9[%parallel_loop3A_336], %parallel_loop3A_339 {add = true, strides = array<i32>} : memref<65536xf32, #tpu.memory_space<vmem>>, vector<16xf32>,
        %parallel_loop3A_340 = arith.constant 256 : i32
        %parallel_loop3A_341 = arith.muli %parallel_loop3A_195, %parallel_loop3A_340 : i32
        %parallel_loop3A_342 = arith.constant 192 : i32
        %parallel_loop3A_343 = arith.addi %parallel_loop3A_341, %parallel_loop3A_342 : i32
        %parallel_loop3A_344 = arith.index_cast %parallel_loop3A_190 : i32 to index
        %parallel_loop3A_345 = arith.constant 192 : index
        %parallel_loop3A_346 = tpu.vector_load %arg5[%parallel_loop3A_344, %parallel_loop3A_345] {strides = array<i32>} : memref<80x256xf32, #tpu.memory_space<vmem>>, vector<1x16xf32>,
        %parallel_loop3A_347 = vector.shape_cast %parallel_loop3A_346 : vector<1x16xf32> to vector<16xf32>
        %parallel_loop3A_348 = arith.index_cast %parallel_loop3A_343 : i32 to index
        %parallel_loop3A_349 = tpu.vector_load %arg9[%parallel_loop3A_348] {strides = array<i32>} : memref<65536xf32, #tpu.memory_space<vmem>>, vector<16xf32>,
        %parallel_loop3A_350 = vector.shape_cast %parallel_loop3A_349 : vector<16xf32> to vector<16xf32>
        %parallel_loop3A_351 = vector.shape_cast %parallel_loop3A_347 : vector<16xf32> to vector<16xf32>
        tpu.vector_store %arg9[%parallel_loop3A_348], %parallel_loop3A_351 {add = true, strides = array<i32>} : memref<65536xf32, #tpu.memory_space<vmem>>, vector<16xf32>,
        %parallel_loop3A_352 = arith.constant 256 : i32
        %parallel_loop3A_353 = arith.muli %parallel_loop3A_195, %parallel_loop3A_352 : i32
        %parallel_loop3A_354 = arith.constant 208 : i32
        %parallel_loop3A_355 = arith.addi %parallel_loop3A_353, %parallel_loop3A_354 : i32
        %parallel_loop3A_356 = arith.index_cast %parallel_loop3A_190 : i32 to index
        %parallel_loop3A_357 = arith.constant 208 : index
        %parallel_loop3A_358 = tpu.vector_load %arg5[%parallel_loop3A_356, %parallel_loop3A_357] {strides = array<i32>} : memref<80x256xf32, #tpu.memory_space<vmem>>, vector<1x16xf32>,
        %parallel_loop3A_359 = vector.shape_cast %parallel_loop3A_358 : vector<1x16xf32> to vector<16xf32>
        %parallel_loop3A_360 = arith.index_cast %parallel_loop3A_355 : i32 to index
        %parallel_loop3A_361 = tpu.vector_load %arg9[%parallel_loop3A_360] {strides = array<i32>} : memref<65536xf32, #tpu.memory_space<vmem>>, vector<16xf32>,
        %parallel_loop3A_362 = vector.shape_cast %parallel_loop3A_361 : vector<16xf32> to vector<16xf32>
        %parallel_loop3A_363 = vector.shape_cast %parallel_loop3A_359 : vector<16xf32> to vector<16xf32>
        tpu.vector_store %arg9[%parallel_loop3A_360], %parallel_loop3A_363 {add = true, strides = array<i32>} : memref<65536xf32, #tpu.memory_space<vmem>>, vector<16xf32>,
        %parallel_loop3A_364 = arith.constant 256 : i32
        %parallel_loop3A_365 = arith.muli %parallel_loop3A_195, %parallel_loop3A_364 : i32
        %parallel_loop3A_366 = arith.constant 224 : i32
        %parallel_loop3A_367 = arith.addi %parallel_loop3A_365, %parallel_loop3A_366 : i32
        %parallel_loop3A_368 = arith.index_cast %parallel_loop3A_190 : i32 to index
        %parallel_loop3A_369 = arith.constant 224 : index
        %parallel_loop3A_370 = tpu.vector_load %arg5[%parallel_loop3A_368, %parallel_loop3A_369] {strides = array<i32>} : memref<80x256xf32, #tpu.memory_space<vmem>>, vector<1x16xf32>,
        %parallel_loop3A_371 = vector.shape_cast %parallel_loop3A_370 : vector<1x16xf32> to vector<16xf32>
        %parallel_loop3A_372 = arith.index_cast %parallel_loop3A_367 : i32 to index
        %parallel_loop3A_373 = tpu.vector_load %arg9[%parallel_loop3A_372] {strides = array<i32>} : memref<65536xf32, #tpu.memory_space<vmem>>, vector<16xf32>,
        %parallel_loop3A_374 = vector.shape_cast %parallel_loop3A_373 : vector<16xf32> to vector<16xf32>
        %parallel_loop3A_375 = vector.shape_cast %parallel_loop3A_371 : vector<16xf32> to vector<16xf32>
        tpu.vector_store %arg9[%parallel_loop3A_372], %parallel_loop3A_375 {add = true, strides = array<i32>} : memref<65536xf32, #tpu.memory_space<vmem>>, vector<16xf32>,
        %parallel_loop3A_376 = arith.constant 256 : i32
        %parallel_loop3A_377 = arith.muli %parallel_loop3A_195, %parallel_loop3A_376 : i32
        %parallel_loop3A_378 = arith.constant 240 : i32
        %parallel_loop3A_379 = arith.addi %parallel_loop3A_377, %parallel_loop3A_378 : i32
        %parallel_loop3A_380 = arith.index_cast %parallel_loop3A_190 : i32 to index
        %parallel_loop3A_381 = arith.constant 240 : index
        %parallel_loop3A_382 = tpu.vector_load %arg5[%parallel_loop3A_380, %parallel_loop3A_381] {strides = array<i32>} : memref<80x256xf32, #tpu.memory_space<vmem>>, vector<1x16xf32>,
        %parallel_loop3A_383 = vector.shape_cast %parallel_loop3A_382 : vector<1x16xf32> to vector<16xf32>
        %parallel_loop3A_384 = arith.index_cast %parallel_loop3A_379 : i32 to index
        %parallel_loop3A_385 = tpu.vector_load %arg9[%parallel_loop3A_384] {strides = array<i32>} : memref<65536xf32, #tpu.memory_space<vmem>>, vector<16xf32>,
        %parallel_loop3A_386 = vector.shape_cast %parallel_loop3A_385 : vector<16xf32> to vector<16xf32>
        %parallel_loop3A_387 = vector.shape_cast %parallel_loop3A_383 : vector<16xf32> to vector<16xf32>
        tpu.vector_store %arg9[%parallel_loop3A_384], %parallel_loop3A_387 {add = true, strides = array<i32>} : memref<65536xf32, #tpu.memory_space<vmem>>, vector<16xf32>,
      } {sc.loop_unroll_factor = 2 : i64, sc.parallel_access}
      %add3A_169 = arith.constant 1 : i32
      %add3A_170 = arith.addi %add3A_139, %add3A_169 : i32
      %lt3A = arith.cmpi slt, %add3A_170, %select_n3A : i32
      %convert_element_type3A_171 = arith.extui %lt3A : i1 to i32
      %cond3A_172 = arith.constant 0 : i32
      %cond3A_173 = arith.cmpi ne, %convert_element_type3A_171, %cond3A_172 : i32
      scf.if %cond3A_173 {
        %add3A_190 = arith.constant 1 : i32
        %add3A_191 = arith.addi %add3A_139, %add3A_190 : i32
        %mul3A_192 = arith.constant 16 : i32
        %mul3A_193 = arith.muli %add3A_191, %mul3A_192 : i32
        %add3A_194 = arith.addi %arg1, %mul3A_193 : i32
        %mul3A_195 = arith.constant 80 : i32
        %mul3A_196 = arith.muli %add3A_194, %mul3A_195 : i32
        %dma_start3A_197 = tpu.memref_slice %arg2[%mul3A_196, %multiple_of3A] : memref<100000x512xf32, #tpu.memory_space<hbm>> -> memref<80x256xf32, #tpu.memory_space<hbm>>
        %dma_start3A_198 = tpu.memref_slice %arg2[%mul3A_196, %multiple_of3A] : memref<100000x512xf32, #tpu.memory_space<hbm>> -> memref<80x256xf32, #tpu.memory_space<hbm>>
        tpu.enqueue_dma source(%dma_start3A_198 : memref<80x256xf32, #tpu.memory_space<hbm>>) target(%arg5 : memref<80x256xf32, #tpu.memory_space<vmem>>) target_semaphore(%arg13 : memref<!tpu.dma_semaphore, #tpu.memory_space<semaphore_mem>>)
        %dma_start3A_199 = arith.constant 0 : i32
        %dma_start3A_200 = tpu.memref_slice %arg7[%dma_start3A_199] : memref<96xi32, #tpu.memory_space<vmem>> -> memref<80xi32, #tpu.memory_space<vmem>>
        %dma_start3A_201 = tpu.memref_slice %arg3[%mul3A_196] : memref<100000xi32, #tpu.memory_space<hbm>> -> memref<80xi32, #tpu.memory_space<hbm>>
        %dma_start3A_202 = arith.constant 0 : i32
        %dma_start3A_203 = tpu.memref_slice %arg7[%dma_start3A_202] : memref<96xi32, #tpu.memory_space<vmem>> -> memref<80xi32, #tpu.memory_space<vmem>>
        %dma_start3A_204 = tpu.memref_slice %arg3[%mul3A_196] : memref<100000xi32, #tpu.memory_space<hbm>> -> memref<80xi32, #tpu.memory_space<hbm>>
        tpu.enqueue_dma source(%dma_start3A_204 : memref<80xi32, #tpu.memory_space<hbm>>) target(%dma_start3A_203 : memref<80xi32, #tpu.memory_space<vmem>>) target_semaphore(%arg13 : memref<!tpu.dma_semaphore, #tpu.memory_space<semaphore_mem>>)
      } else {
      }
      %mul3A_174 = arith.constant 16 : i32
      %mul3A_175 = arith.muli %add3A_139, %mul3A_174 : i32
      %add3A_176 = arith.addi %arg1, %mul3A_175 : i32
      %mul3A_177 = arith.constant 80 : i32
      %mul3A_178 = arith.muli %add3A_176, %mul3A_177 : i32
      %dma_wait3A_179 = tpu.memref_slice %arg2[%mul3A_178, %multiple_of3A] : memref<100000x512xf32, #tpu.memory_space<hbm>> -> memref<80x256xf32, #tpu.memory_space<hbm>>
      %dma_wait3A_180 = tpu.memref_slice %arg2[%mul3A_178, %multiple_of3A] : memref<100000x512xf32, #tpu.memory_space<hbm>> -> memref<80x256xf32, #tpu.memory_space<hbm>>
      tpu.wait_dma2 semaphore(%arg14 : memref<!tpu.dma_semaphore, #tpu.memory_space<semaphore_mem>>) src(%dma_wait3A_180 : memref<80x256xf32, #tpu.memory_space<hbm>>) dst(%arg6 : memref<80x256xf32, #tpu.memory_space<vmem>>)
      %dma_wait3A_181 = arith.constant 0 : i32
      %dma_wait3A_182 = tpu.memref_slice %arg8[%dma_wait3A_181] : memref<96xi32, #tpu.memory_space<vmem>> -> memref<80xi32, #tpu.memory_space<vmem>>
      %dma_wait3A_183 = tpu.memref_slice %arg3[%mul3A_178] : memref<100000xi32, #tpu.memory_space<hbm>> -> memref<80xi32, #tpu.memory_space<hbm>>
      %dma_wait3A_184 = arith.constant 0 : i32
      %dma_wait3A_185 = tpu.memref_slice %arg8[%dma_wait3A_184] : memref<96xi32, #tpu.memory_space<vmem>> -> memref<80xi32, #tpu.memory_space<vmem>>
      %dma_wait3A_186 = tpu.memref_slice %arg3[%mul3A_178] : memref<100000xi32, #tpu.memory_space<hbm>> -> memref<80xi32, #tpu.memory_space<hbm>>
      tpu.wait_dma2 semaphore(%arg14 : memref<!tpu.dma_semaphore, #tpu.memory_space<semaphore_mem>>) src(%dma_wait3A_186 : memref<80xi32, #tpu.memory_space<hbm>>) dst(%dma_wait3A_185 : memref<80xi32, #tpu.memory_space<vmem>>)
      %parallel_loop3A_187 = arith.constant 0 : i32
      %parallel_loop3A_188 = arith.constant 80 : i32
      %parallel_loop3A_189 = arith.constant 1 : i32
      scf.for %parallel_loop3A_190 = %parallel_loop3A_187 to %parallel_loop3A_188 step %parallel_loop3A_189  : i32 {
        %parallel_loop3A_191 = arith.index_cast %parallel_loop3A_190 : i32 to index
        %parallel_loop3A_192 = tpu.vector_load %arg8[%parallel_loop3A_191] {strides = array<i32>} : memref<96xi32, #tpu.memory_space<vmem>>, vector<16xi32>,
        %parallel_loop3A_193 = vector.shape_cast %parallel_loop3A_192 : vector<16xi32> to vector<16xi32>
        %parallel_loop3A_194 = vector.extract_strided_slice %parallel_loop3A_193 {offsets = [0], sizes = [1], strides = [1]} : vector<16xi32> to vector<1xi32>
        %parallel_loop3A_195 = vector.extract %parallel_loop3A_194[0] : i32 from vector<1xi32>
        %parallel_loop3A_196 = arith.constant 256 : i32
        %parallel_loop3A_197 = arith.muli %parallel_loop3A_195, %parallel_loop3A_196 : i32
        %parallel_loop3A_198 = arith.constant 0 : i32
        %parallel_loop3A_199 = arith.addi %parallel_loop3A_197, %parallel_loop3A_198 : i32
        %parallel_loop3A_200 = arith.index_cast %parallel_loop3A_190 : i32 to index
        %parallel_loop3A_201 = arith.constant 0 : index
        %parallel_loop3A_202 = tpu.vector_load %arg6[%parallel_loop3A_200, %parallel_loop3A_201] {strides = array<i32>} : memref<80x256xf32, #tpu.memory_space<vmem>>, vector<1x16xf32>,
        %parallel_loop3A_203 = vector.shape_cast %parallel_loop3A_202 : vector<1x16xf32> to vector<16xf32>
        %parallel_loop3A_204 = arith.index_cast %parallel_loop3A_199 : i32 to index
        %parallel_loop3A_205 = tpu.vector_load %arg9[%parallel_loop3A_204] {strides = array<i32>} : memref<65536xf32, #tpu.memory_space<vmem>>, vector<16xf32>,
        %parallel_loop3A_206 = vector.shape_cast %parallel_loop3A_205 : vector<16xf32> to vector<16xf32>
        %parallel_loop3A_207 = vector.shape_cast %parallel_loop3A_203 : vector<16xf32> to vector<16xf32>
        tpu.vector_store %arg9[%parallel_loop3A_204], %parallel_loop3A_207 {add = true, strides = array<i32>} : memref<65536xf32, #tpu.memory_space<vmem>>, vector<16xf32>,
        %parallel_loop3A_208 = arith.constant 256 : i32
        %parallel_loop3A_209 = arith.muli %parallel_loop3A_195, %parallel_loop3A_208 : i32
        %parallel_loop3A_210 = arith.constant 16 : i32
        %parallel_loop3A_211 = arith.addi %parallel_loop3A_209, %parallel_loop3A_210 : i32
        %parallel_loop3A_212 = arith.index_cast %parallel_loop3A_190 : i32 to index
        %parallel_loop3A_213 = arith.constant 16 : index
        %parallel_loop3A_214 = tpu.vector_load %arg6[%parallel_loop3A_212, %parallel_loop3A_213] {strides = array<i32>} : memref<80x256xf32, #tpu.memory_space<vmem>>, vector<1x16xf32>,
        %parallel_loop3A_215 = vector.shape_cast %parallel_loop3A_214 : vector<1x16xf32> to vector<16xf32>
        %parallel_loop3A_216 = arith.index_cast %parallel_loop3A_211 : i32 to index
        %parallel_loop3A_217 = tpu.vector_load %arg9[%parallel_loop3A_216] {strides = array<i32>} : memref<65536xf32, #tpu.memory_space<vmem>>, vector<16xf32>,
        %parallel_loop3A_218 = vector.shape_cast %parallel_loop3A_217 : vector<16xf32> to vector<16xf32>
        %parallel_loop3A_219 = vector.shape_cast %parallel_loop3A_215 : vector<16xf32> to vector<16xf32>
        tpu.vector_store %arg9[%parallel_loop3A_216], %parallel_loop3A_219 {add = true, strides = array<i32>} : memref<65536xf32, #tpu.memory_space<vmem>>, vector<16xf32>,
        %parallel_loop3A_220 = arith.constant 256 : i32
        %parallel_loop3A_221 = arith.muli %parallel_loop3A_195, %parallel_loop3A_220 : i32
        %parallel_loop3A_222 = arith.constant 32 : i32
        %parallel_loop3A_223 = arith.addi %parallel_loop3A_221, %parallel_loop3A_222 : i32
        %parallel_loop3A_224 = arith.index_cast %parallel_loop3A_190 : i32 to index
        %parallel_loop3A_225 = arith.constant 32 : index
        %parallel_loop3A_226 = tpu.vector_load %arg6[%parallel_loop3A_224, %parallel_loop3A_225] {strides = array<i32>} : memref<80x256xf32, #tpu.memory_space<vmem>>, vector<1x16xf32>,
        %parallel_loop3A_227 = vector.shape_cast %parallel_loop3A_226 : vector<1x16xf32> to vector<16xf32>
        %parallel_loop3A_228 = arith.index_cast %parallel_loop3A_223 : i32 to index
        %parallel_loop3A_229 = tpu.vector_load %arg9[%parallel_loop3A_228] {strides = array<i32>} : memref<65536xf32, #tpu.memory_space<vmem>>, vector<16xf32>,
        %parallel_loop3A_230 = vector.shape_cast %parallel_loop3A_229 : vector<16xf32> to vector<16xf32>
        %parallel_loop3A_231 = vector.shape_cast %parallel_loop3A_227 : vector<16xf32> to vector<16xf32>
        tpu.vector_store %arg9[%parallel_loop3A_228], %parallel_loop3A_231 {add = true, strides = array<i32>} : memref<65536xf32, #tpu.memory_space<vmem>>, vector<16xf32>,
        %parallel_loop3A_232 = arith.constant 256 : i32
        %parallel_loop3A_233 = arith.muli %parallel_loop3A_195, %parallel_loop3A_232 : i32
        %parallel_loop3A_234 = arith.constant 48 : i32
        %parallel_loop3A_235 = arith.addi %parallel_loop3A_233, %parallel_loop3A_234 : i32
        %parallel_loop3A_236 = arith.index_cast %parallel_loop3A_190 : i32 to index
        %parallel_loop3A_237 = arith.constant 48 : index
        %parallel_loop3A_238 = tpu.vector_load %arg6[%parallel_loop3A_236, %parallel_loop3A_237] {strides = array<i32>} : memref<80x256xf32, #tpu.memory_space<vmem>>, vector<1x16xf32>,
        %parallel_loop3A_239 = vector.shape_cast %parallel_loop3A_238 : vector<1x16xf32> to vector<16xf32>
        %parallel_loop3A_240 = arith.index_cast %parallel_loop3A_235 : i32 to index
        %parallel_loop3A_241 = tpu.vector_load %arg9[%parallel_loop3A_240] {strides = array<i32>} : memref<65536xf32, #tpu.memory_space<vmem>>, vector<16xf32>,
        %parallel_loop3A_242 = vector.shape_cast %parallel_loop3A_241 : vector<16xf32> to vector<16xf32>
        %parallel_loop3A_243 = vector.shape_cast %parallel_loop3A_239 : vector<16xf32> to vector<16xf32>
        tpu.vector_store %arg9[%parallel_loop3A_240], %parallel_loop3A_243 {add = true, strides = array<i32>} : memref<65536xf32, #tpu.memory_space<vmem>>, vector<16xf32>,
        %parallel_loop3A_244 = arith.constant 256 : i32
        %parallel_loop3A_245 = arith.muli %parallel_loop3A_195, %parallel_loop3A_244 : i32
        %parallel_loop3A_246 = arith.constant 64 : i32
        %parallel_loop3A_247 = arith.addi %parallel_loop3A_245, %parallel_loop3A_246 : i32
        %parallel_loop3A_248 = arith.index_cast %parallel_loop3A_190 : i32 to index
        %parallel_loop3A_249 = arith.constant 64 : index
        %parallel_loop3A_250 = tpu.vector_load %arg6[%parallel_loop3A_248, %parallel_loop3A_249] {strides = array<i32>} : memref<80x256xf32, #tpu.memory_space<vmem>>, vector<1x16xf32>,
        %parallel_loop3A_251 = vector.shape_cast %parallel_loop3A_250 : vector<1x16xf32> to vector<16xf32>
        %parallel_loop3A_252 = arith.index_cast %parallel_loop3A_247 : i32 to index
        %parallel_loop3A_253 = tpu.vector_load %arg9[%parallel_loop3A_252] {strides = array<i32>} : memref<65536xf32, #tpu.memory_space<vmem>>, vector<16xf32>,
        %parallel_loop3A_254 = vector.shape_cast %parallel_loop3A_253 : vector<16xf32> to vector<16xf32>
        %parallel_loop3A_255 = vector.shape_cast %parallel_loop3A_251 : vector<16xf32> to vector<16xf32>
        tpu.vector_store %arg9[%parallel_loop3A_252], %parallel_loop3A_255 {add = true, strides = array<i32>} : memref<65536xf32, #tpu.memory_space<vmem>>, vector<16xf32>,
        %parallel_loop3A_256 = arith.constant 256 : i32
        %parallel_loop3A_257 = arith.muli %parallel_loop3A_195, %parallel_loop3A_256 : i32
        %parallel_loop3A_258 = arith.constant 80 : i32
        %parallel_loop3A_259 = arith.addi %parallel_loop3A_257, %parallel_loop3A_258 : i32
        %parallel_loop3A_260 = arith.index_cast %parallel_loop3A_190 : i32 to index
        %parallel_loop3A_261 = arith.constant 80 : index
        %parallel_loop3A_262 = tpu.vector_load %arg6[%parallel_loop3A_260, %parallel_loop3A_261] {strides = array<i32>} : memref<80x256xf32, #tpu.memory_space<vmem>>, vector<1x16xf32>,
        %parallel_loop3A_263 = vector.shape_cast %parallel_loop3A_262 : vector<1x16xf32> to vector<16xf32>
        %parallel_loop3A_264 = arith.index_cast %parallel_loop3A_259 : i32 to index
        %parallel_loop3A_265 = tpu.vector_load %arg9[%parallel_loop3A_264] {strides = array<i32>} : memref<65536xf32, #tpu.memory_space<vmem>>, vector<16xf32>,
        %parallel_loop3A_266 = vector.shape_cast %parallel_loop3A_265 : vector<16xf32> to vector<16xf32>
        %parallel_loop3A_267 = vector.shape_cast %parallel_loop3A_263 : vector<16xf32> to vector<16xf32>
        tpu.vector_store %arg9[%parallel_loop3A_264], %parallel_loop3A_267 {add = true, strides = array<i32>} : memref<65536xf32, #tpu.memory_space<vmem>>, vector<16xf32>,
        %parallel_loop3A_268 = arith.constant 256 : i32
        %parallel_loop3A_269 = arith.muli %parallel_loop3A_195, %parallel_loop3A_268 : i32
        %parallel_loop3A_270 = arith.constant 96 : i32
        %parallel_loop3A_271 = arith.addi %parallel_loop3A_269, %parallel_loop3A_270 : i32
        %parallel_loop3A_272 = arith.index_cast %parallel_loop3A_190 : i32 to index
        %parallel_loop3A_273 = arith.constant 96 : index
        %parallel_loop3A_274 = tpu.vector_load %arg6[%parallel_loop3A_272, %parallel_loop3A_273] {strides = array<i32>} : memref<80x256xf32, #tpu.memory_space<vmem>>, vector<1x16xf32>,
        %parallel_loop3A_275 = vector.shape_cast %parallel_loop3A_274 : vector<1x16xf32> to vector<16xf32>
        %parallel_loop3A_276 = arith.index_cast %parallel_loop3A_271 : i32 to index
        %parallel_loop3A_277 = tpu.vector_load %arg9[%parallel_loop3A_276] {strides = array<i32>} : memref<65536xf32, #tpu.memory_space<vmem>>, vector<16xf32>,
        %parallel_loop3A_278 = vector.shape_cast %parallel_loop3A_277 : vector<16xf32> to vector<16xf32>
        %parallel_loop3A_279 = vector.shape_cast %parallel_loop3A_275 : vector<16xf32> to vector<16xf32>
        tpu.vector_store %arg9[%parallel_loop3A_276], %parallel_loop3A_279 {add = true, strides = array<i32>} : memref<65536xf32, #tpu.memory_space<vmem>>, vector<16xf32>,
        %parallel_loop3A_280 = arith.constant 256 : i32
        %parallel_loop3A_281 = arith.muli %parallel_loop3A_195, %parallel_loop3A_280 : i32
        %parallel_loop3A_282 = arith.constant 112 : i32
        %parallel_loop3A_283 = arith.addi %parallel_loop3A_281, %parallel_loop3A_282 : i32
        %parallel_loop3A_284 = arith.index_cast %parallel_loop3A_190 : i32 to index
        %parallel_loop3A_285 = arith.constant 112 : index
        %parallel_loop3A_286 = tpu.vector_load %arg6[%parallel_loop3A_284, %parallel_loop3A_285] {strides = array<i32>} : memref<80x256xf32, #tpu.memory_space<vmem>>, vector<1x16xf32>,
        %parallel_loop3A_287 = vector.shape_cast %parallel_loop3A_286 : vector<1x16xf32> to vector<16xf32>
        %parallel_loop3A_288 = arith.index_cast %parallel_loop3A_283 : i32 to index
        %parallel_loop3A_289 = tpu.vector_load %arg9[%parallel_loop3A_288] {strides = array<i32>} : memref<65536xf32, #tpu.memory_space<vmem>>, vector<16xf32>,
        %parallel_loop3A_290 = vector.shape_cast %parallel_loop3A_289 : vector<16xf32> to vector<16xf32>
        %parallel_loop3A_291 = vector.shape_cast %parallel_loop3A_287 : vector<16xf32> to vector<16xf32>
        tpu.vector_store %arg9[%parallel_loop3A_288], %parallel_loop3A_291 {add = true, strides = array<i32>} : memref<65536xf32, #tpu.memory_space<vmem>>, vector<16xf32>,
        %parallel_loop3A_292 = arith.constant 256 : i32
        %parallel_loop3A_293 = arith.muli %parallel_loop3A_195, %parallel_loop3A_292 : i32
        %parallel_loop3A_294 = arith.constant 128 : i32
        %parallel_loop3A_295 = arith.addi %parallel_loop3A_293, %parallel_loop3A_294 : i32
        %parallel_loop3A_296 = arith.index_cast %parallel_loop3A_190 : i32 to index
        %parallel_loop3A_297 = arith.constant 128 : index
        %parallel_loop3A_298 = tpu.vector_load %arg6[%parallel_loop3A_296, %parallel_loop3A_297] {strides = array<i32>} : memref<80x256xf32, #tpu.memory_space<vmem>>, vector<1x16xf32>,
        %parallel_loop3A_299 = vector.shape_cast %parallel_loop3A_298 : vector<1x16xf32> to vector<16xf32>
        %parallel_loop3A_300 = arith.index_cast %parallel_loop3A_295 : i32 to index
        %parallel_loop3A_301 = tpu.vector_load %arg9[%parallel_loop3A_300] {strides = array<i32>} : memref<65536xf32, #tpu.memory_space<vmem>>, vector<16xf32>,
        %parallel_loop3A_302 = vector.shape_cast %parallel_loop3A_301 : vector<16xf32> to vector<16xf32>
        %parallel_loop3A_303 = vector.shape_cast %parallel_loop3A_299 : vector<16xf32> to vector<16xf32>
        tpu.vector_store %arg9[%parallel_loop3A_300], %parallel_loop3A_303 {add = true, strides = array<i32>} : memref<65536xf32, #tpu.memory_space<vmem>>, vector<16xf32>,
        %parallel_loop3A_304 = arith.constant 256 : i32
        %parallel_loop3A_305 = arith.muli %parallel_loop3A_195, %parallel_loop3A_304 : i32
        %parallel_loop3A_306 = arith.constant 144 : i32
        %parallel_loop3A_307 = arith.addi %parallel_loop3A_305, %parallel_loop3A_306 : i32
        %parallel_loop3A_308 = arith.index_cast %parallel_loop3A_190 : i32 to index
        %parallel_loop3A_309 = arith.constant 144 : index
        %parallel_loop3A_310 = tpu.vector_load %arg6[%parallel_loop3A_308, %parallel_loop3A_309] {strides = array<i32>} : memref<80x256xf32, #tpu.memory_space<vmem>>, vector<1x16xf32>,
        %parallel_loop3A_311 = vector.shape_cast %parallel_loop3A_310 : vector<1x16xf32> to vector<16xf32>
        %parallel_loop3A_312 = arith.index_cast %parallel_loop3A_307 : i32 to index
        %parallel_loop3A_313 = tpu.vector_load %arg9[%parallel_loop3A_312] {strides = array<i32>} : memref<65536xf32, #tpu.memory_space<vmem>>, vector<16xf32>,
        %parallel_loop3A_314 = vector.shape_cast %parallel_loop3A_313 : vector<16xf32> to vector<16xf32>
        %parallel_loop3A_315 = vector.shape_cast %parallel_loop3A_311 : vector<16xf32> to vector<16xf32>
        tpu.vector_store %arg9[%parallel_loop3A_312], %parallel_loop3A_315 {add = true, strides = array<i32>} : memref<65536xf32, #tpu.memory_space<vmem>>, vector<16xf32>,
        %parallel_loop3A_316 = arith.constant 256 : i32
        %parallel_loop3A_317 = arith.muli %parallel_loop3A_195, %parallel_loop3A_316 : i32
        %parallel_loop3A_318 = arith.constant 160 : i32
        %parallel_loop3A_319 = arith.addi %parallel_loop3A_317, %parallel_loop3A_318 : i32
        %parallel_loop3A_320 = arith.index_cast %parallel_loop3A_190 : i32 to index
        %parallel_loop3A_321 = arith.constant 160 : index
        %parallel_loop3A_322 = tpu.vector_load %arg6[%parallel_loop3A_320, %parallel_loop3A_321] {strides = array<i32>} : memref<80x256xf32, #tpu.memory_space<vmem>>, vector<1x16xf32>,
        %parallel_loop3A_323 = vector.shape_cast %parallel_loop3A_322 : vector<1x16xf32> to vector<16xf32>
        %parallel_loop3A_324 = arith.index_cast %parallel_loop3A_319 : i32 to index
        %parallel_loop3A_325 = tpu.vector_load %arg9[%parallel_loop3A_324] {strides = array<i32>} : memref<65536xf32, #tpu.memory_space<vmem>>, vector<16xf32>,
        %parallel_loop3A_326 = vector.shape_cast %parallel_loop3A_325 : vector<16xf32> to vector<16xf32>
        %parallel_loop3A_327 = vector.shape_cast %parallel_loop3A_323 : vector<16xf32> to vector<16xf32>
        tpu.vector_store %arg9[%parallel_loop3A_324], %parallel_loop3A_327 {add = true, strides = array<i32>} : memref<65536xf32, #tpu.memory_space<vmem>>, vector<16xf32>,
        %parallel_loop3A_328 = arith.constant 256 : i32
        %parallel_loop3A_329 = arith.muli %parallel_loop3A_195, %parallel_loop3A_328 : i32
        %parallel_loop3A_330 = arith.constant 176 : i32
        %parallel_loop3A_331 = arith.addi %parallel_loop3A_329, %parallel_loop3A_330 : i32
        %parallel_loop3A_332 = arith.index_cast %parallel_loop3A_190 : i32 to index
        %parallel_loop3A_333 = arith.constant 176 : index
        %parallel_loop3A_334 = tpu.vector_load %arg6[%parallel_loop3A_332, %parallel_loop3A_333] {strides = array<i32>} : memref<80x256xf32, #tpu.memory_space<vmem>>, vector<1x16xf32>,
        %parallel_loop3A_335 = vector.shape_cast %parallel_loop3A_334 : vector<1x16xf32> to vector<16xf32>
        %parallel_loop3A_336 = arith.index_cast %parallel_loop3A_331 : i32 to index
        %parallel_loop3A_337 = tpu.vector_load %arg9[%parallel_loop3A_336] {strides = array<i32>} : memref<65536xf32, #tpu.memory_space<vmem>>, vector<16xf32>,
        %parallel_loop3A_338 = vector.shape_cast %parallel_loop3A_337 : vector<16xf32> to vector<16xf32>
        %parallel_loop3A_339 = vector.shape_cast %parallel_loop3A_335 : vector<16xf32> to vector<16xf32>
        tpu.vector_store %arg9[%parallel_loop3A_336], %parallel_loop3A_339 {add = true, strides = array<i32>} : memref<65536xf32, #tpu.memory_space<vmem>>, vector<16xf32>,
        %parallel_loop3A_340 = arith.constant 256 : i32
        %parallel_loop3A_341 = arith.muli %parallel_loop3A_195, %parallel_loop3A_340 : i32
        %parallel_loop3A_342 = arith.constant 192 : i32
        %parallel_loop3A_343 = arith.addi %parallel_loop3A_341, %parallel_loop3A_342 : i32
        %parallel_loop3A_344 = arith.index_cast %parallel_loop3A_190 : i32 to index
        %parallel_loop3A_345 = arith.constant 192 : index
        %parallel_loop3A_346 = tpu.vector_load %arg6[%parallel_loop3A_344, %parallel_loop3A_345] {strides = array<i32>} : memref<80x256xf32, #tpu.memory_space<vmem>>, vector<1x16xf32>,
        %parallel_loop3A_347 = vector.shape_cast %parallel_loop3A_346 : vector<1x16xf32> to vector<16xf32>
        %parallel_loop3A_348 = arith.index_cast %parallel_loop3A_343 : i32 to index
        %parallel_loop3A_349 = tpu.vector_load %arg9[%parallel_loop3A_348] {strides = array<i32>} : memref<65536xf32, #tpu.memory_space<vmem>>, vector<16xf32>,
        %parallel_loop3A_350 = vector.shape_cast %parallel_loop3A_349 : vector<16xf32> to vector<16xf32>
        %parallel_loop3A_351 = vector.shape_cast %parallel_loop3A_347 : vector<16xf32> to vector<16xf32>
        tpu.vector_store %arg9[%parallel_loop3A_348], %parallel_loop3A_351 {add = true, strides = array<i32>} : memref<65536xf32, #tpu.memory_space<vmem>>, vector<16xf32>,
        %parallel_loop3A_352 = arith.constant 256 : i32
        %parallel_loop3A_353 = arith.muli %parallel_loop3A_195, %parallel_loop3A_352 : i32
        %parallel_loop3A_354 = arith.constant 208 : i32
        %parallel_loop3A_355 = arith.addi %parallel_loop3A_353, %parallel_loop3A_354 : i32
        %parallel_loop3A_356 = arith.index_cast %parallel_loop3A_190 : i32 to index
        %parallel_loop3A_357 = arith.constant 208 : index
        %parallel_loop3A_358 = tpu.vector_load %arg6[%parallel_loop3A_356, %parallel_loop3A_357] {strides = array<i32>} : memref<80x256xf32, #tpu.memory_space<vmem>>, vector<1x16xf32>,
        %parallel_loop3A_359 = vector.shape_cast %parallel_loop3A_358 : vector<1x16xf32> to vector<16xf32>
        %parallel_loop3A_360 = arith.index_cast %parallel_loop3A_355 : i32 to index
        %parallel_loop3A_361 = tpu.vector_load %arg9[%parallel_loop3A_360] {strides = array<i32>} : memref<65536xf32, #tpu.memory_space<vmem>>, vector<16xf32>,
        %parallel_loop3A_362 = vector.shape_cast %parallel_loop3A_361 : vector<16xf32> to vector<16xf32>
        %parallel_loop3A_363 = vector.shape_cast %parallel_loop3A_359 : vector<16xf32> to vector<16xf32>
        tpu.vector_store %arg9[%parallel_loop3A_360], %parallel_loop3A_363 {add = true, strides = array<i32>} : memref<65536xf32, #tpu.memory_space<vmem>>, vector<16xf32>,
        %parallel_loop3A_364 = arith.constant 256 : i32
        %parallel_loop3A_365 = arith.muli %parallel_loop3A_195, %parallel_loop3A_364 : i32
        %parallel_loop3A_366 = arith.constant 224 : i32
        %parallel_loop3A_367 = arith.addi %parallel_loop3A_365, %parallel_loop3A_366 : i32
        %parallel_loop3A_368 = arith.index_cast %parallel_loop3A_190 : i32 to index
        %parallel_loop3A_369 = arith.constant 224 : index
        %parallel_loop3A_370 = tpu.vector_load %arg6[%parallel_loop3A_368, %parallel_loop3A_369] {strides = array<i32>} : memref<80x256xf32, #tpu.memory_space<vmem>>, vector<1x16xf32>,
        %parallel_loop3A_371 = vector.shape_cast %parallel_loop3A_370 : vector<1x16xf32> to vector<16xf32>
        %parallel_loop3A_372 = arith.index_cast %parallel_loop3A_367 : i32 to index
        %parallel_loop3A_373 = tpu.vector_load %arg9[%parallel_loop3A_372] {strides = array<i32>} : memref<65536xf32, #tpu.memory_space<vmem>>, vector<16xf32>,
        %parallel_loop3A_374 = vector.shape_cast %parallel_loop3A_373 : vector<16xf32> to vector<16xf32>
        %parallel_loop3A_375 = vector.shape_cast %parallel_loop3A_371 : vector<16xf32> to vector<16xf32>
        tpu.vector_store %arg9[%parallel_loop3A_372], %parallel_loop3A_375 {add = true, strides = array<i32>} : memref<65536xf32, #tpu.memory_space<vmem>>, vector<16xf32>,
        %parallel_loop3A_376 = arith.constant 256 : i32
        %parallel_loop3A_377 = arith.muli %parallel_loop3A_195, %parallel_loop3A_376 : i32
        %parallel_loop3A_378 = arith.constant 240 : i32
        %parallel_loop3A_379 = arith.addi %parallel_loop3A_377, %parallel_loop3A_378 : i32
        %parallel_loop3A_380 = arith.index_cast %parallel_loop3A_190 : i32 to index
        %parallel_loop3A_381 = arith.constant 240 : index
        %parallel_loop3A_382 = tpu.vector_load %arg6[%parallel_loop3A_380, %parallel_loop3A_381] {strides = array<i32>} : memref<80x256xf32, #tpu.memory_space<vmem>>, vector<1x16xf32>,
        %parallel_loop3A_383 = vector.shape_cast %parallel_loop3A_382 : vector<1x16xf32> to vector<16xf32>
        %parallel_loop3A_384 = arith.index_cast %parallel_loop3A_379 : i32 to index
        %parallel_loop3A_385 = tpu.vector_load %arg9[%parallel_loop3A_384] {strides = array<i32>} : memref<65536xf32, #tpu.memory_space<vmem>>, vector<16xf32>,
        %parallel_loop3A_386 = vector.shape_cast %parallel_loop3A_385 : vector<16xf32> to vector<16xf32>
        %parallel_loop3A_387 = vector.shape_cast %parallel_loop3A_383 : vector<16xf32> to vector<16xf32>
        tpu.vector_store %arg9[%parallel_loop3A_384], %parallel_loop3A_387 {add = true, strides = array<i32>} : memref<65536xf32, #tpu.memory_space<vmem>>, vector<16xf32>,
      } {sc.loop_unroll_factor = 2 : i64, sc.parallel_access}
    }
    %while3A_74 = arith.constant 1 : i32
    scf.for %while3A_135 = %while3A_72 to %while3A_68 step %while3A_74  : i32 {
      %mul3A_136 = arith.constant 2 : i32
      %mul3A_137 = arith.muli %mul3A_136, %while3A_135 : i32
      %add3A_138 = arith.constant 1 : i32
      %add3A_139 = arith.addi %mul3A_137, %add3A_138 : i32
      %mul3A_140 = arith.constant 16 : i32
      %mul3A_141 = arith.muli %add3A_139, %mul3A_140 : i32
      %add3A_142 = arith.addi %arg1, %mul3A_141 : i32
      %mul3A_143 = arith.constant 80 : i32
      %mul3A_144 = arith.muli %add3A_142, %mul3A_143 : i32
      %dma_start3A_145 = tpu.memref_slice %arg2[%mul3A_144, %multiple_of3A] : memref<100000x512xf32, #tpu.memory_space<hbm>> -> memref<80x256xf32, #tpu.memory_space<hbm>>
      %dma_start3A_146 = tpu.memref_slice %arg2[%mul3A_144, %multiple_of3A] : memref<100000x512xf32, #tpu.memory_space<hbm>> -> memref<80x256xf32, #tpu.memory_space<hbm>>
      tpu.enqueue_dma source(%dma_start3A_146 : memref<80x256xf32, #tpu.memory_space<hbm>>) target(%arg6 : memref<80x256xf32, #tpu.memory_space<vmem>>) target_semaphore(%arg14 : memref<!tpu.dma_semaphore, #tpu.memory_space<semaphore_mem>>)
      %dma_start3A_147 = arith.constant 0 : i32
      %dma_start3A_148 = tpu.memref_slice %arg8[%dma_start3A_147] : memref<96xi32, #tpu.memory_space<vmem>> -> memref<80xi32, #tpu.memory_space<vmem>>
      %dma_start3A_149 = tpu.memref_slice %arg3[%mul3A_144] : memref<100000xi32, #tpu.memory_space<hbm>> -> memref<80xi32, #tpu.memory_space<hbm>>
      %dma_start3A_150 = arith.constant 0 : i32
      %dma_start3A_151 = tpu.memref_slice %arg8[%dma_start3A_150] : memref<96xi32, #tpu.memory_space<vmem>> -> memref<80xi32, #tpu.memory_space<vmem>>
      %dma_start3A_152 = tpu.memref_slice %arg3[%mul3A_144] : memref<100000xi32, #tpu.memory_space<hbm>> -> memref<80xi32, #tpu.memory_space<hbm>>
      tpu.enqueue_dma source(%dma_start3A_152 : memref<80xi32, #tpu.memory_space<hbm>>) target(%dma_start3A_151 : memref<80xi32, #tpu.memory_space<vmem>>) target_semaphore(%arg14 : memref<!tpu.dma_semaphore, #tpu.memory_space<semaphore_mem>>)
      %mul3A_153 = arith.constant 2 : i32
      %mul3A_154 = arith.muli %mul3A_153, %while3A_135 : i32
      %mul3A_155 = arith.constant 16 : i32
      %mul3A_156 = arith.muli %mul3A_154, %mul3A_155 : i32
      %add3A_157 = arith.addi %arg1, %mul3A_156 : i32
      %mul3A_158 = arith.constant 80 : i32
      %mul3A_159 = arith.muli %add3A_157, %mul3A_158 : i32
      %dma_wait3A = tpu.memref_slice %arg2[%mul3A_159, %multiple_of3A] : memref<100000x512xf32, #tpu.memory_space<hbm>> -> memref<80x256xf32, #tpu.memory_space<hbm>>
      %dma_wait3A_160 = tpu.memref_slice %arg2[%mul3A_159, %multiple_of3A] : memref<100000x512xf32, #tpu.memory_space<hbm>> -> memref<80x256xf32, #tpu.memory_space<hbm>>
      tpu.wait_dma2 semaphore(%arg13 : memref<!tpu.dma_semaphore, #tpu.memory_space<semaphore_mem>>) src(%dma_wait3A_160 : memref<80x256xf32, #tpu.memory_space<hbm>>) dst(%arg5 : memref<80x256xf32, #tpu.memory_space<vmem>>)
      %dma_wait3A_161 = arith.constant 0 : i32
      %dma_wait3A_162 = tpu.memref_slice %arg7[%dma_wait3A_161] : memref<96xi32, #tpu.memory_space<vmem>> -> memref<80xi32, #tpu.memory_space<vmem>>
      %dma_wait3A_163 = tpu.memref_slice %arg3[%mul3A_159] : memref<100000xi32, #tpu.memory_space<hbm>> -> memref<80xi32, #tpu.memory_space<hbm>>
      %dma_wait3A_164 = arith.constant 0 : i32
      %dma_wait3A_165 = tpu.memref_slice %arg7[%dma_wait3A_164] : memref<96xi32, #tpu.memory_space<vmem>> -> memref<80xi32, #tpu.memory_space<vmem>>
      %dma_wait3A_166 = tpu.memref_slice %arg3[%mul3A_159] : memref<100000xi32, #tpu.memory_space<hbm>> -> memref<80xi32, #tpu.memory_space<hbm>>
      tpu.wait_dma2 semaphore(%arg13 : memref<!tpu.dma_semaphore, #tpu.memory_space<semaphore_mem>>) src(%dma_wait3A_166 : memref<80xi32, #tpu.memory_space<hbm>>) dst(%dma_wait3A_165 : memref<80xi32, #tpu.memory_space<vmem>>)
      %parallel_loop3A = arith.constant 0 : i32
      %parallel_loop3A_167 = arith.constant 80 : i32
      %parallel_loop3A_168 = arith.constant 1 : i32
      scf.for %parallel_loop3A_190 = %parallel_loop3A to %parallel_loop3A_167 step %parallel_loop3A_168  : i32 {
        %parallel_loop3A_191 = arith.index_cast %parallel_loop3A_190 : i32 to index
        %parallel_loop3A_192 = tpu.vector_load %arg7[%parallel_loop3A_191] {strides = array<i32>} : memref<96xi32, #tpu.memory_space<vmem>>, vector<16xi32>,
        %parallel_loop3A_193 = vector.shape_cast %parallel_loop3A_192 : vector<16xi32> to vector<16xi32>
        %parallel_loop3A_194 = vector.extract_strided_slice %parallel_loop3A_193 {offsets = [0], sizes = [1], strides = [1]} : vector<16xi32> to vector<1xi32>
        %parallel_loop3A_195 = vector.extract %parallel_loop3A_194[0] : i32 from vector<1xi32>
        %parallel_loop3A_196 = arith.constant 256 : i32
        %parallel_loop3A_197 = arith.muli %parallel_loop3A_195, %parallel_loop3A_196 : i32
        %parallel_loop3A_198 = arith.constant 0 : i32
        %parallel_loop3A_199 = arith.addi %parallel_loop3A_197, %parallel_loop3A_198 : i32
        %parallel_loop3A_200 = arith.index_cast %parallel_loop3A_190 : i32 to index
        %parallel_loop3A_201 = arith.constant 0 : index
        %parallel_loop3A_202 = tpu.vector_load %arg5[%parallel_loop3A_200, %parallel_loop3A_201] {strides = array<i32>} : memref<80x256xf32, #tpu.memory_space<vmem>>, vector<1x16xf32>,
        %parallel_loop3A_203 = vector.shape_cast %parallel_loop3A_202 : vector<1x16xf32> to vector<16xf32>
        %parallel_loop3A_204 = arith.index_cast %parallel_loop3A_199 : i32 to index
        %parallel_loop3A_205 = tpu.vector_load %arg9[%parallel_loop3A_204] {strides = array<i32>} : memref<65536xf32, #tpu.memory_space<vmem>>, vector<16xf32>,
        %parallel_loop3A_206 = vector.shape_cast %parallel_loop3A_205 : vector<16xf32> to vector<16xf32>
        %parallel_loop3A_207 = vector.shape_cast %parallel_loop3A_203 : vector<16xf32> to vector<16xf32>
        tpu.vector_store %arg9[%parallel_loop3A_204], %parallel_loop3A_207 {add = true, strides = array<i32>} : memref<65536xf32, #tpu.memory_space<vmem>>, vector<16xf32>,
        %parallel_loop3A_208 = arith.constant 256 : i32
        %parallel_loop3A_209 = arith.muli %parallel_loop3A_195, %parallel_loop3A_208 : i32
        %parallel_loop3A_210 = arith.constant 16 : i32
        %parallel_loop3A_211 = arith.addi %parallel_loop3A_209, %parallel_loop3A_210 : i32
        %parallel_loop3A_212 = arith.index_cast %parallel_loop3A_190 : i32 to index
        %parallel_loop3A_213 = arith.constant 16 : index
        %parallel_loop3A_214 = tpu.vector_load %arg5[%parallel_loop3A_212, %parallel_loop3A_213] {strides = array<i32>} : memref<80x256xf32, #tpu.memory_space<vmem>>, vector<1x16xf32>,
        %parallel_loop3A_215 = vector.shape_cast %parallel_loop3A_214 : vector<1x16xf32> to vector<16xf32>
        %parallel_loop3A_216 = arith.index_cast %parallel_loop3A_211 : i32 to index
        %parallel_loop3A_217 = tpu.vector_load %arg9[%parallel_loop3A_216] {strides = array<i32>} : memref<65536xf32, #tpu.memory_space<vmem>>, vector<16xf32>,
        %parallel_loop3A_218 = vector.shape_cast %parallel_loop3A_217 : vector<16xf32> to vector<16xf32>
        %parallel_loop3A_219 = vector.shape_cast %parallel_loop3A_215 : vector<16xf32> to vector<16xf32>
        tpu.vector_store %arg9[%parallel_loop3A_216], %parallel_loop3A_219 {add = true, strides = array<i32>} : memref<65536xf32, #tpu.memory_space<vmem>>, vector<16xf32>,
        %parallel_loop3A_220 = arith.constant 256 : i32
        %parallel_loop3A_221 = arith.muli %parallel_loop3A_195, %parallel_loop3A_220 : i32
        %parallel_loop3A_222 = arith.constant 32 : i32
        %parallel_loop3A_223 = arith.addi %parallel_loop3A_221, %parallel_loop3A_222 : i32
        %parallel_loop3A_224 = arith.index_cast %parallel_loop3A_190 : i32 to index
        %parallel_loop3A_225 = arith.constant 32 : index
        %parallel_loop3A_226 = tpu.vector_load %arg5[%parallel_loop3A_224, %parallel_loop3A_225] {strides = array<i32>} : memref<80x256xf32, #tpu.memory_space<vmem>>, vector<1x16xf32>,
        %parallel_loop3A_227 = vector.shape_cast %parallel_loop3A_226 : vector<1x16xf32> to vector<16xf32>
        %parallel_loop3A_228 = arith.index_cast %parallel_loop3A_223 : i32 to index
        %parallel_loop3A_229 = tpu.vector_load %arg9[%parallel_loop3A_228] {strides = array<i32>} : memref<65536xf32, #tpu.memory_space<vmem>>, vector<16xf32>,
        %parallel_loop3A_230 = vector.shape_cast %parallel_loop3A_229 : vector<16xf32> to vector<16xf32>
        %parallel_loop3A_231 = vector.shape_cast %parallel_loop3A_227 : vector<16xf32> to vector<16xf32>
        tpu.vector_store %arg9[%parallel_loop3A_228], %parallel_loop3A_231 {add = true, strides = array<i32>} : memref<65536xf32, #tpu.memory_space<vmem>>, vector<16xf32>,
        %parallel_loop3A_232 = arith.constant 256 : i32
        %parallel_loop3A_233 = arith.muli %parallel_loop3A_195, %parallel_loop3A_232 : i32
        %parallel_loop3A_234 = arith.constant 48 : i32
        %parallel_loop3A_235 = arith.addi %parallel_loop3A_233, %parallel_loop3A_234 : i32
        %parallel_loop3A_236 = arith.index_cast %parallel_loop3A_190 : i32 to index
        %parallel_loop3A_237 = arith.constant 48 : index
        %parallel_loop3A_238 = tpu.vector_load %arg5[%parallel_loop3A_236, %parallel_loop3A_237] {strides = array<i32>} : memref<80x256xf32, #tpu.memory_space<vmem>>, vector<1x16xf32>,
        %parallel_loop3A_239 = vector.shape_cast %parallel_loop3A_238 : vector<1x16xf32> to vector<16xf32>
        %parallel_loop3A_240 = arith.index_cast %parallel_loop3A_235 : i32 to index
        %parallel_loop3A_241 = tpu.vector_load %arg9[%parallel_loop3A_240] {strides = array<i32>} : memref<65536xf32, #tpu.memory_space<vmem>>, vector<16xf32>,
        %parallel_loop3A_242 = vector.shape_cast %parallel_loop3A_241 : vector<16xf32> to vector<16xf32>
        %parallel_loop3A_243 = vector.shape_cast %parallel_loop3A_239 : vector<16xf32> to vector<16xf32>
        tpu.vector_store %arg9[%parallel_loop3A_240], %parallel_loop3A_243 {add = true, strides = array<i32>} : memref<65536xf32, #tpu.memory_space<vmem>>, vector<16xf32>,
        %parallel_loop3A_244 = arith.constant 256 : i32
        %parallel_loop3A_245 = arith.muli %parallel_loop3A_195, %parallel_loop3A_244 : i32
        %parallel_loop3A_246 = arith.constant 64 : i32
        %parallel_loop3A_247 = arith.addi %parallel_loop3A_245, %parallel_loop3A_246 : i32
        %parallel_loop3A_248 = arith.index_cast %parallel_loop3A_190 : i32 to index
        %parallel_loop3A_249 = arith.constant 64 : index
        %parallel_loop3A_250 = tpu.vector_load %arg5[%parallel_loop3A_248, %parallel_loop3A_249] {strides = array<i32>} : memref<80x256xf32, #tpu.memory_space<vmem>>, vector<1x16xf32>,
        %parallel_loop3A_251 = vector.shape_cast %parallel_loop3A_250 : vector<1x16xf32> to vector<16xf32>
        %parallel_loop3A_252 = arith.index_cast %parallel_loop3A_247 : i32 to index
        %parallel_loop3A_253 = tpu.vector_load %arg9[%parallel_loop3A_252] {strides = array<i32>} : memref<65536xf32, #tpu.memory_space<vmem>>, vector<16xf32>,
        %parallel_loop3A_254 = vector.shape_cast %parallel_loop3A_253 : vector<16xf32> to vector<16xf32>
        %parallel_loop3A_255 = vector.shape_cast %parallel_loop3A_251 : vector<16xf32> to vector<16xf32>
        tpu.vector_store %arg9[%parallel_loop3A_252], %parallel_loop3A_255 {add = true, strides = array<i32>} : memref<65536xf32, #tpu.memory_space<vmem>>, vector<16xf32>,
        %parallel_loop3A_256 = arith.constant 256 : i32
        %parallel_loop3A_257 = arith.muli %parallel_loop3A_195, %parallel_loop3A_256 : i32
        %parallel_loop3A_258 = arith.constant 80 : i32
        %parallel_loop3A_259 = arith.addi %parallel_loop3A_257, %parallel_loop3A_258 : i32
        %parallel_loop3A_260 = arith.index_cast %parallel_loop3A_190 : i32 to index
        %parallel_loop3A_261 = arith.constant 80 : index
        %parallel_loop3A_262 = tpu.vector_load %arg5[%parallel_loop3A_260, %parallel_loop3A_261] {strides = array<i32>} : memref<80x256xf32, #tpu.memory_space<vmem>>, vector<1x16xf32>,
        %parallel_loop3A_263 = vector.shape_cast %parallel_loop3A_262 : vector<1x16xf32> to vector<16xf32>
        %parallel_loop3A_264 = arith.index_cast %parallel_loop3A_259 : i32 to index
        %parallel_loop3A_265 = tpu.vector_load %arg9[%parallel_loop3A_264] {strides = array<i32>} : memref<65536xf32, #tpu.memory_space<vmem>>, vector<16xf32>,
        %parallel_loop3A_266 = vector.shape_cast %parallel_loop3A_265 : vector<16xf32> to vector<16xf32>
        %parallel_loop3A_267 = vector.shape_cast %parallel_loop3A_263 : vector<16xf32> to vector<16xf32>
        tpu.vector_store %arg9[%parallel_loop3A_264], %parallel_loop3A_267 {add = true, strides = array<i32>} : memref<65536xf32, #tpu.memory_space<vmem>>, vector<16xf32>,
        %parallel_loop3A_268 = arith.constant 256 : i32
        %parallel_loop3A_269 = arith.muli %parallel_loop3A_195, %parallel_loop3A_268 : i32
        %parallel_loop3A_270 = arith.constant 96 : i32
        %parallel_loop3A_271 = arith.addi %parallel_loop3A_269, %parallel_loop3A_270 : i32
        %parallel_loop3A_272 = arith.index_cast %parallel_loop3A_190 : i32 to index
        %parallel_loop3A_273 = arith.constant 96 : index
        %parallel_loop3A_274 = tpu.vector_load %arg5[%parallel_loop3A_272, %parallel_loop3A_273] {strides = array<i32>} : memref<80x256xf32, #tpu.memory_space<vmem>>, vector<1x16xf32>,
        %parallel_loop3A_275 = vector.shape_cast %parallel_loop3A_274 : vector<1x16xf32> to vector<16xf32>
        %parallel_loop3A_276 = arith.index_cast %parallel_loop3A_271 : i32 to index
        %parallel_loop3A_277 = tpu.vector_load %arg9[%parallel_loop3A_276] {strides = array<i32>} : memref<65536xf32, #tpu.memory_space<vmem>>, vector<16xf32>,
        %parallel_loop3A_278 = vector.shape_cast %parallel_loop3A_277 : vector<16xf32> to vector<16xf32>
        %parallel_loop3A_279 = vector.shape_cast %parallel_loop3A_275 : vector<16xf32> to vector<16xf32>
        tpu.vector_store %arg9[%parallel_loop3A_276], %parallel_loop3A_279 {add = true, strides = array<i32>} : memref<65536xf32, #tpu.memory_space<vmem>>, vector<16xf32>,
        %parallel_loop3A_280 = arith.constant 256 : i32
        %parallel_loop3A_281 = arith.muli %parallel_loop3A_195, %parallel_loop3A_280 : i32
        %parallel_loop3A_282 = arith.constant 112 : i32
        %parallel_loop3A_283 = arith.addi %parallel_loop3A_281, %parallel_loop3A_282 : i32
        %parallel_loop3A_284 = arith.index_cast %parallel_loop3A_190 : i32 to index
        %parallel_loop3A_285 = arith.constant 112 : index
        %parallel_loop3A_286 = tpu.vector_load %arg5[%parallel_loop3A_284, %parallel_loop3A_285] {strides = array<i32>} : memref<80x256xf32, #tpu.memory_space<vmem>>, vector<1x16xf32>,
        %parallel_loop3A_287 = vector.shape_cast %parallel_loop3A_286 : vector<1x16xf32> to vector<16xf32>
        %parallel_loop3A_288 = arith.index_cast %parallel_loop3A_283 : i32 to index
        %parallel_loop3A_289 = tpu.vector_load %arg9[%parallel_loop3A_288] {strides = array<i32>} : memref<65536xf32, #tpu.memory_space<vmem>>, vector<16xf32>,
        %parallel_loop3A_290 = vector.shape_cast %parallel_loop3A_289 : vector<16xf32> to vector<16xf32>
        %parallel_loop3A_291 = vector.shape_cast %parallel_loop3A_287 : vector<16xf32> to vector<16xf32>
        tpu.vector_store %arg9[%parallel_loop3A_288], %parallel_loop3A_291 {add = true, strides = array<i32>} : memref<65536xf32, #tpu.memory_space<vmem>>, vector<16xf32>,
        %parallel_loop3A_292 = arith.constant 256 : i32
        %parallel_loop3A_293 = arith.muli %parallel_loop3A_195, %parallel_loop3A_292 : i32
        %parallel_loop3A_294 = arith.constant 128 : i32
        %parallel_loop3A_295 = arith.addi %parallel_loop3A_293, %parallel_loop3A_294 : i32
        %parallel_loop3A_296 = arith.index_cast %parallel_loop3A_190 : i32 to index
        %parallel_loop3A_297 = arith.constant 128 : index
        %parallel_loop3A_298 = tpu.vector_load %arg5[%parallel_loop3A_296, %parallel_loop3A_297] {strides = array<i32>} : memref<80x256xf32, #tpu.memory_space<vmem>>, vector<1x16xf32>,
        %parallel_loop3A_299 = vector.shape_cast %parallel_loop3A_298 : vector<1x16xf32> to vector<16xf32>
        %parallel_loop3A_300 = arith.index_cast %parallel_loop3A_295 : i32 to index
        %parallel_loop3A_301 = tpu.vector_load %arg9[%parallel_loop3A_300] {strides = array<i32>} : memref<65536xf32, #tpu.memory_space<vmem>>, vector<16xf32>,
        %parallel_loop3A_302 = vector.shape_cast %parallel_loop3A_301 : vector<16xf32> to vector<16xf32>
        %parallel_loop3A_303 = vector.shape_cast %parallel_loop3A_299 : vector<16xf32> to vector<16xf32>
        tpu.vector_store %arg9[%parallel_loop3A_300], %parallel_loop3A_303 {add = true, strides = array<i32>} : memref<65536xf32, #tpu.memory_space<vmem>>, vector<16xf32>,
        %parallel_loop3A_304 = arith.constant 256 : i32
        %parallel_loop3A_305 = arith.muli %parallel_loop3A_195, %parallel_loop3A_304 : i32
        %parallel_loop3A_306 = arith.constant 144 : i32
        %parallel_loop3A_307 = arith.addi %parallel_loop3A_305, %parallel_loop3A_306 : i32
        %parallel_loop3A_308 = arith.index_cast %parallel_loop3A_190 : i32 to index
        %parallel_loop3A_309 = arith.constant 144 : index
        %parallel_loop3A_310 = tpu.vector_load %arg5[%parallel_loop3A_308, %parallel_loop3A_309] {strides = array<i32>} : memref<80x256xf32, #tpu.memory_space<vmem>>, vector<1x16xf32>,
        %parallel_loop3A_311 = vector.shape_cast %parallel_loop3A_310 : vector<1x16xf32> to vector<16xf32>
        %parallel_loop3A_312 = arith.index_cast %parallel_loop3A_307 : i32 to index
        %parallel_loop3A_313 = tpu.vector_load %arg9[%parallel_loop3A_312] {strides = array<i32>} : memref<65536xf32, #tpu.memory_space<vmem>>, vector<16xf32>,
        %parallel_loop3A_314 = vector.shape_cast %parallel_loop3A_313 : vector<16xf32> to vector<16xf32>
        %parallel_loop3A_315 = vector.shape_cast %parallel_loop3A_311 : vector<16xf32> to vector<16xf32>
        tpu.vector_store %arg9[%parallel_loop3A_312], %parallel_loop3A_315 {add = true, strides = array<i32>} : memref<65536xf32, #tpu.memory_space<vmem>>, vector<16xf32>,
        %parallel_loop3A_316 = arith.constant 256 : i32
        %parallel_loop3A_317 = arith.muli %parallel_loop3A_195, %parallel_loop3A_316 : i32
        %parallel_loop3A_318 = arith.constant 160 : i32
        %parallel_loop3A_319 = arith.addi %parallel_loop3A_317, %parallel_loop3A_318 : i32
        %parallel_loop3A_320 = arith.index_cast %parallel_loop3A_190 : i32 to index
        %parallel_loop3A_321 = arith.constant 160 : index
        %parallel_loop3A_322 = tpu.vector_load %arg5[%parallel_loop3A_320, %parallel_loop3A_321] {strides = array<i32>} : memref<80x256xf32, #tpu.memory_space<vmem>>, vector<1x16xf32>,
        %parallel_loop3A_323 = vector.shape_cast %parallel_loop3A_322 : vector<1x16xf32> to vector<16xf32>
        %parallel_loop3A_324 = arith.index_cast %parallel_loop3A_319 : i32 to index
        %parallel_loop3A_325 = tpu.vector_load %arg9[%parallel_loop3A_324] {strides = array<i32>} : memref<65536xf32, #tpu.memory_space<vmem>>, vector<16xf32>,
        %parallel_loop3A_326 = vector.shape_cast %parallel_loop3A_325 : vector<16xf32> to vector<16xf32>
        %parallel_loop3A_327 = vector.shape_cast %parallel_loop3A_323 : vector<16xf32> to vector<16xf32>
        tpu.vector_store %arg9[%parallel_loop3A_324], %parallel_loop3A_327 {add = true, strides = array<i32>} : memref<65536xf32, #tpu.memory_space<vmem>>, vector<16xf32>,
        %parallel_loop3A_328 = arith.constant 256 : i32
        %parallel_loop3A_329 = arith.muli %parallel_loop3A_195, %parallel_loop3A_328 : i32
        %parallel_loop3A_330 = arith.constant 176 : i32
        %parallel_loop3A_331 = arith.addi %parallel_loop3A_329, %parallel_loop3A_330 : i32
        %parallel_loop3A_332 = arith.index_cast %parallel_loop3A_190 : i32 to index
        %parallel_loop3A_333 = arith.constant 176 : index
        %parallel_loop3A_334 = tpu.vector_load %arg5[%parallel_loop3A_332, %parallel_loop3A_333] {strides = array<i32>} : memref<80x256xf32, #tpu.memory_space<vmem>>, vector<1x16xf32>,
        %parallel_loop3A_335 = vector.shape_cast %parallel_loop3A_334 : vector<1x16xf32> to vector<16xf32>
        %parallel_loop3A_336 = arith.index_cast %parallel_loop3A_331 : i32 to index
        %parallel_loop3A_337 = tpu.vector_load %arg9[%parallel_loop3A_336] {strides = array<i32>} : memref<65536xf32, #tpu.memory_space<vmem>>, vector<16xf32>,
        %parallel_loop3A_338 = vector.shape_cast %parallel_loop3A_337 : vector<16xf32> to vector<16xf32>
        %parallel_loop3A_339 = vector.shape_cast %parallel_loop3A_335 : vector<16xf32> to vector<16xf32>
        tpu.vector_store %arg9[%parallel_loop3A_336], %parallel_loop3A_339 {add = true, strides = array<i32>} : memref<65536xf32, #tpu.memory_space<vmem>>, vector<16xf32>,
        %parallel_loop3A_340 = arith.constant 256 : i32
        %parallel_loop3A_341 = arith.muli %parallel_loop3A_195, %parallel_loop3A_340 : i32
        %parallel_loop3A_342 = arith.constant 192 : i32
        %parallel_loop3A_343 = arith.addi %parallel_loop3A_341, %parallel_loop3A_342 : i32
        %parallel_loop3A_344 = arith.index_cast %parallel_loop3A_190 : i32 to index
        %parallel_loop3A_345 = arith.constant 192 : index
        %parallel_loop3A_346 = tpu.vector_load %arg5[%parallel_loop3A_344, %parallel_loop3A_345] {strides = array<i32>} : memref<80x256xf32, #tpu.memory_space<vmem>>, vector<1x16xf32>,
        %parallel_loop3A_347 = vector.shape_cast %parallel_loop3A_346 : vector<1x16xf32> to vector<16xf32>
        %parallel_loop3A_348 = arith.index_cast %parallel_loop3A_343 : i32 to index
        %parallel_loop3A_349 = tpu.vector_load %arg9[%parallel_loop3A_348] {strides = array<i32>} : memref<65536xf32, #tpu.memory_space<vmem>>, vector<16xf32>,
        %parallel_loop3A_350 = vector.shape_cast %parallel_loop3A_349 : vector<16xf32> to vector<16xf32>
        %parallel_loop3A_351 = vector.shape_cast %parallel_loop3A_347 : vector<16xf32> to vector<16xf32>
        tpu.vector_store %arg9[%parallel_loop3A_348], %parallel_loop3A_351 {add = true, strides = array<i32>} : memref<65536xf32, #tpu.memory_space<vmem>>, vector<16xf32>,
        %parallel_loop3A_352 = arith.constant 256 : i32
        %parallel_loop3A_353 = arith.muli %parallel_loop3A_195, %parallel_loop3A_352 : i32
        %parallel_loop3A_354 = arith.constant 208 : i32
        %parallel_loop3A_355 = arith.addi %parallel_loop3A_353, %parallel_loop3A_354 : i32
        %parallel_loop3A_356 = arith.index_cast %parallel_loop3A_190 : i32 to index
        %parallel_loop3A_357 = arith.constant 208 : index
        %parallel_loop3A_358 = tpu.vector_load %arg5[%parallel_loop3A_356, %parallel_loop3A_357] {strides = array<i32>} : memref<80x256xf32, #tpu.memory_space<vmem>>, vector<1x16xf32>,
        %parallel_loop3A_359 = vector.shape_cast %parallel_loop3A_358 : vector<1x16xf32> to vector<16xf32>
        %parallel_loop3A_360 = arith.index_cast %parallel_loop3A_355 : i32 to index
        %parallel_loop3A_361 = tpu.vector_load %arg9[%parallel_loop3A_360] {strides = array<i32>} : memref<65536xf32, #tpu.memory_space<vmem>>, vector<16xf32>,
        %parallel_loop3A_362 = vector.shape_cast %parallel_loop3A_361 : vector<16xf32> to vector<16xf32>
        %parallel_loop3A_363 = vector.shape_cast %parallel_loop3A_359 : vector<16xf32> to vector<16xf32>
        tpu.vector_store %arg9[%parallel_loop3A_360], %parallel_loop3A_363 {add = true, strides = array<i32>} : memref<65536xf32, #tpu.memory_space<vmem>>, vector<16xf32>,
        %parallel_loop3A_364 = arith.constant 256 : i32
        %parallel_loop3A_365 = arith.muli %parallel_loop3A_195, %parallel_loop3A_364 : i32
        %parallel_loop3A_366 = arith.constant 224 : i32
        %parallel_loop3A_367 = arith.addi %parallel_loop3A_365, %parallel_loop3A_366 : i32
        %parallel_loop3A_368 = arith.index_cast %parallel_loop3A_190 : i32 to index
        %parallel_loop3A_369 = arith.constant 224 : index
        %parallel_loop3A_370 = tpu.vector_load %arg5[%parallel_loop3A_368, %parallel_loop3A_369] {strides = array<i32>} : memref<80x256xf32, #tpu.memory_space<vmem>>, vector<1x16xf32>,
        %parallel_loop3A_371 = vector.shape_cast %parallel_loop3A_370 : vector<1x16xf32> to vector<16xf32>
        %parallel_loop3A_372 = arith.index_cast %parallel_loop3A_367 : i32 to index
        %parallel_loop3A_373 = tpu.vector_load %arg9[%parallel_loop3A_372] {strides = array<i32>} : memref<65536xf32, #tpu.memory_space<vmem>>, vector<16xf32>,
        %parallel_loop3A_374 = vector.shape_cast %parallel_loop3A_373 : vector<16xf32> to vector<16xf32>
        %parallel_loop3A_375 = vector.shape_cast %parallel_loop3A_371 : vector<16xf32> to vector<16xf32>
        tpu.vector_store %arg9[%parallel_loop3A_372], %parallel_loop3A_375 {add = true, strides = array<i32>} : memref<65536xf32, #tpu.memory_space<vmem>>, vector<16xf32>,
        %parallel_loop3A_376 = arith.constant 256 : i32
        %parallel_loop3A_377 = arith.muli %parallel_loop3A_195, %parallel_loop3A_376 : i32
        %parallel_loop3A_378 = arith.constant 240 : i32
        %parallel_loop3A_379 = arith.addi %parallel_loop3A_377, %parallel_loop3A_378 : i32
        %parallel_loop3A_380 = arith.index_cast %parallel_loop3A_190 : i32 to index
        %parallel_loop3A_381 = arith.constant 240 : index
        %parallel_loop3A_382 = tpu.vector_load %arg5[%parallel_loop3A_380, %parallel_loop3A_381] {strides = array<i32>} : memref<80x256xf32, #tpu.memory_space<vmem>>, vector<1x16xf32>,
        %parallel_loop3A_383 = vector.shape_cast %parallel_loop3A_382 : vector<1x16xf32> to vector<16xf32>
        %parallel_loop3A_384 = arith.index_cast %parallel_loop3A_379 : i32 to index
        %parallel_loop3A_385 = tpu.vector_load %arg9[%parallel_loop3A_384] {strides = array<i32>} : memref<65536xf32, #tpu.memory_space<vmem>>, vector<16xf32>,
        %parallel_loop3A_386 = vector.shape_cast %parallel_loop3A_385 : vector<16xf32> to vector<16xf32>
        %parallel_loop3A_387 = vector.shape_cast %parallel_loop3A_383 : vector<16xf32> to vector<16xf32>
        tpu.vector_store %arg9[%parallel_loop3A_384], %parallel_loop3A_387 {add = true, strides = array<i32>} : memref<65536xf32, #tpu.memory_space<vmem>>, vector<16xf32>,
      } {sc.loop_unroll_factor = 2 : i64, sc.parallel_access}
      %add3A_169 = arith.constant 1 : i32
      %add3A_170 = arith.addi %add3A_139, %add3A_169 : i32
      %lt3A = arith.cmpi slt, %add3A_170, %select_n3A : i32
      %convert_element_type3A_171 = arith.extui %lt3A : i1 to i32
      %cond3A_172 = arith.constant 0 : i32
      %cond3A_173 = arith.cmpi ne, %convert_element_type3A_171, %cond3A_172 : i32
      scf.if %cond3A_173 {
        %add3A_190 = arith.constant 1 : i32
        %add3A_191 = arith.addi %add3A_139, %add3A_190 : i32
        %mul3A_192 = arith.constant 16 : i32
        %mul3A_193 = arith.muli %add3A_191, %mul3A_192 : i32
        %add3A_194 = arith.addi %arg1, %mul3A_193 : i32
        %mul3A_195 = arith.constant 80 : i32
        %mul3A_196 = arith.muli %add3A_194, %mul3A_195 : i32
        %dma_start3A_197 = tpu.memref_slice %arg2[%mul3A_196, %multiple_of3A] : memref<100000x512xf32, #tpu.memory_space<hbm>> -> memref<80x256xf32, #tpu.memory_space<hbm>>
        %dma_start3A_198 = tpu.memref_slice %arg2[%mul3A_196, %multiple_of3A] : memref<100000x512xf32, #tpu.memory_space<hbm>> -> memref<80x256xf32, #tpu.memory_space<hbm>>
        tpu.enqueue_dma source(%dma_start3A_198 : memref<80x256xf32, #tpu.memory_space<hbm>>) target(%arg5 : memref<80x256xf32, #tpu.memory_space<vmem>>) target_semaphore(%arg13 : memref<!tpu.dma_semaphore, #tpu.memory_space<semaphore_mem>>)
        %dma_start3A_199 = arith.constant 0 : i32
        %dma_start3A_200 = tpu.memref_slice %arg7[%dma_start3A_199] : memref<96xi32, #tpu.memory_space<vmem>> -> memref<80xi32, #tpu.memory_space<vmem>>
        %dma_start3A_201 = tpu.memref_slice %arg3[%mul3A_196] : memref<100000xi32, #tpu.memory_space<hbm>> -> memref<80xi32, #tpu.memory_space<hbm>>
        %dma_start3A_202 = arith.constant 0 : i32
        %dma_start3A_203 = tpu.memref_slice %arg7[%dma_start3A_202] : memref<96xi32, #tpu.memory_space<vmem>> -> memref<80xi32, #tpu.memory_space<vmem>>
        %dma_start3A_204 = tpu.memref_slice %arg3[%mul3A_196] : memref<100000xi32, #tpu.memory_space<hbm>> -> memref<80xi32, #tpu.memory_space<hbm>>
        tpu.enqueue_dma source(%dma_start3A_204 : memref<80xi32, #tpu.memory_space<hbm>>) target(%dma_start3A_203 : memref<80xi32, #tpu.memory_space<vmem>>) target_semaphore(%arg13 : memref<!tpu.dma_semaphore, #tpu.memory_space<semaphore_mem>>)
      } else {
      }
      %mul3A_174 = arith.constant 16 : i32
      %mul3A_175 = arith.muli %add3A_139, %mul3A_174 : i32
      %add3A_176 = arith.addi %arg1, %mul3A_175 : i32
      %mul3A_177 = arith.constant 80 : i32
      %mul3A_178 = arith.muli %add3A_176, %mul3A_177 : i32
      %dma_wait3A_179 = tpu.memref_slice %arg2[%mul3A_178, %multiple_of3A] : memref<100000x512xf32, #tpu.memory_space<hbm>> -> memref<80x256xf32, #tpu.memory_space<hbm>>
      %dma_wait3A_180 = tpu.memref_slice %arg2[%mul3A_178, %multiple_of3A] : memref<100000x512xf32, #tpu.memory_space<hbm>> -> memref<80x256xf32, #tpu.memory_space<hbm>>
      tpu.wait_dma2 semaphore(%arg14 : memref<!tpu.dma_semaphore, #tpu.memory_space<semaphore_mem>>) src(%dma_wait3A_180 : memref<80x256xf32, #tpu.memory_space<hbm>>) dst(%arg6 : memref<80x256xf32, #tpu.memory_space<vmem>>)
      %dma_wait3A_181 = arith.constant 0 : i32
      %dma_wait3A_182 = tpu.memref_slice %arg8[%dma_wait3A_181] : memref<96xi32, #tpu.memory_space<vmem>> -> memref<80xi32, #tpu.memory_space<vmem>>
      %dma_wait3A_183 = tpu.memref_slice %arg3[%mul3A_178] : memref<100000xi32, #tpu.memory_space<hbm>> -> memref<80xi32, #tpu.memory_space<hbm>>
      %dma_wait3A_184 = arith.constant 0 : i32
      %dma_wait3A_185 = tpu.memref_slice %arg8[%dma_wait3A_184] : memref<96xi32, #tpu.memory_space<vmem>> -> memref<80xi32, #tpu.memory_space<vmem>>
      %dma_wait3A_186 = tpu.memref_slice %arg3[%mul3A_178] : memref<100000xi32, #tpu.memory_space<hbm>> -> memref<80xi32, #tpu.memory_space<hbm>>
      tpu.wait_dma2 semaphore(%arg14 : memref<!tpu.dma_semaphore, #tpu.memory_space<semaphore_mem>>) src(%dma_wait3A_186 : memref<80xi32, #tpu.memory_space<hbm>>) dst(%dma_wait3A_185 : memref<80xi32, #tpu.memory_space<vmem>>)
      %parallel_loop3A_187 = arith.constant 0 : i32
      %parallel_loop3A_188 = arith.constant 80 : i32
      %parallel_loop3A_189 = arith.constant 1 : i32
      scf.for %parallel_loop3A_190 = %parallel_loop3A_187 to %parallel_loop3A_188 step %parallel_loop3A_189  : i32 {
        %parallel_loop3A_191 = arith.index_cast %parallel_loop3A_190 : i32 to index
        %parallel_loop3A_192 = tpu.vector_load %arg8[%parallel_loop3A_191] {strides = array<i32>} : memref<96xi32, #tpu.memory_space<vmem>>, vector<16xi32>,
        %parallel_loop3A_193 = vector.shape_cast %parallel_loop3A_192 : vector<16xi32> to vector<16xi32>
        %parallel_loop3A_194 = vector.extract_strided_slice %parallel_loop3A_193 {offsets = [0], sizes = [1], strides = [1]} : vector<16xi32> to vector<1xi32>
        %parallel_loop3A_195 = vector.extract %parallel_loop3A_194[0] : i32 from vector<1xi32>
        %parallel_loop3A_196 = arith.constant 256 : i32
        %parallel_loop3A_197 = arith.muli %parallel_loop3A_195, %parallel_loop3A_196 : i32
        %parallel_loop3A_198 = arith.constant 0 : i32
        %parallel_loop3A_199 = arith.addi %parallel_loop3A_197, %parallel_loop3A_198 : i32
        %parallel_loop3A_200 = arith.index_cast %parallel_loop3A_190 : i32 to index
        %parallel_loop3A_201 = arith.constant 0 : index
        %parallel_loop3A_202 = tpu.vector_load %arg6[%parallel_loop3A_200, %parallel_loop3A_201] {strides = array<i32>} : memref<80x256xf32, #tpu.memory_space<vmem>>, vector<1x16xf32>,
        %parallel_loop3A_203 = vector.shape_cast %parallel_loop3A_202 : vector<1x16xf32> to vector<16xf32>
        %parallel_loop3A_204 = arith.index_cast %parallel_loop3A_199 : i32 to index
        %parallel_loop3A_205 = tpu.vector_load %arg9[%parallel_loop3A_204] {strides = array<i32>} : memref<65536xf32, #tpu.memory_space<vmem>>, vector<16xf32>,
        %parallel_loop3A_206 = vector.shape_cast %parallel_loop3A_205 : vector<16xf32> to vector<16xf32>
        %parallel_loop3A_207 = vector.shape_cast %parallel_loop3A_203 : vector<16xf32> to vector<16xf32>
        tpu.vector_store %arg9[%parallel_loop3A_204], %parallel_loop3A_207 {add = true, strides = array<i32>} : memref<65536xf32, #tpu.memory_space<vmem>>, vector<16xf32>,
        %parallel_loop3A_208 = arith.constant 256 : i32
        %parallel_loop3A_209 = arith.muli %parallel_loop3A_195, %parallel_loop3A_208 : i32
        %parallel_loop3A_210 = arith.constant 16 : i32
        %parallel_loop3A_211 = arith.addi %parallel_loop3A_209, %parallel_loop3A_210 : i32
        %parallel_loop3A_212 = arith.index_cast %parallel_loop3A_190 : i32 to index
        %parallel_loop3A_213 = arith.constant 16 : index
        %parallel_loop3A_214 = tpu.vector_load %arg6[%parallel_loop3A_212, %parallel_loop3A_213] {strides = array<i32>} : memref<80x256xf32, #tpu.memory_space<vmem>>, vector<1x16xf32>,
        %parallel_loop3A_215 = vector.shape_cast %parallel_loop3A_214 : vector<1x16xf32> to vector<16xf32>
        %parallel_loop3A_216 = arith.index_cast %parallel_loop3A_211 : i32 to index
        %parallel_loop3A_217 = tpu.vector_load %arg9[%parallel_loop3A_216] {strides = array<i32>} : memref<65536xf32, #tpu.memory_space<vmem>>, vector<16xf32>,
        %parallel_loop3A_218 = vector.shape_cast %parallel_loop3A_217 : vector<16xf32> to vector<16xf32>
        %parallel_loop3A_219 = vector.shape_cast %parallel_loop3A_215 : vector<16xf32> to vector<16xf32>
        tpu.vector_store %arg9[%parallel_loop3A_216], %parallel_loop3A_219 {add = true, strides = array<i32>} : memref<65536xf32, #tpu.memory_space<vmem>>, vector<16xf32>,
        %parallel_loop3A_220 = arith.constant 256 : i32
        %parallel_loop3A_221 = arith.muli %parallel_loop3A_195, %parallel_loop3A_220 : i32
        %parallel_loop3A_222 = arith.constant 32 : i32
        %parallel_loop3A_223 = arith.addi %parallel_loop3A_221, %parallel_loop3A_222 : i32
        %parallel_loop3A_224 = arith.index_cast %parallel_loop3A_190 : i32 to index
        %parallel_loop3A_225 = arith.constant 32 : index
        %parallel_loop3A_226 = tpu.vector_load %arg6[%parallel_loop3A_224, %parallel_loop3A_225] {strides = array<i32>} : memref<80x256xf32, #tpu.memory_space<vmem>>, vector<1x16xf32>,
        %parallel_loop3A_227 = vector.shape_cast %parallel_loop3A_226 : vector<1x16xf32> to vector<16xf32>
        %parallel_loop3A_228 = arith.index_cast %parallel_loop3A_223 : i32 to index
        %parallel_loop3A_229 = tpu.vector_load %arg9[%parallel_loop3A_228] {strides = array<i32>} : memref<65536xf32, #tpu.memory_space<vmem>>, vector<16xf32>,
        %parallel_loop3A_230 = vector.shape_cast %parallel_loop3A_229 : vector<16xf32> to vector<16xf32>
        %parallel_loop3A_231 = vector.shape_cast %parallel_loop3A_227 : vector<16xf32> to vector<16xf32>
        tpu.vector_store %arg9[%parallel_loop3A_228], %parallel_loop3A_231 {add = true, strides = array<i32>} : memref<65536xf32, #tpu.memory_space<vmem>>, vector<16xf32>,
        %parallel_loop3A_232 = arith.constant 256 : i32
        %parallel_loop3A_233 = arith.muli %parallel_loop3A_195, %parallel_loop3A_232 : i32
        %parallel_loop3A_234 = arith.constant 48 : i32
        %parallel_loop3A_235 = arith.addi %parallel_loop3A_233, %parallel_loop3A_234 : i32
        %parallel_loop3A_236 = arith.index_cast %parallel_loop3A_190 : i32 to index
        %parallel_loop3A_237 = arith.constant 48 : index
        %parallel_loop3A_238 = tpu.vector_load %arg6[%parallel_loop3A_236, %parallel_loop3A_237] {strides = array<i32>} : memref<80x256xf32, #tpu.memory_space<vmem>>, vector<1x16xf32>,
        %parallel_loop3A_239 = vector.shape_cast %parallel_loop3A_238 : vector<1x16xf32> to vector<16xf32>
        %parallel_loop3A_240 = arith.index_cast %parallel_loop3A_235 : i32 to index
        %parallel_loop3A_241 = tpu.vector_load %arg9[%parallel_loop3A_240] {strides = array<i32>} : memref<65536xf32, #tpu.memory_space<vmem>>, vector<16xf32>,
        %parallel_loop3A_242 = vector.shape_cast %parallel_loop3A_241 : vector<16xf32> to vector<16xf32>
        %parallel_loop3A_243 = vector.shape_cast %parallel_loop3A_239 : vector<16xf32> to vector<16xf32>
        tpu.vector_store %arg9[%parallel_loop3A_240], %parallel_loop3A_243 {add = true, strides = array<i32>} : memref<65536xf32, #tpu.memory_space<vmem>>, vector<16xf32>,
        %parallel_loop3A_244 = arith.constant 256 : i32
        %parallel_loop3A_245 = arith.muli %parallel_loop3A_195, %parallel_loop3A_244 : i32
        %parallel_loop3A_246 = arith.constant 64 : i32
        %parallel_loop3A_247 = arith.addi %parallel_loop3A_245, %parallel_loop3A_246 : i32
        %parallel_loop3A_248 = arith.index_cast %parallel_loop3A_190 : i32 to index
        %parallel_loop3A_249 = arith.constant 64 : index
        %parallel_loop3A_250 = tpu.vector_load %arg6[%parallel_loop3A_248, %parallel_loop3A_249] {strides = array<i32>} : memref<80x256xf32, #tpu.memory_space<vmem>>, vector<1x16xf32>,
        %parallel_loop3A_251 = vector.shape_cast %parallel_loop3A_250 : vector<1x16xf32> to vector<16xf32>
        %parallel_loop3A_252 = arith.index_cast %parallel_loop3A_247 : i32 to index
        %parallel_loop3A_253 = tpu.vector_load %arg9[%parallel_loop3A_252] {strides = array<i32>} : memref<65536xf32, #tpu.memory_space<vmem>>, vector<16xf32>,
        %parallel_loop3A_254 = vector.shape_cast %parallel_loop3A_253 : vector<16xf32> to vector<16xf32>
        %parallel_loop3A_255 = vector.shape_cast %parallel_loop3A_251 : vector<16xf32> to vector<16xf32>
        tpu.vector_store %arg9[%parallel_loop3A_252], %parallel_loop3A_255 {add = true, strides = array<i32>} : memref<65536xf32, #tpu.memory_space<vmem>>, vector<16xf32>,
        %parallel_loop3A_256 = arith.constant 256 : i32
        %parallel_loop3A_257 = arith.muli %parallel_loop3A_195, %parallel_loop3A_256 : i32
        %parallel_loop3A_258 = arith.constant 80 : i32
        %parallel_loop3A_259 = arith.addi %parallel_loop3A_257, %parallel_loop3A_258 : i32
        %parallel_loop3A_260 = arith.index_cast %parallel_loop3A_190 : i32 to index
        %parallel_loop3A_261 = arith.constant 80 : index
        %parallel_loop3A_262 = tpu.vector_load %arg6[%parallel_loop3A_260, %parallel_loop3A_261] {strides = array<i32>} : memref<80x256xf32, #tpu.memory_space<vmem>>, vector<1x16xf32>,
        %parallel_loop3A_263 = vector.shape_cast %parallel_loop3A_262 : vector<1x16xf32> to vector<16xf32>
        %parallel_loop3A_264 = arith.index_cast %parallel_loop3A_259 : i32 to index
        %parallel_loop3A_265 = tpu.vector_load %arg9[%parallel_loop3A_264] {strides = array<i32>} : memref<65536xf32, #tpu.memory_space<vmem>>, vector<16xf32>,
        %parallel_loop3A_266 = vector.shape_cast %parallel_loop3A_265 : vector<16xf32> to vector<16xf32>
        %parallel_loop3A_267 = vector.shape_cast %parallel_loop3A_263 : vector<16xf32> to vector<16xf32>
        tpu.vector_store %arg9[%parallel_loop3A_264], %parallel_loop3A_267 {add = true, strides = array<i32>} : memref<65536xf32, #tpu.memory_space<vmem>>, vector<16xf32>,
        %parallel_loop3A_268 = arith.constant 256 : i32
        %parallel_loop3A_269 = arith.muli %parallel_loop3A_195, %parallel_loop3A_268 : i32
        %parallel_loop3A_270 = arith.constant 96 : i32
        %parallel_loop3A_271 = arith.addi %parallel_loop3A_269, %parallel_loop3A_270 : i32
        %parallel_loop3A_272 = arith.index_cast %parallel_loop3A_190 : i32 to index
        %parallel_loop3A_273 = arith.constant 96 : index
        %parallel_loop3A_274 = tpu.vector_load %arg6[%parallel_loop3A_272, %parallel_loop3A_273] {strides = array<i32>} : memref<80x256xf32, #tpu.memory_space<vmem>>, vector<1x16xf32>,
        %parallel_loop3A_275 = vector.shape_cast %parallel_loop3A_274 : vector<1x16xf32> to vector<16xf32>
        %parallel_loop3A_276 = arith.index_cast %parallel_loop3A_271 : i32 to index
        %parallel_loop3A_277 = tpu.vector_load %arg9[%parallel_loop3A_276] {strides = array<i32>} : memref<65536xf32, #tpu.memory_space<vmem>>, vector<16xf32>,
        %parallel_loop3A_278 = vector.shape_cast %parallel_loop3A_277 : vector<16xf32> to vector<16xf32>
        %parallel_loop3A_279 = vector.shape_cast %parallel_loop3A_275 : vector<16xf32> to vector<16xf32>
        tpu.vector_store %arg9[%parallel_loop3A_276], %parallel_loop3A_279 {add = true, strides = array<i32>} : memref<65536xf32, #tpu.memory_space<vmem>>, vector<16xf32>,
        %parallel_loop3A_280 = arith.constant 256 : i32
        %parallel_loop3A_281 = arith.muli %parallel_loop3A_195, %parallel_loop3A_280 : i32
        %parallel_loop3A_282 = arith.constant 112 : i32
        %parallel_loop3A_283 = arith.addi %parallel_loop3A_281, %parallel_loop3A_282 : i32
        %parallel_loop3A_284 = arith.index_cast %parallel_loop3A_190 : i32 to index
        %parallel_loop3A_285 = arith.constant 112 : index
        %parallel_loop3A_286 = tpu.vector_load %arg6[%parallel_loop3A_284, %parallel_loop3A_285] {strides = array<i32>} : memref<80x256xf32, #tpu.memory_space<vmem>>, vector<1x16xf32>,
        %parallel_loop3A_287 = vector.shape_cast %parallel_loop3A_286 : vector<1x16xf32> to vector<16xf32>
        %parallel_loop3A_288 = arith.index_cast %parallel_loop3A_283 : i32 to index
        %parallel_loop3A_289 = tpu.vector_load %arg9[%parallel_loop3A_288] {strides = array<i32>} : memref<65536xf32, #tpu.memory_space<vmem>>, vector<16xf32>,
        %parallel_loop3A_290 = vector.shape_cast %parallel_loop3A_289 : vector<16xf32> to vector<16xf32>
        %parallel_loop3A_291 = vector.shape_cast %parallel_loop3A_287 : vector<16xf32> to vector<16xf32>
        tpu.vector_store %arg9[%parallel_loop3A_288], %parallel_loop3A_291 {add = true, strides = array<i32>} : memref<65536xf32, #tpu.memory_space<vmem>>, vector<16xf32>,
        %parallel_loop3A_292 = arith.constant 256 : i32
        %parallel_loop3A_293 = arith.muli %parallel_loop3A_195, %parallel_loop3A_292 : i32
        %parallel_loop3A_294 = arith.constant 128 : i32
        %parallel_loop3A_295 = arith.addi %parallel_loop3A_293, %parallel_loop3A_294 : i32
        %parallel_loop3A_296 = arith.index_cast %parallel_loop3A_190 : i32 to index
        %parallel_loop3A_297 = arith.constant 128 : index
        %parallel_loop3A_298 = tpu.vector_load %arg6[%parallel_loop3A_296, %parallel_loop3A_297] {strides = array<i32>} : memref<80x256xf32, #tpu.memory_space<vmem>>, vector<1x16xf32>,
        %parallel_loop3A_299 = vector.shape_cast %parallel_loop3A_298 : vector<1x16xf32> to vector<16xf32>
        %parallel_loop3A_300 = arith.index_cast %parallel_loop3A_295 : i32 to index
        %parallel_loop3A_301 = tpu.vector_load %arg9[%parallel_loop3A_300] {strides = array<i32>} : memref<65536xf32, #tpu.memory_space<vmem>>, vector<16xf32>,
        %parallel_loop3A_302 = vector.shape_cast %parallel_loop3A_301 : vector<16xf32> to vector<16xf32>
        %parallel_loop3A_303 = vector.shape_cast %parallel_loop3A_299 : vector<16xf32> to vector<16xf32>
        tpu.vector_store %arg9[%parallel_loop3A_300], %parallel_loop3A_303 {add = true, strides = array<i32>} : memref<65536xf32, #tpu.memory_space<vmem>>, vector<16xf32>,
        %parallel_loop3A_304 = arith.constant 256 : i32
        %parallel_loop3A_305 = arith.muli %parallel_loop3A_195, %parallel_loop3A_304 : i32
        %parallel_loop3A_306 = arith.constant 144 : i32
        %parallel_loop3A_307 = arith.addi %parallel_loop3A_305, %parallel_loop3A_306 : i32
        %parallel_loop3A_308 = arith.index_cast %parallel_loop3A_190 : i32 to index
        %parallel_loop3A_309 = arith.constant 144 : index
        %parallel_loop3A_310 = tpu.vector_load %arg6[%parallel_loop3A_308, %parallel_loop3A_309] {strides = array<i32>} : memref<80x256xf32, #tpu.memory_space<vmem>>, vector<1x16xf32>,
        %parallel_loop3A_311 = vector.shape_cast %parallel_loop3A_310 : vector<1x16xf32> to vector<16xf32>
        %parallel_loop3A_312 = arith.index_cast %parallel_loop3A_307 : i32 to index
        %parallel_loop3A_313 = tpu.vector_load %arg9[%parallel_loop3A_312] {strides = array<i32>} : memref<65536xf32, #tpu.memory_space<vmem>>, vector<16xf32>,
        %parallel_loop3A_314 = vector.shape_cast %parallel_loop3A_313 : vector<16xf32> to vector<16xf32>
        %parallel_loop3A_315 = vector.shape_cast %parallel_loop3A_311 : vector<16xf32> to vector<16xf32>
        tpu.vector_store %arg9[%parallel_loop3A_312], %parallel_loop3A_315 {add = true, strides = array<i32>} : memref<65536xf32, #tpu.memory_space<vmem>>, vector<16xf32>,
        %parallel_loop3A_316 = arith.constant 256 : i32
        %parallel_loop3A_317 = arith.muli %parallel_loop3A_195, %parallel_loop3A_316 : i32
        %parallel_loop3A_318 = arith.constant 160 : i32
        %parallel_loop3A_319 = arith.addi %parallel_loop3A_317, %parallel_loop3A_318 : i32
        %parallel_loop3A_320 = arith.index_cast %parallel_loop3A_190 : i32 to index
        %parallel_loop3A_321 = arith.constant 160 : index
        %parallel_loop3A_322 = tpu.vector_load %arg6[%parallel_loop3A_320, %parallel_loop3A_321] {strides = array<i32>} : memref<80x256xf32, #tpu.memory_space<vmem>>, vector<1x16xf32>,
        %parallel_loop3A_323 = vector.shape_cast %parallel_loop3A_322 : vector<1x16xf32> to vector<16xf32>
        %parallel_loop3A_324 = arith.index_cast %parallel_loop3A_319 : i32 to index
        %parallel_loop3A_325 = tpu.vector_load %arg9[%parallel_loop3A_324] {strides = array<i32>} : memref<65536xf32, #tpu.memory_space<vmem>>, vector<16xf32>,
        %parallel_loop3A_326 = vector.shape_cast %parallel_loop3A_325 : vector<16xf32> to vector<16xf32>
        %parallel_loop3A_327 = vector.shape_cast %parallel_loop3A_323 : vector<16xf32> to vector<16xf32>
        tpu.vector_store %arg9[%parallel_loop3A_324], %parallel_loop3A_327 {add = true, strides = array<i32>} : memref<65536xf32, #tpu.memory_space<vmem>>, vector<16xf32>,
        %parallel_loop3A_328 = arith.constant 256 : i32
        %parallel_loop3A_329 = arith.muli %parallel_loop3A_195, %parallel_loop3A_328 : i32
        %parallel_loop3A_330 = arith.constant 176 : i32
        %parallel_loop3A_331 = arith.addi %parallel_loop3A_329, %parallel_loop3A_330 : i32
        %parallel_loop3A_332 = arith.index_cast %parallel_loop3A_190 : i32 to index
        %parallel_loop3A_333 = arith.constant 176 : index
        %parallel_loop3A_334 = tpu.vector_load %arg6[%parallel_loop3A_332, %parallel_loop3A_333] {strides = array<i32>} : memref<80x256xf32, #tpu.memory_space<vmem>>, vector<1x16xf32>,
        %parallel_loop3A_335 = vector.shape_cast %parallel_loop3A_334 : vector<1x16xf32> to vector<16xf32>
        %parallel_loop3A_336 = arith.index_cast %parallel_loop3A_331 : i32 to index
        %parallel_loop3A_337 = tpu.vector_load %arg9[%parallel_loop3A_336] {strides = array<i32>} : memref<65536xf32, #tpu.memory_space<vmem>>, vector<16xf32>,
        %parallel_loop3A_338 = vector.shape_cast %parallel_loop3A_337 : vector<16xf32> to vector<16xf32>
        %parallel_loop3A_339 = vector.shape_cast %parallel_loop3A_335 : vector<16xf32> to vector<16xf32>
        tpu.vector_store %arg9[%parallel_loop3A_336], %parallel_loop3A_339 {add = true, strides = array<i32>} : memref<65536xf32, #tpu.memory_space<vmem>>, vector<16xf32>,
        %parallel_loop3A_340 = arith.constant 256 : i32
        %parallel_loop3A_341 = arith.muli %parallel_loop3A_195, %parallel_loop3A_340 : i32
        %parallel_loop3A_342 = arith.constant 192 : i32
        %parallel_loop3A_343 = arith.addi %parallel_loop3A_341, %parallel_loop3A_342 : i32
        %parallel_loop3A_344 = arith.index_cast %parallel_loop3A_190 : i32 to index
        %parallel_loop3A_345 = arith.constant 192 : index
        %parallel_loop3A_346 = tpu.vector_load %arg6[%parallel_loop3A_344, %parallel_loop3A_345] {strides = array<i32>} : memref<80x256xf32, #tpu.memory_space<vmem>>, vector<1x16xf32>,
        %parallel_loop3A_347 = vector.shape_cast %parallel_loop3A_346 : vector<1x16xf32> to vector<16xf32>
        %parallel_loop3A_348 = arith.index_cast %parallel_loop3A_343 : i32 to index
        %parallel_loop3A_349 = tpu.vector_load %arg9[%parallel_loop3A_348] {strides = array<i32>} : memref<65536xf32, #tpu.memory_space<vmem>>, vector<16xf32>,
        %parallel_loop3A_350 = vector.shape_cast %parallel_loop3A_349 : vector<16xf32> to vector<16xf32>
        %parallel_loop3A_351 = vector.shape_cast %parallel_loop3A_347 : vector<16xf32> to vector<16xf32>
        tpu.vector_store %arg9[%parallel_loop3A_348], %parallel_loop3A_351 {add = true, strides = array<i32>} : memref<65536xf32, #tpu.memory_space<vmem>>, vector<16xf32>,
        %parallel_loop3A_352 = arith.constant 256 : i32
        %parallel_loop3A_353 = arith.muli %parallel_loop3A_195, %parallel_loop3A_352 : i32
        %parallel_loop3A_354 = arith.constant 208 : i32
        %parallel_loop3A_355 = arith.addi %parallel_loop3A_353, %parallel_loop3A_354 : i32
        %parallel_loop3A_356 = arith.index_cast %parallel_loop3A_190 : i32 to index
        %parallel_loop3A_357 = arith.constant 208 : index
        %parallel_loop3A_358 = tpu.vector_load %arg6[%parallel_loop3A_356, %parallel_loop3A_357] {strides = array<i32>} : memref<80x256xf32, #tpu.memory_space<vmem>>, vector<1x16xf32>,
        %parallel_loop3A_359 = vector.shape_cast %parallel_loop3A_358 : vector<1x16xf32> to vector<16xf32>
        %parallel_loop3A_360 = arith.index_cast %parallel_loop3A_355 : i32 to index
        %parallel_loop3A_361 = tpu.vector_load %arg9[%parallel_loop3A_360] {strides = array<i32>} : memref<65536xf32, #tpu.memory_space<vmem>>, vector<16xf32>,
        %parallel_loop3A_362 = vector.shape_cast %parallel_loop3A_361 : vector<16xf32> to vector<16xf32>
        %parallel_loop3A_363 = vector.shape_cast %parallel_loop3A_359 : vector<16xf32> to vector<16xf32>
        tpu.vector_store %arg9[%parallel_loop3A_360], %parallel_loop3A_363 {add = true, strides = array<i32>} : memref<65536xf32, #tpu.memory_space<vmem>>, vector<16xf32>,
        %parallel_loop3A_364 = arith.constant 256 : i32
        %parallel_loop3A_365 = arith.muli %parallel_loop3A_195, %parallel_loop3A_364 : i32
        %parallel_loop3A_366 = arith.constant 224 : i32
        %parallel_loop3A_367 = arith.addi %parallel_loop3A_365, %parallel_loop3A_366 : i32
        %parallel_loop3A_368 = arith.index_cast %parallel_loop3A_190 : i32 to index
        %parallel_loop3A_369 = arith.constant 224 : index
        %parallel_loop3A_370 = tpu.vector_load %arg6[%parallel_loop3A_368, %parallel_loop3A_369] {strides = array<i32>} : memref<80x256xf32, #tpu.memory_space<vmem>>, vector<1x16xf32>,
        %parallel_loop3A_371 = vector.shape_cast %parallel_loop3A_370 : vector<1x16xf32> to vector<16xf32>
        %parallel_loop3A_372 = arith.index_cast %parallel_loop3A_367 : i32 to index
        %parallel_loop3A_373 = tpu.vector_load %arg9[%parallel_loop3A_372] {strides = array<i32>} : memref<65536xf32, #tpu.memory_space<vmem>>, vector<16xf32>,
        %parallel_loop3A_374 = vector.shape_cast %parallel_loop3A_373 : vector<16xf32> to vector<16xf32>
        %parallel_loop3A_375 = vector.shape_cast %parallel_loop3A_371 : vector<16xf32> to vector<16xf32>
        tpu.vector_store %arg9[%parallel_loop3A_372], %parallel_loop3A_375 {add = true, strides = array<i32>} : memref<65536xf32, #tpu.memory_space<vmem>>, vector<16xf32>,
        %parallel_loop3A_376 = arith.constant 256 : i32
        %parallel_loop3A_377 = arith.muli %parallel_loop3A_195, %parallel_loop3A_376 : i32
        %parallel_loop3A_378 = arith.constant 240 : i32
        %parallel_loop3A_379 = arith.addi %parallel_loop3A_377, %parallel_loop3A_378 : i32
        %parallel_loop3A_380 = arith.index_cast %parallel_loop3A_190 : i32 to index
        %parallel_loop3A_381 = arith.constant 240 : index
        %parallel_loop3A_382 = tpu.vector_load %arg6[%parallel_loop3A_380, %parallel_loop3A_381] {strides = array<i32>} : memref<80x256xf32, #tpu.memory_space<vmem>>, vector<1x16xf32>,
        %parallel_loop3A_383 = vector.shape_cast %parallel_loop3A_382 : vector<1x16xf32> to vector<16xf32>
        %parallel_loop3A_384 = arith.index_cast %parallel_loop3A_379 : i32 to index
        %parallel_loop3A_385 = tpu.vector_load %arg9[%parallel_loop3A_384] {strides = array<i32>} : memref<65536xf32, #tpu.memory_space<vmem>>, vector<16xf32>,
        %parallel_loop3A_386 = vector.shape_cast %parallel_loop3A_385 : vector<16xf32> to vector<16xf32>
        %parallel_loop3A_387 = vector.shape_cast %parallel_loop3A_383 : vector<16xf32> to vector<16xf32>
        tpu.vector_store %arg9[%parallel_loop3A_384], %parallel_loop3A_387 {add = true, strides = array<i32>} : memref<65536xf32, #tpu.memory_space<vmem>>, vector<16xf32>,
      } {sc.loop_unroll_factor = 2 : i64, sc.parallel_access}
    }
    %eq3A = arith.constant 1 : i32
    %eq3A_75 = arith.cmpi eq, %sub3A_54, %eq3A : i32
    %convert_element_type3A = arith.extui %eq3A_75 : i1 to i32
    %cond3A = arith.constant 0 : i32
    %cond3A_76 = arith.cmpi ne, %convert_element_type3A, %cond3A : i32
    scf.if %cond3A_76 {
      %sub3A_135 = arith.constant 1 : i32
      %sub3A_136 = arith.subi %select_n3A, %sub3A_135 : i32
      %mul3A_137 = arith.constant 16 : i32
      %mul3A_138 = arith.muli %sub3A_136, %mul3A_137 : i32
      %add3A_139 = arith.addi %arg1, %mul3A_138 : i32
      %mul3A_140 = arith.constant 80 : i32
      %mul3A_141 = arith.muli %add3A_139, %mul3A_140 : i32
      %dma_wait3A = tpu.memref_slice %arg2[%mul3A_141, %multiple_of3A] : memref<100000x512xf32, #tpu.memory_space<hbm>> -> memref<80x256xf32, #tpu.memory_space<hbm>>
      %dma_wait3A_142 = tpu.memref_slice %arg2[%mul3A_141, %multiple_of3A] : memref<100000x512xf32, #tpu.memory_space<hbm>> -> memref<80x256xf32, #tpu.memory_space<hbm>>
      tpu.wait_dma2 semaphore(%arg13 : memref<!tpu.dma_semaphore, #tpu.memory_space<semaphore_mem>>) src(%dma_wait3A_142 : memref<80x256xf32, #tpu.memory_space<hbm>>) dst(%arg5 : memref<80x256xf32, #tpu.memory_space<vmem>>)
      %dma_wait3A_143 = arith.constant 0 : i32
      %dma_wait3A_144 = tpu.memref_slice %arg7[%dma_wait3A_143] : memref<96xi32, #tpu.memory_space<vmem>> -> memref<80xi32, #tpu.memory_space<vmem>>
      %dma_wait3A_145 = tpu.memref_slice %arg3[%mul3A_141] : memref<100000xi32, #tpu.memory_space<hbm>> -> memref<80xi32, #tpu.memory_space<hbm>>
      %dma_wait3A_146 = arith.constant 0 : i32
      %dma_wait3A_147 = tpu.memref_slice %arg7[%dma_wait3A_146] : memref<96xi32, #tpu.memory_space<vmem>> -> memref<80xi32, #tpu.memory_space<vmem>>
      %dma_wait3A_148 = tpu.memref_slice %arg3[%mul3A_141] : memref<100000xi32, #tpu.memory_space<hbm>> -> memref<80xi32, #tpu.memory_space<hbm>>
      tpu.wait_dma2 semaphore(%arg13 : memref<!tpu.dma_semaphore, #tpu.memory_space<semaphore_mem>>) src(%dma_wait3A_148 : memref<80xi32, #tpu.memory_space<hbm>>) dst(%dma_wait3A_147 : memref<80xi32, #tpu.memory_space<vmem>>)
      %parallel_loop3A = arith.constant 0 : i32
      %parallel_loop3A_149 = arith.constant 80 : i32
      %parallel_loop3A_150 = arith.constant 1 : i32
      scf.for %parallel_loop3A_151 = %parallel_loop3A to %parallel_loop3A_149 step %parallel_loop3A_150  : i32 {
        %parallel_loop3A_152 = arith.index_cast %parallel_loop3A_151 : i32 to index
        %parallel_loop3A_153 = tpu.vector_load %arg7[%parallel_loop3A_152] {strides = array<i32>} : memref<96xi32, #tpu.memory_space<vmem>>, vector<16xi32>,
        %parallel_loop3A_154 = vector.shape_cast %parallel_loop3A_153 : vector<16xi32> to vector<16xi32>
        %parallel_loop3A_155 = vector.extract_strided_slice %parallel_loop3A_154 {offsets = [0], sizes = [1], strides = [1]} : vector<16xi32> to vector<1xi32>
        %parallel_loop3A_156 = vector.extract %parallel_loop3A_155[0] : i32 from vector<1xi32>
        %parallel_loop3A_157 = arith.constant 256 : i32
        %parallel_loop3A_158 = arith.muli %parallel_loop3A_156, %parallel_loop3A_157 : i32
        %parallel_loop3A_159 = arith.constant 0 : i32
        %parallel_loop3A_160 = arith.addi %parallel_loop3A_158, %parallel_loop3A_159 : i32
        %parallel_loop3A_161 = arith.index_cast %parallel_loop3A_151 : i32 to index
        %parallel_loop3A_162 = arith.constant 0 : index
        %parallel_loop3A_163 = tpu.vector_load %arg5[%parallel_loop3A_161, %parallel_loop3A_162] {strides = array<i32>} : memref<80x256xf32, #tpu.memory_space<vmem>>, vector<1x16xf32>,
        %parallel_loop3A_164 = vector.shape_cast %parallel_loop3A_163 : vector<1x16xf32> to vector<16xf32>
        %parallel_loop3A_165 = arith.index_cast %parallel_loop3A_160 : i32 to index
        %parallel_loop3A_166 = tpu.vector_load %arg9[%parallel_loop3A_165] {strides = array<i32>} : memref<65536xf32, #tpu.memory_space<vmem>>, vector<16xf32>,
        %parallel_loop3A_167 = vector.shape_cast %parallel_loop3A_166 : vector<16xf32> to vector<16xf32>
        %parallel_loop3A_168 = vector.shape_cast %parallel_loop3A_164 : vector<16xf32> to vector<16xf32>
        tpu.vector_store %arg9[%parallel_loop3A_165], %parallel_loop3A_168 {add = true, strides = array<i32>} : memref<65536xf32, #tpu.memory_space<vmem>>, vector<16xf32>,
        %parallel_loop3A_169 = arith.constant 256 : i32
        %parallel_loop3A_170 = arith.muli %parallel_loop3A_156, %parallel_loop3A_169 : i32
        %parallel_loop3A_171 = arith.constant 16 : i32
        %parallel_loop3A_172 = arith.addi %parallel_loop3A_170, %parallel_loop3A_171 : i32
        %parallel_loop3A_173 = arith.index_cast %parallel_loop3A_151 : i32 to index
        %parallel_loop3A_174 = arith.constant 16 : index
        %parallel_loop3A_175 = tpu.vector_load %arg5[%parallel_loop3A_173, %parallel_loop3A_174] {strides = array<i32>} : memref<80x256xf32, #tpu.memory_space<vmem>>, vector<1x16xf32>,
        %parallel_loop3A_176 = vector.shape_cast %parallel_loop3A_175 : vector<1x16xf32> to vector<16xf32>
        %parallel_loop3A_177 = arith.index_cast %parallel_loop3A_172 : i32 to index
        %parallel_loop3A_178 = tpu.vector_load %arg9[%parallel_loop3A_177] {strides = array<i32>} : memref<65536xf32, #tpu.memory_space<vmem>>, vector<16xf32>,
        %parallel_loop3A_179 = vector.shape_cast %parallel_loop3A_178 : vector<16xf32> to vector<16xf32>
        %parallel_loop3A_180 = vector.shape_cast %parallel_loop3A_176 : vector<16xf32> to vector<16xf32>
        tpu.vector_store %arg9[%parallel_loop3A_177], %parallel_loop3A_180 {add = true, strides = array<i32>} : memref<65536xf32, #tpu.memory_space<vmem>>, vector<16xf32>,
        %parallel_loop3A_181 = arith.constant 256 : i32
        %parallel_loop3A_182 = arith.muli %parallel_loop3A_156, %parallel_loop3A_181 : i32
        %parallel_loop3A_183 = arith.constant 32 : i32
        %parallel_loop3A_184 = arith.addi %parallel_loop3A_182, %parallel_loop3A_183 : i32
        %parallel_loop3A_185 = arith.index_cast %parallel_loop3A_151 : i32 to index
        %parallel_loop3A_186 = arith.constant 32 : index
        %parallel_loop3A_187 = tpu.vector_load %arg5[%parallel_loop3A_185, %parallel_loop3A_186] {strides = array<i32>} : memref<80x256xf32, #tpu.memory_space<vmem>>, vector<1x16xf32>,
        %parallel_loop3A_188 = vector.shape_cast %parallel_loop3A_187 : vector<1x16xf32> to vector<16xf32>
        %parallel_loop3A_189 = arith.index_cast %parallel_loop3A_184 : i32 to index
        %parallel_loop3A_190 = tpu.vector_load %arg9[%parallel_loop3A_189] {strides = array<i32>} : memref<65536xf32, #tpu.memory_space<vmem>>, vector<16xf32>,
        %parallel_loop3A_191 = vector.shape_cast %parallel_loop3A_190 : vector<16xf32> to vector<16xf32>
        %parallel_loop3A_192 = vector.shape_cast %parallel_loop3A_188 : vector<16xf32> to vector<16xf32>
        tpu.vector_store %arg9[%parallel_loop3A_189], %parallel_loop3A_192 {add = true, strides = array<i32>} : memref<65536xf32, #tpu.memory_space<vmem>>, vector<16xf32>,
        %parallel_loop3A_193 = arith.constant 256 : i32
        %parallel_loop3A_194 = arith.muli %parallel_loop3A_156, %parallel_loop3A_193 : i32
        %parallel_loop3A_195 = arith.constant 48 : i32
        %parallel_loop3A_196 = arith.addi %parallel_loop3A_194, %parallel_loop3A_195 : i32
        %parallel_loop3A_197 = arith.index_cast %parallel_loop3A_151 : i32 to index
        %parallel_loop3A_198 = arith.constant 48 : index
        %parallel_loop3A_199 = tpu.vector_load %arg5[%parallel_loop3A_197, %parallel_loop3A_198] {strides = array<i32>} : memref<80x256xf32, #tpu.memory_space<vmem>>, vector<1x16xf32>,
        %parallel_loop3A_200 = vector.shape_cast %parallel_loop3A_199 : vector<1x16xf32> to vector<16xf32>
        %parallel_loop3A_201 = arith.index_cast %parallel_loop3A_196 : i32 to index
        %parallel_loop3A_202 = tpu.vector_load %arg9[%parallel_loop3A_201] {strides = array<i32>} : memref<65536xf32, #tpu.memory_space<vmem>>, vector<16xf32>,
        %parallel_loop3A_203 = vector.shape_cast %parallel_loop3A_202 : vector<16xf32> to vector<16xf32>
        %parallel_loop3A_204 = vector.shape_cast %parallel_loop3A_200 : vector<16xf32> to vector<16xf32>
        tpu.vector_store %arg9[%parallel_loop3A_201], %parallel_loop3A_204 {add = true, strides = array<i32>} : memref<65536xf32, #tpu.memory_space<vmem>>, vector<16xf32>,
        %parallel_loop3A_205 = arith.constant 256 : i32
        %parallel_loop3A_206 = arith.muli %parallel_loop3A_156, %parallel_loop3A_205 : i32
        %parallel_loop3A_207 = arith.constant 64 : i32
        %parallel_loop3A_208 = arith.addi %parallel_loop3A_206, %parallel_loop3A_207 : i32
        %parallel_loop3A_209 = arith.index_cast %parallel_loop3A_151 : i32 to index
        %parallel_loop3A_210 = arith.constant 64 : index
        %parallel_loop3A_211 = tpu.vector_load %arg5[%parallel_loop3A_209, %parallel_loop3A_210] {strides = array<i32>} : memref<80x256xf32, #tpu.memory_space<vmem>>, vector<1x16xf32>,
        %parallel_loop3A_212 = vector.shape_cast %parallel_loop3A_211 : vector<1x16xf32> to vector<16xf32>
        %parallel_loop3A_213 = arith.index_cast %parallel_loop3A_208 : i32 to index
        %parallel_loop3A_214 = tpu.vector_load %arg9[%parallel_loop3A_213] {strides = array<i32>} : memref<65536xf32, #tpu.memory_space<vmem>>, vector<16xf32>,
        %parallel_loop3A_215 = vector.shape_cast %parallel_loop3A_214 : vector<16xf32> to vector<16xf32>
        %parallel_loop3A_216 = vector.shape_cast %parallel_loop3A_212 : vector<16xf32> to vector<16xf32>
        tpu.vector_store %arg9[%parallel_loop3A_213], %parallel_loop3A_216 {add = true, strides = array<i32>} : memref<65536xf32, #tpu.memory_space<vmem>>, vector<16xf32>,
        %parallel_loop3A_217 = arith.constant 256 : i32
        %parallel_loop3A_218 = arith.muli %parallel_loop3A_156, %parallel_loop3A_217 : i32
        %parallel_loop3A_219 = arith.constant 80 : i32
        %parallel_loop3A_220 = arith.addi %parallel_loop3A_218, %parallel_loop3A_219 : i32
        %parallel_loop3A_221 = arith.index_cast %parallel_loop3A_151 : i32 to index
        %parallel_loop3A_222 = arith.constant 80 : index
        %parallel_loop3A_223 = tpu.vector_load %arg5[%parallel_loop3A_221, %parallel_loop3A_222] {strides = array<i32>} : memref<80x256xf32, #tpu.memory_space<vmem>>, vector<1x16xf32>,
        %parallel_loop3A_224 = vector.shape_cast %parallel_loop3A_223 : vector<1x16xf32> to vector<16xf32>
        %parallel_loop3A_225 = arith.index_cast %parallel_loop3A_220 : i32 to index
        %parallel_loop3A_226 = tpu.vector_load %arg9[%parallel_loop3A_225] {strides = array<i32>} : memref<65536xf32, #tpu.memory_space<vmem>>, vector<16xf32>,
        %parallel_loop3A_227 = vector.shape_cast %parallel_loop3A_226 : vector<16xf32> to vector<16xf32>
        %parallel_loop3A_228 = vector.shape_cast %parallel_loop3A_224 : vector<16xf32> to vector<16xf32>
        tpu.vector_store %arg9[%parallel_loop3A_225], %parallel_loop3A_228 {add = true, strides = array<i32>} : memref<65536xf32, #tpu.memory_space<vmem>>, vector<16xf32>,
        %parallel_loop3A_229 = arith.constant 256 : i32
        %parallel_loop3A_230 = arith.muli %parallel_loop3A_156, %parallel_loop3A_229 : i32
        %parallel_loop3A_231 = arith.constant 96 : i32
        %parallel_loop3A_232 = arith.addi %parallel_loop3A_230, %parallel_loop3A_231 : i32
        %parallel_loop3A_233 = arith.index_cast %parallel_loop3A_151 : i32 to index
        %parallel_loop3A_234 = arith.constant 96 : index
        %parallel_loop3A_235 = tpu.vector_load %arg5[%parallel_loop3A_233, %parallel_loop3A_234] {strides = array<i32>} : memref<80x256xf32, #tpu.memory_space<vmem>>, vector<1x16xf32>,
        %parallel_loop3A_236 = vector.shape_cast %parallel_loop3A_235 : vector<1x16xf32> to vector<16xf32>
        %parallel_loop3A_237 = arith.index_cast %parallel_loop3A_232 : i32 to index
        %parallel_loop3A_238 = tpu.vector_load %arg9[%parallel_loop3A_237] {strides = array<i32>} : memref<65536xf32, #tpu.memory_space<vmem>>, vector<16xf32>,
        %parallel_loop3A_239 = vector.shape_cast %parallel_loop3A_238 : vector<16xf32> to vector<16xf32>
        %parallel_loop3A_240 = vector.shape_cast %parallel_loop3A_236 : vector<16xf32> to vector<16xf32>
        tpu.vector_store %arg9[%parallel_loop3A_237], %parallel_loop3A_240 {add = true, strides = array<i32>} : memref<65536xf32, #tpu.memory_space<vmem>>, vector<16xf32>,
        %parallel_loop3A_241 = arith.constant 256 : i32
        %parallel_loop3A_242 = arith.muli %parallel_loop3A_156, %parallel_loop3A_241 : i32
        %parallel_loop3A_243 = arith.constant 112 : i32
        %parallel_loop3A_244 = arith.addi %parallel_loop3A_242, %parallel_loop3A_243 : i32
        %parallel_loop3A_245 = arith.index_cast %parallel_loop3A_151 : i32 to index
        %parallel_loop3A_246 = arith.constant 112 : index
        %parallel_loop3A_247 = tpu.vector_load %arg5[%parallel_loop3A_245, %parallel_loop3A_246] {strides = array<i32>} : memref<80x256xf32, #tpu.memory_space<vmem>>, vector<1x16xf32>,
        %parallel_loop3A_248 = vector.shape_cast %parallel_loop3A_247 : vector<1x16xf32> to vector<16xf32>
        %parallel_loop3A_249 = arith.index_cast %parallel_loop3A_244 : i32 to index
        %parallel_loop3A_250 = tpu.vector_load %arg9[%parallel_loop3A_249] {strides = array<i32>} : memref<65536xf32, #tpu.memory_space<vmem>>, vector<16xf32>,
        %parallel_loop3A_251 = vector.shape_cast %parallel_loop3A_250 : vector<16xf32> to vector<16xf32>
        %parallel_loop3A_252 = vector.shape_cast %parallel_loop3A_248 : vector<16xf32> to vector<16xf32>
        tpu.vector_store %arg9[%parallel_loop3A_249], %parallel_loop3A_252 {add = true, strides = array<i32>} : memref<65536xf32, #tpu.memory_space<vmem>>, vector<16xf32>,
        %parallel_loop3A_253 = arith.constant 256 : i32
        %parallel_loop3A_254 = arith.muli %parallel_loop3A_156, %parallel_loop3A_253 : i32
        %parallel_loop3A_255 = arith.constant 128 : i32
        %parallel_loop3A_256 = arith.addi %parallel_loop3A_254, %parallel_loop3A_255 : i32
        %parallel_loop3A_257 = arith.index_cast %parallel_loop3A_151 : i32 to index
        %parallel_loop3A_258 = arith.constant 128 : index
        %parallel_loop3A_259 = tpu.vector_load %arg5[%parallel_loop3A_257, %parallel_loop3A_258] {strides = array<i32>} : memref<80x256xf32, #tpu.memory_space<vmem>>, vector<1x16xf32>,
        %parallel_loop3A_260 = vector.shape_cast %parallel_loop3A_259 : vector<1x16xf32> to vector<16xf32>
        %parallel_loop3A_261 = arith.index_cast %parallel_loop3A_256 : i32 to index
        %parallel_loop3A_262 = tpu.vector_load %arg9[%parallel_loop3A_261] {strides = array<i32>} : memref<65536xf32, #tpu.memory_space<vmem>>, vector<16xf32>,
        %parallel_loop3A_263 = vector.shape_cast %parallel_loop3A_262 : vector<16xf32> to vector<16xf32>
        %parallel_loop3A_264 = vector.shape_cast %parallel_loop3A_260 : vector<16xf32> to vector<16xf32>
        tpu.vector_store %arg9[%parallel_loop3A_261], %parallel_loop3A_264 {add = true, strides = array<i32>} : memref<65536xf32, #tpu.memory_space<vmem>>, vector<16xf32>,
        %parallel_loop3A_265 = arith.constant 256 : i32
        %parallel_loop3A_266 = arith.muli %parallel_loop3A_156, %parallel_loop3A_265 : i32
        %parallel_loop3A_267 = arith.constant 144 : i32
        %parallel_loop3A_268 = arith.addi %parallel_loop3A_266, %parallel_loop3A_267 : i32
        %parallel_loop3A_269 = arith.index_cast %parallel_loop3A_151 : i32 to index
        %parallel_loop3A_270 = arith.constant 144 : index
        %parallel_loop3A_271 = tpu.vector_load %arg5[%parallel_loop3A_269, %parallel_loop3A_270] {strides = array<i32>} : memref<80x256xf32, #tpu.memory_space<vmem>>, vector<1x16xf32>,
        %parallel_loop3A_272 = vector.shape_cast %parallel_loop3A_271 : vector<1x16xf32> to vector<16xf32>
        %parallel_loop3A_273 = arith.index_cast %parallel_loop3A_268 : i32 to index
        %parallel_loop3A_274 = tpu.vector_load %arg9[%parallel_loop3A_273] {strides = array<i32>} : memref<65536xf32, #tpu.memory_space<vmem>>, vector<16xf32>,
        %parallel_loop3A_275 = vector.shape_cast %parallel_loop3A_274 : vector<16xf32> to vector<16xf32>
        %parallel_loop3A_276 = vector.shape_cast %parallel_loop3A_272 : vector<16xf32> to vector<16xf32>
        tpu.vector_store %arg9[%parallel_loop3A_273], %parallel_loop3A_276 {add = true, strides = array<i32>} : memref<65536xf32, #tpu.memory_space<vmem>>, vector<16xf32>,
        %parallel_loop3A_277 = arith.constant 256 : i32
        %parallel_loop3A_278 = arith.muli %parallel_loop3A_156, %parallel_loop3A_277 : i32
        %parallel_loop3A_279 = arith.constant 160 : i32
        %parallel_loop3A_280 = arith.addi %parallel_loop3A_278, %parallel_loop3A_279 : i32
        %parallel_loop3A_281 = arith.index_cast %parallel_loop3A_151 : i32 to index
        %parallel_loop3A_282 = arith.constant 160 : index
        %parallel_loop3A_283 = tpu.vector_load %arg5[%parallel_loop3A_281, %parallel_loop3A_282] {strides = array<i32>} : memref<80x256xf32, #tpu.memory_space<vmem>>, vector<1x16xf32>,
        %parallel_loop3A_284 = vector.shape_cast %parallel_loop3A_283 : vector<1x16xf32> to vector<16xf32>
        %parallel_loop3A_285 = arith.index_cast %parallel_loop3A_280 : i32 to index
        %parallel_loop3A_286 = tpu.vector_load %arg9[%parallel_loop3A_285] {strides = array<i32>} : memref<65536xf32, #tpu.memory_space<vmem>>, vector<16xf32>,
        %parallel_loop3A_287 = vector.shape_cast %parallel_loop3A_286 : vector<16xf32> to vector<16xf32>
        %parallel_loop3A_288 = vector.shape_cast %parallel_loop3A_284 : vector<16xf32> to vector<16xf32>
        tpu.vector_store %arg9[%parallel_loop3A_285], %parallel_loop3A_288 {add = true, strides = array<i32>} : memref<65536xf32, #tpu.memory_space<vmem>>, vector<16xf32>,
        %parallel_loop3A_289 = arith.constant 256 : i32
        %parallel_loop3A_290 = arith.muli %parallel_loop3A_156, %parallel_loop3A_289 : i32
        %parallel_loop3A_291 = arith.constant 176 : i32
        %parallel_loop3A_292 = arith.addi %parallel_loop3A_290, %parallel_loop3A_291 : i32
        %parallel_loop3A_293 = arith.index_cast %parallel_loop3A_151 : i32 to index
        %parallel_loop3A_294 = arith.constant 176 : index
        %parallel_loop3A_295 = tpu.vector_load %arg5[%parallel_loop3A_293, %parallel_loop3A_294] {strides = array<i32>} : memref<80x256xf32, #tpu.memory_space<vmem>>, vector<1x16xf32>,
        %parallel_loop3A_296 = vector.shape_cast %parallel_loop3A_295 : vector<1x16xf32> to vector<16xf32>
        %parallel_loop3A_297 = arith.index_cast %parallel_loop3A_292 : i32 to index
        %parallel_loop3A_298 = tpu.vector_load %arg9[%parallel_loop3A_297] {strides = array<i32>} : memref<65536xf32, #tpu.memory_space<vmem>>, vector<16xf32>,
        %parallel_loop3A_299 = vector.shape_cast %parallel_loop3A_298 : vector<16xf32> to vector<16xf32>
        %parallel_loop3A_300 = vector.shape_cast %parallel_loop3A_296 : vector<16xf32> to vector<16xf32>
        tpu.vector_store %arg9[%parallel_loop3A_297], %parallel_loop3A_300 {add = true, strides = array<i32>} : memref<65536xf32, #tpu.memory_space<vmem>>, vector<16xf32>,
        %parallel_loop3A_301 = arith.constant 256 : i32
        %parallel_loop3A_302 = arith.muli %parallel_loop3A_156, %parallel_loop3A_301 : i32
        %parallel_loop3A_303 = arith.constant 192 : i32
        %parallel_loop3A_304 = arith.addi %parallel_loop3A_302, %parallel_loop3A_303 : i32
        %parallel_loop3A_305 = arith.index_cast %parallel_loop3A_151 : i32 to index
        %parallel_loop3A_306 = arith.constant 192 : index
        %parallel_loop3A_307 = tpu.vector_load %arg5[%parallel_loop3A_305, %parallel_loop3A_306] {strides = array<i32>} : memref<80x256xf32, #tpu.memory_space<vmem>>, vector<1x16xf32>,
        %parallel_loop3A_308 = vector.shape_cast %parallel_loop3A_307 : vector<1x16xf32> to vector<16xf32>
        %parallel_loop3A_309 = arith.index_cast %parallel_loop3A_304 : i32 to index
        %parallel_loop3A_310 = tpu.vector_load %arg9[%parallel_loop3A_309] {strides = array<i32>} : memref<65536xf32, #tpu.memory_space<vmem>>, vector<16xf32>,
        %parallel_loop3A_311 = vector.shape_cast %parallel_loop3A_310 : vector<16xf32> to vector<16xf32>
        %parallel_loop3A_312 = vector.shape_cast %parallel_loop3A_308 : vector<16xf32> to vector<16xf32>
        tpu.vector_store %arg9[%parallel_loop3A_309], %parallel_loop3A_312 {add = true, strides = array<i32>} : memref<65536xf32, #tpu.memory_space<vmem>>, vector<16xf32>,
        %parallel_loop3A_313 = arith.constant 256 : i32
        %parallel_loop3A_314 = arith.muli %parallel_loop3A_156, %parallel_loop3A_313 : i32
        %parallel_loop3A_315 = arith.constant 208 : i32
        %parallel_loop3A_316 = arith.addi %parallel_loop3A_314, %parallel_loop3A_315 : i32
        %parallel_loop3A_317 = arith.index_cast %parallel_loop3A_151 : i32 to index
        %parallel_loop3A_318 = arith.constant 208 : index
        %parallel_loop3A_319 = tpu.vector_load %arg5[%parallel_loop3A_317, %parallel_loop3A_318] {strides = array<i32>} : memref<80x256xf32, #tpu.memory_space<vmem>>, vector<1x16xf32>,
        %parallel_loop3A_320 = vector.shape_cast %parallel_loop3A_319 : vector<1x16xf32> to vector<16xf32>
        %parallel_loop3A_321 = arith.index_cast %parallel_loop3A_316 : i32 to index
        %parallel_loop3A_322 = tpu.vector_load %arg9[%parallel_loop3A_321] {strides = array<i32>} : memref<65536xf32, #tpu.memory_space<vmem>>, vector<16xf32>,
        %parallel_loop3A_323 = vector.shape_cast %parallel_loop3A_322 : vector<16xf32> to vector<16xf32>
        %parallel_loop3A_324 = vector.shape_cast %parallel_loop3A_320 : vector<16xf32> to vector<16xf32>
        tpu.vector_store %arg9[%parallel_loop3A_321], %parallel_loop3A_324 {add = true, strides = array<i32>} : memref<65536xf32, #tpu.memory_space<vmem>>, vector<16xf32>,
        %parallel_loop3A_325 = arith.constant 256 : i32
        %parallel_loop3A_326 = arith.muli %parallel_loop3A_156, %parallel_loop3A_325 : i32
        %parallel_loop3A_327 = arith.constant 224 : i32
        %parallel_loop3A_328 = arith.addi %parallel_loop3A_326, %parallel_loop3A_327 : i32
        %parallel_loop3A_329 = arith.index_cast %parallel_loop3A_151 : i32 to index
        %parallel_loop3A_330 = arith.constant 224 : index
        %parallel_loop3A_331 = tpu.vector_load %arg5[%parallel_loop3A_329, %parallel_loop3A_330] {strides = array<i32>} : memref<80x256xf32, #tpu.memory_space<vmem>>, vector<1x16xf32>,
        %parallel_loop3A_332 = vector.shape_cast %parallel_loop3A_331 : vector<1x16xf32> to vector<16xf32>
        %parallel_loop3A_333 = arith.index_cast %parallel_loop3A_328 : i32 to index
        %parallel_loop3A_334 = tpu.vector_load %arg9[%parallel_loop3A_333] {strides = array<i32>} : memref<65536xf32, #tpu.memory_space<vmem>>, vector<16xf32>,
        %parallel_loop3A_335 = vector.shape_cast %parallel_loop3A_334 : vector<16xf32> to vector<16xf32>
        %parallel_loop3A_336 = vector.shape_cast %parallel_loop3A_332 : vector<16xf32> to vector<16xf32>
        tpu.vector_store %arg9[%parallel_loop3A_333], %parallel_loop3A_336 {add = true, strides = array<i32>} : memref<65536xf32, #tpu.memory_space<vmem>>, vector<16xf32>,
        %parallel_loop3A_337 = arith.constant 256 : i32
        %parallel_loop3A_338 = arith.muli %parallel_loop3A_156, %parallel_loop3A_337 : i32
        %parallel_loop3A_339 = arith.constant 240 : i32
        %parallel_loop3A_340 = arith.addi %parallel_loop3A_338, %parallel_loop3A_339 : i32
        %parallel_loop3A_341 = arith.index_cast %parallel_loop3A_151 : i32 to index
        %parallel_loop3A_342 = arith.constant 240 : index
        %parallel_loop3A_343 = tpu.vector_load %arg5[%parallel_loop3A_341, %parallel_loop3A_342] {strides = array<i32>} : memref<80x256xf32, #tpu.memory_space<vmem>>, vector<1x16xf32>,
        %parallel_loop3A_344 = vector.shape_cast %parallel_loop3A_343 : vector<1x16xf32> to vector<16xf32>
        %parallel_loop3A_345 = arith.index_cast %parallel_loop3A_340 : i32 to index
        %parallel_loop3A_346 = tpu.vector_load %arg9[%parallel_loop3A_345] {strides = array<i32>} : memref<65536xf32, #tpu.memory_space<vmem>>, vector<16xf32>,
        %parallel_loop3A_347 = vector.shape_cast %parallel_loop3A_346 : vector<16xf32> to vector<16xf32>
        %parallel_loop3A_348 = vector.shape_cast %parallel_loop3A_344 : vector<16xf32> to vector<16xf32>
        tpu.vector_store %arg9[%parallel_loop3A_345], %parallel_loop3A_348 {add = true, strides = array<i32>} : memref<65536xf32, #tpu.memory_space<vmem>>, vector<16xf32>,
      } {sc.loop_unroll_factor = 2 : i64, sc.parallel_access}
    } else {
    }
    "tpu.region"() ({
      %run_scoped3A_135 = tpu.sem_alloc : memref<!tpu.dma_semaphore, #tpu.memory_space<semaphore_mem>>
      %dma_start3A_136 = arith.constant 0 : i32
      %dma_start3A_137 = tpu.memref_slice %arg9[%dma_start3A_136] : memref<65536xf32, #tpu.memory_space<vmem>> -> memref<16384xf32, #tpu.memory_space<vmem>>
      %dma_start3A_138 = arith.constant 0 : i32
      %dma_start3A_139 = tpu.memref_slice %arg12[%arg1, %dma_start3A_138] : memref<16x16384xf32, #tpu.memory_space<vmem_shared>> -> memref<1x16384xf32, #tpu.memory_space<vmem_shared>>
      %dma_start3A_140 = tpu.memref_squeeze %dma_start3A_139 : memref<1x16384xf32, #tpu.memory_space<vmem_shared>> -> memref<16384xf32, #tpu.memory_space<vmem_shared>>
      %dma_start3A_141 = arith.constant 0 : i32
      %dma_start3A_142 = tpu.memref_slice %arg12[%arg1, %dma_start3A_141] : memref<16x16384xf32, #tpu.memory_space<vmem_shared>> -> memref<1x16384xf32, #tpu.memory_space<vmem_shared>>
      %dma_start3A_143 = tpu.memref_squeeze %dma_start3A_142 : memref<1x16384xf32, #tpu.memory_space<vmem_shared>> -> memref<16384xf32, #tpu.memory_space<vmem_shared>>
      %dma_start3A_144 = arith.constant 0 : i32
      %dma_start3A_145 = tpu.memref_slice %arg9[%dma_start3A_144] : memref<65536xf32, #tpu.memory_space<vmem>> -> memref<16384xf32, #tpu.memory_space<vmem>>
      tpu.enqueue_dma source(%dma_start3A_145 : memref<16384xf32, #tpu.memory_space<vmem>>) target(%dma_start3A_143 : memref<16384xf32, #tpu.memory_space<vmem_shared>>) target_semaphore(%run_scoped3A_135 : memref<!tpu.dma_semaphore, #tpu.memory_space<semaphore_mem>>)
      %dma_wait3A = arith.constant 0 : i32
      %dma_wait3A_146 = tpu.memref_slice %arg9[%dma_wait3A] : memref<65536xf32, #tpu.memory_space<vmem>> -> memref<16384xf32, #tpu.memory_space<vmem>>
      %dma_wait3A_147 = arith.constant 0 : i32
      %dma_wait3A_148 = tpu.memref_slice %arg12[%arg1, %dma_wait3A_147] : memref<16x16384xf32, #tpu.memory_space<vmem_shared>> -> memref<1x16384xf32, #tpu.memory_space<vmem_shared>>
      %dma_wait3A_149 = tpu.memref_squeeze %dma_wait3A_148 : memref<1x16384xf32, #tpu.memory_space<vmem_shared>> -> memref<16384xf32, #tpu.memory_space<vmem_shared>>
      %dma_wait3A_150 = arith.constant 0 : i32
      %dma_wait3A_151 = tpu.memref_slice %arg12[%arg1, %dma_wait3A_150] : memref<16x16384xf32, #tpu.memory_space<vmem_shared>> -> memref<1x16384xf32, #tpu.memory_space<vmem_shared>>
      %dma_wait3A_152 = tpu.memref_squeeze %dma_wait3A_151 : memref<1x16384xf32, #tpu.memory_space<vmem_shared>> -> memref<16384xf32, #tpu.memory_space<vmem_shared>>
      %dma_wait3A_153 = arith.constant 0 : i32
      %dma_wait3A_154 = tpu.memref_slice %arg9[%dma_wait3A_153] : memref<65536xf32, #tpu.memory_space<vmem>> -> memref<16384xf32, #tpu.memory_space<vmem>>
      tpu.wait_dma2 semaphore(%run_scoped3A_135 : memref<!tpu.dma_semaphore, #tpu.memory_space<semaphore_mem>>) src(%dma_wait3A_154 : memref<16384xf32, #tpu.memory_space<vmem>>) dst(%dma_wait3A_152 : memref<16384xf32, #tpu.memory_space<vmem_shared>>)
      tpu.yield
    }) : () -> ()
    %barrier3A = arith.constant 0 : index
    tpu.barrier barrier_id(%barrier3A)
    %scan3A_77 = arith.constant 0 : i32
    %scan3A_78 = arith.constant 0 : i32
    %scan3A_79 = arith.constant 64 : i32
    %scan3A_80 = arith.addi %scan3A_78, %scan3A_79 : i32
    %scan3A_81 = arith.constant 1 : i32
    scf.for %scan3A_135 = %scan3A_78 to %scan3A_80 step %scan3A_81  : i32 {
      %mul3A_136 = arith.constant 16 : i32
      %mul3A_137 = arith.muli %scan3A_135, %mul3A_136 : i32
      %swap3A = arith.index_cast %mul3A_137 : i32 to index
      %swap3A_138 = tpu.vector_load %arg11[%swap3A] {strides = array<i32>} : memref<1024xf32, #tpu.memory_space<vmem>>, vector<16xf32>,
      %swap3A_139 = vector.shape_cast %swap3A_138 : vector<16xf32> to vector<16xf32>
      %swap3A_140 = vector.shape_cast %broadcast_in_dim3A_1 : vector<16xf32> to vector<16xf32>
      tpu.vector_store %arg11[%swap3A], %swap3A_140 {strides = array<i32>} : memref<1024xf32, #tpu.memory_space<vmem>>, vector<16xf32>,
    }
    %scan3A_82 = arith.constant 64 : i32
    %scan3A_83 = arith.constant 0 : i32
    %scan3A_84 = arith.constant 0 : i32
    %scan3A_85 = arith.constant 16 : i32
    %scan3A_86 = arith.addi %scan3A_84, %scan3A_85 : i32
    %scan3A_87 = arith.constant 1 : i32
    scf.for %scan3A_135 = %scan3A_84 to %scan3A_86 step %scan3A_87  : i32 {
      %mul3A_136 = arith.constant 1024 : i32
      %mul3A_137 = arith.muli %arg1, %mul3A_136 : i32
      "tpu.region"() ({
        %run_scoped3A_144 = tpu.sem_alloc : memref<!tpu.dma_semaphore, #tpu.memory_space<semaphore_mem>>
        %dma_start3A_145 = tpu.memref_slice %arg12[%scan3A_135, %mul3A_137] : memref<16x16384xf32, #tpu.memory_space<vmem_shared>> -> memref<1x1024xf32, #tpu.memory_space<vmem_shared>>
        %dma_start3A_146 = tpu.memref_squeeze %dma_start3A_145 : memref<1x1024xf32, #tpu.memory_space<vmem_shared>> -> memref<1024xf32, #tpu.memory_space<vmem_shared>>
        %dma_start3A_147 = tpu.memref_slice %arg12[%scan3A_135, %mul3A_137] : memref<16x16384xf32, #tpu.memory_space<vmem_shared>> -> memref<1x1024xf32, #tpu.memory_space<vmem_shared>>
        %dma_start3A_148 = tpu.memref_squeeze %dma_start3A_147 : memref<1x1024xf32, #tpu.memory_space<vmem_shared>> -> memref<1024xf32, #tpu.memory_space<vmem_shared>>
        tpu.enqueue_dma source(%dma_start3A_148 : memref<1024xf32, #tpu.memory_space<vmem_shared>>) target(%arg10 : memref<1024xf32, #tpu.memory_space<vmem>>) target_semaphore(%run_scoped3A_144 : memref<!tpu.dma_semaphore, #tpu.memory_space<semaphore_mem>>)
        %dma_wait3A = tpu.memref_slice %arg12[%scan3A_135, %mul3A_137] : memref<16x16384xf32, #tpu.memory_space<vmem_shared>> -> memref<1x1024xf32, #tpu.memory_space<vmem_shared>>
        %dma_wait3A_149 = tpu.memref_squeeze %dma_wait3A : memref<1x1024xf32, #tpu.memory_space<vmem_shared>> -> memref<1024xf32, #tpu.memory_space<vmem_shared>>
        %dma_wait3A_150 = tpu.memref_slice %arg12[%scan3A_135, %mul3A_137] : memref<16x16384xf32, #tpu.memory_space<vmem_shared>> -> memref<1x1024xf32, #tpu.memory_space<vmem_shared>>
        %dma_wait3A_151 = tpu.memref_squeeze %dma_wait3A_150 : memref<1x1024xf32, #tpu.memory_space<vmem_shared>> -> memref<1024xf32, #tpu.memory_space<vmem_shared>>
        tpu.wait_dma2 semaphore(%run_scoped3A_144 : memref<!tpu.dma_semaphore, #tpu.memory_space<semaphore_mem>>) src(%dma_wait3A_151 : memref<1024xf32, #tpu.memory_space<vmem_shared>>) dst(%arg10 : memref<1024xf32, #tpu.memory_space<vmem>>)
        tpu.yield
      }) : () -> ()
      %scan3A_138 = arith.constant 0 : i32
      %scan3A_139 = arith.constant 0 : i32
      %scan3A_140 = arith.constant 64 : i32
      %scan3A_141 = arith.addi %scan3A_139, %scan3A_140 : i32
      %scan3A_142 = arith.constant 1 : i32
      scf.for %scan3A_144 = %scan3A_139 to %scan3A_141 step %scan3A_142  : i32 {
        %mul3A_145 = arith.constant 16 : i32
        %mul3A_146 = arith.muli %scan3A_144, %mul3A_145 : i32
        %mul3A_147 = arith.constant 16 : i32
        %mul3A_148 = arith.muli %scan3A_144, %mul3A_147 : i32
        %get3A = arith.index_cast %mul3A_148 : i32 to index
        %get3A_149 = tpu.vector_load %arg10[%get3A] {strides = array<i32>} : memref<1024xf32, #tpu.memory_space<vmem>>, vector<16xf32>,
        %get3A_150 = vector.shape_cast %get3A_149 : vector<16xf32> to vector<16xf32>
        %swap3A = arith.index_cast %mul3A_146 : i32 to index
        %swap3A_151 = tpu.vector_load %arg11[%swap3A] {strides = array<i32>} : memref<1024xf32, #tpu.memory_space<vmem>>, vector<16xf32>,
        %swap3A_152 = vector.shape_cast %swap3A_151 : vector<16xf32> to vector<16xf32>
        %swap3A_153 = vector.shape_cast %get3A_150 : vector<16xf32> to vector<16xf32>
        tpu.vector_store %arg11[%swap3A], %swap3A_153 {add = true, strides = array<i32>} : memref<1024xf32, #tpu.memory_space<vmem>>, vector<16xf32>,
      }
      %scan3A_143 = arith.constant 64 : i32
    }
    %scan3A_88 = arith.constant 16 : i32
    %run_scoped3A = arith.constant 0 : i32
    "tpu.region"() ({
      %run_scoped3A_135 = tpu.sem_alloc : memref<!tpu.dma_semaphore, #tpu.memory_space<semaphore_mem>>
      %dma_start3A_136 = arith.constant 0 : i32
      %dma_start3A_137 = tpu.memref_slice %arg4[%arg0, %run_scoped3A, %arg1, %dma_start3A_136] : memref<2x4x16x1024xf32, #tpu.memory_space<hbm>> -> memref<1x1x1x1024xf32, #tpu.memory_space<hbm>>
      %dma_start3A_138 = tpu.memref_squeeze %dma_start3A_137 : memref<1x1x1x1024xf32, #tpu.memory_space<hbm>> -> memref<1024xf32, #tpu.memory_space<hbm>>
      %dma_start3A_139 = arith.constant 0 : i32
      %dma_start3A_140 = tpu.memref_slice %arg4[%arg0, %run_scoped3A, %arg1, %dma_start3A_139] : memref<2x4x16x1024xf32, #tpu.memory_space<hbm>> -> memref<1x1x1x1024xf32, #tpu.memory_space<hbm>>
      %dma_start3A_141 = tpu.memref_squeeze %dma_start3A_140 : memref<1x1x1x1024xf32, #tpu.memory_space<hbm>> -> memref<1024xf32, #tpu.memory_space<hbm>>
      tpu.enqueue_dma source(%arg11 : memref<1024xf32, #tpu.memory_space<vmem>>) target(%dma_start3A_141 : memref<1024xf32, #tpu.memory_space<hbm>>) target_semaphore(%run_scoped3A_135 : memref<!tpu.dma_semaphore, #tpu.memory_space<semaphore_mem>>)
      %dma_wait3A = arith.constant 0 : i32
      %dma_wait3A_142 = tpu.memref_slice %arg4[%arg0, %run_scoped3A, %arg1, %dma_wait3A] : memref<2x4x16x1024xf32, #tpu.memory_space<hbm>> -> memref<1x1x1x1024xf32, #tpu.memory_space<hbm>>
      %dma_wait3A_143 = tpu.memref_squeeze %dma_wait3A_142 : memref<1x1x1x1024xf32, #tpu.memory_space<hbm>> -> memref<1024xf32, #tpu.memory_space<hbm>>
      %dma_wait3A_144 = arith.constant 0 : i32
      %dma_wait3A_145 = tpu.memref_slice %arg4[%arg0, %run_scoped3A, %arg1, %dma_wait3A_144] : memref<2x4x16x1024xf32, #tpu.memory_space<hbm>> -> memref<1x1x1x1024xf32, #tpu.memory_space<hbm>>
      %dma_wait3A_146 = tpu.memref_squeeze %dma_wait3A_145 : memref<1x1x1x1024xf32, #tpu.memory_space<hbm>> -> memref<1024xf32, #tpu.memory_space<hbm>>
      tpu.wait_dma2 semaphore(%run_scoped3A_135 : memref<!tpu.dma_semaphore, #tpu.memory_space<semaphore_mem>>) src(%arg11 : memref<1024xf32, #tpu.memory_space<vmem>>) dst(%dma_wait3A_146 : memref<1024xf32, #tpu.memory_space<hbm>>)
      tpu.yield
    }) : () -> ()
    %barrier3A_89 = arith.constant 0 : index
    tpu.barrier barrier_id(%barrier3A_89)
    "tpu.region"() ({
      %run_scoped3A_135 = tpu.sem_alloc : memref<!tpu.dma_semaphore, #tpu.memory_space<semaphore_mem>>
      %dma_start3A_136 = arith.constant 16384 : i32
      %dma_start3A_137 = tpu.memref_slice %arg9[%dma_start3A_136] : memref<65536xf32, #tpu.memory_space<vmem>> -> memref<16384xf32, #tpu.memory_space<vmem>>
      %dma_start3A_138 = arith.constant 0 : i32
      %dma_start3A_139 = tpu.memref_slice %arg12[%arg1, %dma_start3A_138] : memref<16x16384xf32, #tpu.memory_space<vmem_shared>> -> memref<1x16384xf32, #tpu.memory_space<vmem_shared>>
      %dma_start3A_140 = tpu.memref_squeeze %dma_start3A_139 : memref<1x16384xf32, #tpu.memory_space<vmem_shared>> -> memref<16384xf32, #tpu.memory_space<vmem_shared>>
      %dma_start3A_141 = arith.constant 0 : i32
      %dma_start3A_142 = tpu.memref_slice %arg12[%arg1, %dma_start3A_141] : memref<16x16384xf32, #tpu.memory_space<vmem_shared>> -> memref<1x16384xf32, #tpu.memory_space<vmem_shared>>
      %dma_start3A_143 = tpu.memref_squeeze %dma_start3A_142 : memref<1x16384xf32, #tpu.memory_space<vmem_shared>> -> memref<16384xf32, #tpu.memory_space<vmem_shared>>
      %dma_start3A_144 = arith.constant 16384 : i32
      %dma_start3A_145 = tpu.memref_slice %arg9[%dma_start3A_144] : memref<65536xf32, #tpu.memory_space<vmem>> -> memref<16384xf32, #tpu.memory_space<vmem>>
      tpu.enqueue_dma source(%dma_start3A_145 : memref<16384xf32, #tpu.memory_space<vmem>>) target(%dma_start3A_143 : memref<16384xf32, #tpu.memory_space<vmem_shared>>) target_semaphore(%run_scoped3A_135 : memref<!tpu.dma_semaphore, #tpu.memory_space<semaphore_mem>>)
      %dma_wait3A = arith.constant 16384 : i32
      %dma_wait3A_146 = tpu.memref_slice %arg9[%dma_wait3A] : memref<65536xf32, #tpu.memory_space<vmem>> -> memref<16384xf32, #tpu.memory_space<vmem>>
      %dma_wait3A_147 = arith.constant 0 : i32
      %dma_wait3A_148 = tpu.memref_slice %arg12[%arg1, %dma_wait3A_147] : memref<16x16384xf32, #tpu.memory_space<vmem_shared>> -> memref<1x16384xf32, #tpu.memory_space<vmem_shared>>
      %dma_wait3A_149 = tpu.memref_squeeze %dma_wait3A_148 : memref<1x16384xf32, #tpu.memory_space<vmem_shared>> -> memref<16384xf32, #tpu.memory_space<vmem_shared>>
      %dma_wait3A_150 = arith.constant 0 : i32
      %dma_wait3A_151 = tpu.memref_slice %arg12[%arg1, %dma_wait3A_150] : memref<16x16384xf32, #tpu.memory_space<vmem_shared>> -> memref<1x16384xf32, #tpu.memory_space<vmem_shared>>
      %dma_wait3A_152 = tpu.memref_squeeze %dma_wait3A_151 : memref<1x16384xf32, #tpu.memory_space<vmem_shared>> -> memref<16384xf32, #tpu.memory_space<vmem_shared>>
      %dma_wait3A_153 = arith.constant 16384 : i32
      %dma_wait3A_154 = tpu.memref_slice %arg9[%dma_wait3A_153] : memref<65536xf32, #tpu.memory_space<vmem>> -> memref<16384xf32, #tpu.memory_space<vmem>>
      tpu.wait_dma2 semaphore(%run_scoped3A_135 : memref<!tpu.dma_semaphore, #tpu.memory_space<semaphore_mem>>) src(%dma_wait3A_154 : memref<16384xf32, #tpu.memory_space<vmem>>) dst(%dma_wait3A_152 : memref<16384xf32, #tpu.memory_space<vmem_shared>>)
      tpu.yield
    }) : () -> ()
    %barrier3A_90 = arith.constant 0 : index
    tpu.barrier barrier_id(%barrier3A_90)
    %scan3A_91 = arith.constant 0 : i32
    %scan3A_92 = arith.constant 0 : i32
    %scan3A_93 = arith.constant 64 : i32
    %scan3A_94 = arith.addi %scan3A_92, %scan3A_93 : i32
    %scan3A_95 = arith.constant 1 : i32
    scf.for %scan3A_135 = %scan3A_92 to %scan3A_94 step %scan3A_95  : i32 {
      %mul3A_136 = arith.constant 16 : i32
      %mul3A_137 = arith.muli %scan3A_135, %mul3A_136 : i32
      %swap3A = arith.index_cast %mul3A_137 : i32 to index
      %swap3A_138 = tpu.vector_load %arg11[%swap3A] {strides = array<i32>} : memref<1024xf32, #tpu.memory_space<vmem>>, vector<16xf32>,
      %swap3A_139 = vector.shape_cast %swap3A_138 : vector<16xf32> to vector<16xf32>
      %swap3A_140 = vector.shape_cast %broadcast_in_dim3A_1 : vector<16xf32> to vector<16xf32>
      tpu.vector_store %arg11[%swap3A], %swap3A_140 {strides = array<i32>} : memref<1024xf32, #tpu.memory_space<vmem>>, vector<16xf32>,
    }
    %scan3A_96 = arith.constant 64 : i32
    %scan3A_97 = arith.constant 0 : i32
    %scan3A_98 = arith.constant 0 : i32
    %scan3A_99 = arith.constant 16 : i32
    %scan3A_100 = arith.addi %scan3A_98, %scan3A_99 : i32
    %scan3A_101 = arith.constant 1 : i32
    scf.for %scan3A_135 = %scan3A_98 to %scan3A_100 step %scan3A_101  : i32 {
      %mul3A_136 = arith.constant 1024 : i32
      %mul3A_137 = arith.muli %arg1, %mul3A_136 : i32
      "tpu.region"() ({
        %run_scoped3A_144 = tpu.sem_alloc : memref<!tpu.dma_semaphore, #tpu.memory_space<semaphore_mem>>
        %dma_start3A_145 = tpu.memref_slice %arg12[%scan3A_135, %mul3A_137] : memref<16x16384xf32, #tpu.memory_space<vmem_shared>> -> memref<1x1024xf32, #tpu.memory_space<vmem_shared>>
        %dma_start3A_146 = tpu.memref_squeeze %dma_start3A_145 : memref<1x1024xf32, #tpu.memory_space<vmem_shared>> -> memref<1024xf32, #tpu.memory_space<vmem_shared>>
        %dma_start3A_147 = tpu.memref_slice %arg12[%scan3A_135, %mul3A_137] : memref<16x16384xf32, #tpu.memory_space<vmem_shared>> -> memref<1x1024xf32, #tpu.memory_space<vmem_shared>>
        %dma_start3A_148 = tpu.memref_squeeze %dma_start3A_147 : memref<1x1024xf32, #tpu.memory_space<vmem_shared>> -> memref<1024xf32, #tpu.memory_space<vmem_shared>>
        tpu.enqueue_dma source(%dma_start3A_148 : memref<1024xf32, #tpu.memory_space<vmem_shared>>) target(%arg10 : memref<1024xf32, #tpu.memory_space<vmem>>) target_semaphore(%run_scoped3A_144 : memref<!tpu.dma_semaphore, #tpu.memory_space<semaphore_mem>>)
        %dma_wait3A = tpu.memref_slice %arg12[%scan3A_135, %mul3A_137] : memref<16x16384xf32, #tpu.memory_space<vmem_shared>> -> memref<1x1024xf32, #tpu.memory_space<vmem_shared>>
        %dma_wait3A_149 = tpu.memref_squeeze %dma_wait3A : memref<1x1024xf32, #tpu.memory_space<vmem_shared>> -> memref<1024xf32, #tpu.memory_space<vmem_shared>>
        %dma_wait3A_150 = tpu.memref_slice %arg12[%scan3A_135, %mul3A_137] : memref<16x16384xf32, #tpu.memory_space<vmem_shared>> -> memref<1x1024xf32, #tpu.memory_space<vmem_shared>>
        %dma_wait3A_151 = tpu.memref_squeeze %dma_wait3A_150 : memref<1x1024xf32, #tpu.memory_space<vmem_shared>> -> memref<1024xf32, #tpu.memory_space<vmem_shared>>
        tpu.wait_dma2 semaphore(%run_scoped3A_144 : memref<!tpu.dma_semaphore, #tpu.memory_space<semaphore_mem>>) src(%dma_wait3A_151 : memref<1024xf32, #tpu.memory_space<vmem_shared>>) dst(%arg10 : memref<1024xf32, #tpu.memory_space<vmem>>)
        tpu.yield
      }) : () -> ()
      %scan3A_138 = arith.constant 0 : i32
      %scan3A_139 = arith.constant 0 : i32
      %scan3A_140 = arith.constant 64 : i32
      %scan3A_141 = arith.addi %scan3A_139, %scan3A_140 : i32
      %scan3A_142 = arith.constant 1 : i32
      scf.for %scan3A_144 = %scan3A_139 to %scan3A_141 step %scan3A_142  : i32 {
        %mul3A_145 = arith.constant 16 : i32
        %mul3A_146 = arith.muli %scan3A_144, %mul3A_145 : i32
        %mul3A_147 = arith.constant 16 : i32
        %mul3A_148 = arith.muli %scan3A_144, %mul3A_147 : i32
        %get3A = arith.index_cast %mul3A_148 : i32 to index
        %get3A_149 = tpu.vector_load %arg10[%get3A] {strides = array<i32>} : memref<1024xf32, #tpu.memory_space<vmem>>, vector<16xf32>,
        %get3A_150 = vector.shape_cast %get3A_149 : vector<16xf32> to vector<16xf32>
        %swap3A = arith.index_cast %mul3A_146 : i32 to index
        %swap3A_151 = tpu.vector_load %arg11[%swap3A] {strides = array<i32>} : memref<1024xf32, #tpu.memory_space<vmem>>, vector<16xf32>,
        %swap3A_152 = vector.shape_cast %swap3A_151 : vector<16xf32> to vector<16xf32>
        %swap3A_153 = vector.shape_cast %get3A_150 : vector<16xf32> to vector<16xf32>
        tpu.vector_store %arg11[%swap3A], %swap3A_153 {add = true, strides = array<i32>} : memref<1024xf32, #tpu.memory_space<vmem>>, vector<16xf32>,
      }
      %scan3A_143 = arith.constant 64 : i32
    }
    %scan3A_102 = arith.constant 16 : i32
    %run_scoped3A_103 = arith.constant 1 : i32
    "tpu.region"() ({
      %run_scoped3A_135 = tpu.sem_alloc : memref<!tpu.dma_semaphore, #tpu.memory_space<semaphore_mem>>
      %dma_start3A_136 = arith.constant 0 : i32
      %dma_start3A_137 = tpu.memref_slice %arg4[%arg0, %run_scoped3A_103, %arg1, %dma_start3A_136] : memref<2x4x16x1024xf32, #tpu.memory_space<hbm>> -> memref<1x1x1x1024xf32, #tpu.memory_space<hbm>>
      %dma_start3A_138 = tpu.memref_squeeze %dma_start3A_137 : memref<1x1x1x1024xf32, #tpu.memory_space<hbm>> -> memref<1024xf32, #tpu.memory_space<hbm>>
      %dma_start3A_139 = arith.constant 0 : i32
      %dma_start3A_140 = tpu.memref_slice %arg4[%arg0, %run_scoped3A_103, %arg1, %dma_start3A_139] : memref<2x4x16x1024xf32, #tpu.memory_space<hbm>> -> memref<1x1x1x1024xf32, #tpu.memory_space<hbm>>
      %dma_start3A_141 = tpu.memref_squeeze %dma_start3A_140 : memref<1x1x1x1024xf32, #tpu.memory_space<hbm>> -> memref<1024xf32, #tpu.memory_space<hbm>>
      tpu.enqueue_dma source(%arg11 : memref<1024xf32, #tpu.memory_space<vmem>>) target(%dma_start3A_141 : memref<1024xf32, #tpu.memory_space<hbm>>) target_semaphore(%run_scoped3A_135 : memref<!tpu.dma_semaphore, #tpu.memory_space<semaphore_mem>>)
      %dma_wait3A = arith.constant 0 : i32
      %dma_wait3A_142 = tpu.memref_slice %arg4[%arg0, %run_scoped3A_103, %arg1, %dma_wait3A] : memref<2x4x16x1024xf32, #tpu.memory_space<hbm>> -> memref<1x1x1x1024xf32, #tpu.memory_space<hbm>>
      %dma_wait3A_143 = tpu.memref_squeeze %dma_wait3A_142 : memref<1x1x1x1024xf32, #tpu.memory_space<hbm>> -> memref<1024xf32, #tpu.memory_space<hbm>>
      %dma_wait3A_144 = arith.constant 0 : i32
      %dma_wait3A_145 = tpu.memref_slice %arg4[%arg0, %run_scoped3A_103, %arg1, %dma_wait3A_144] : memref<2x4x16x1024xf32, #tpu.memory_space<hbm>> -> memref<1x1x1x1024xf32, #tpu.memory_space<hbm>>
      %dma_wait3A_146 = tpu.memref_squeeze %dma_wait3A_145 : memref<1x1x1x1024xf32, #tpu.memory_space<hbm>> -> memref<1024xf32, #tpu.memory_space<hbm>>
      tpu.wait_dma2 semaphore(%run_scoped3A_135 : memref<!tpu.dma_semaphore, #tpu.memory_space<semaphore_mem>>) src(%arg11 : memref<1024xf32, #tpu.memory_space<vmem>>) dst(%dma_wait3A_146 : memref<1024xf32, #tpu.memory_space<hbm>>)
      tpu.yield
    }) : () -> ()
    %barrier3A_104 = arith.constant 0 : index
    tpu.barrier barrier_id(%barrier3A_104)
    "tpu.region"() ({
      %run_scoped3A_135 = tpu.sem_alloc : memref<!tpu.dma_semaphore, #tpu.memory_space<semaphore_mem>>
      %dma_start3A_136 = arith.constant 32768 : i32
      %dma_start3A_137 = tpu.memref_slice %arg9[%dma_start3A_136] : memref<65536xf32, #tpu.memory_space<vmem>> -> memref<16384xf32, #tpu.memory_space<vmem>>
      %dma_start3A_138 = arith.constant 0 : i32
      %dma_start3A_139 = tpu.memref_slice %arg12[%arg1, %dma_start3A_138] : memref<16x16384xf32, #tpu.memory_space<vmem_shared>> -> memref<1x16384xf32, #tpu.memory_space<vmem_shared>>
      %dma_start3A_140 = tpu.memref_squeeze %dma_start3A_139 : memref<1x16384xf32, #tpu.memory_space<vmem_shared>> -> memref<16384xf32, #tpu.memory_space<vmem_shared>>
      %dma_start3A_141 = arith.constant 0 : i32
      %dma_start3A_142 = tpu.memref_slice %arg12[%arg1, %dma_start3A_141] : memref<16x16384xf32, #tpu.memory_space<vmem_shared>> -> memref<1x16384xf32, #tpu.memory_space<vmem_shared>>
      %dma_start3A_143 = tpu.memref_squeeze %dma_start3A_142 : memref<1x16384xf32, #tpu.memory_space<vmem_shared>> -> memref<16384xf32, #tpu.memory_space<vmem_shared>>
      %dma_start3A_144 = arith.constant 32768 : i32
      %dma_start3A_145 = tpu.memref_slice %arg9[%dma_start3A_144] : memref<65536xf32, #tpu.memory_space<vmem>> -> memref<16384xf32, #tpu.memory_space<vmem>>
      tpu.enqueue_dma source(%dma_start3A_145 : memref<16384xf32, #tpu.memory_space<vmem>>) target(%dma_start3A_143 : memref<16384xf32, #tpu.memory_space<vmem_shared>>) target_semaphore(%run_scoped3A_135 : memref<!tpu.dma_semaphore, #tpu.memory_space<semaphore_mem>>)
      %dma_wait3A = arith.constant 32768 : i32
      %dma_wait3A_146 = tpu.memref_slice %arg9[%dma_wait3A] : memref<65536xf32, #tpu.memory_space<vmem>> -> memref<16384xf32, #tpu.memory_space<vmem>>
      %dma_wait3A_147 = arith.constant 0 : i32
      %dma_wait3A_148 = tpu.memref_slice %arg12[%arg1, %dma_wait3A_147] : memref<16x16384xf32, #tpu.memory_space<vmem_shared>> -> memref<1x16384xf32, #tpu.memory_space<vmem_shared>>
      %dma_wait3A_149 = tpu.memref_squeeze %dma_wait3A_148 : memref<1x16384xf32, #tpu.memory_space<vmem_shared>> -> memref<16384xf32, #tpu.memory_space<vmem_shared>>
      %dma_wait3A_150 = arith.constant 0 : i32
      %dma_wait3A_151 = tpu.memref_slice %arg12[%arg1, %dma_wait3A_150] : memref<16x16384xf32, #tpu.memory_space<vmem_shared>> -> memref<1x16384xf32, #tpu.memory_space<vmem_shared>>
      %dma_wait3A_152 = tpu.memref_squeeze %dma_wait3A_151 : memref<1x16384xf32, #tpu.memory_space<vmem_shared>> -> memref<16384xf32, #tpu.memory_space<vmem_shared>>
      %dma_wait3A_153 = arith.constant 32768 : i32
      %dma_wait3A_154 = tpu.memref_slice %arg9[%dma_wait3A_153] : memref<65536xf32, #tpu.memory_space<vmem>> -> memref<16384xf32, #tpu.memory_space<vmem>>
      tpu.wait_dma2 semaphore(%run_scoped3A_135 : memref<!tpu.dma_semaphore, #tpu.memory_space<semaphore_mem>>) src(%dma_wait3A_154 : memref<16384xf32, #tpu.memory_space<vmem>>) dst(%dma_wait3A_152 : memref<16384xf32, #tpu.memory_space<vmem_shared>>)
      tpu.yield
    }) : () -> ()
    %barrier3A_105 = arith.constant 0 : index
    tpu.barrier barrier_id(%barrier3A_105)
    %scan3A_106 = arith.constant 0 : i32
    %scan3A_107 = arith.constant 0 : i32
    %scan3A_108 = arith.constant 64 : i32
    %scan3A_109 = arith.addi %scan3A_107, %scan3A_108 : i32
    %scan3A_110 = arith.constant 1 : i32
    scf.for %scan3A_135 = %scan3A_107 to %scan3A_109 step %scan3A_110  : i32 {
      %mul3A_136 = arith.constant 16 : i32
      %mul3A_137 = arith.muli %scan3A_135, %mul3A_136 : i32
      %swap3A = arith.index_cast %mul3A_137 : i32 to index
      %swap3A_138 = tpu.vector_load %arg11[%swap3A] {strides = array<i32>} : memref<1024xf32, #tpu.memory_space<vmem>>, vector<16xf32>,
      %swap3A_139 = vector.shape_cast %swap3A_138 : vector<16xf32> to vector<16xf32>
      %swap3A_140 = vector.shape_cast %broadcast_in_dim3A_1 : vector<16xf32> to vector<16xf32>
      tpu.vector_store %arg11[%swap3A], %swap3A_140 {strides = array<i32>} : memref<1024xf32, #tpu.memory_space<vmem>>, vector<16xf32>,
    }
    %scan3A_111 = arith.constant 64 : i32
    %scan3A_112 = arith.constant 0 : i32
    %scan3A_113 = arith.constant 0 : i32
    %scan3A_114 = arith.constant 16 : i32
    %scan3A_115 = arith.addi %scan3A_113, %scan3A_114 : i32
    %scan3A_116 = arith.constant 1 : i32
    scf.for %scan3A_135 = %scan3A_113 to %scan3A_115 step %scan3A_116  : i32 {
      %mul3A_136 = arith.constant 1024 : i32
      %mul3A_137 = arith.muli %arg1, %mul3A_136 : i32
      "tpu.region"() ({
        %run_scoped3A_144 = tpu.sem_alloc : memref<!tpu.dma_semaphore, #tpu.memory_space<semaphore_mem>>
        %dma_start3A_145 = tpu.memref_slice %arg12[%scan3A_135, %mul3A_137] : memref<16x16384xf32, #tpu.memory_space<vmem_shared>> -> memref<1x1024xf32, #tpu.memory_space<vmem_shared>>
        %dma_start3A_146 = tpu.memref_squeeze %dma_start3A_145 : memref<1x1024xf32, #tpu.memory_space<vmem_shared>> -> memref<1024xf32, #tpu.memory_space<vmem_shared>>
        %dma_start3A_147 = tpu.memref_slice %arg12[%scan3A_135, %mul3A_137] : memref<16x16384xf32, #tpu.memory_space<vmem_shared>> -> memref<1x1024xf32, #tpu.memory_space<vmem_shared>>
        %dma_start3A_148 = tpu.memref_squeeze %dma_start3A_147 : memref<1x1024xf32, #tpu.memory_space<vmem_shared>> -> memref<1024xf32, #tpu.memory_space<vmem_shared>>
        tpu.enqueue_dma source(%dma_start3A_148 : memref<1024xf32, #tpu.memory_space<vmem_shared>>) target(%arg10 : memref<1024xf32, #tpu.memory_space<vmem>>) target_semaphore(%run_scoped3A_144 : memref<!tpu.dma_semaphore, #tpu.memory_space<semaphore_mem>>)
        %dma_wait3A = tpu.memref_slice %arg12[%scan3A_135, %mul3A_137] : memref<16x16384xf32, #tpu.memory_space<vmem_shared>> -> memref<1x1024xf32, #tpu.memory_space<vmem_shared>>
        %dma_wait3A_149 = tpu.memref_squeeze %dma_wait3A : memref<1x1024xf32, #tpu.memory_space<vmem_shared>> -> memref<1024xf32, #tpu.memory_space<vmem_shared>>
        %dma_wait3A_150 = tpu.memref_slice %arg12[%scan3A_135, %mul3A_137] : memref<16x16384xf32, #tpu.memory_space<vmem_shared>> -> memref<1x1024xf32, #tpu.memory_space<vmem_shared>>
        %dma_wait3A_151 = tpu.memref_squeeze %dma_wait3A_150 : memref<1x1024xf32, #tpu.memory_space<vmem_shared>> -> memref<1024xf32, #tpu.memory_space<vmem_shared>>
        tpu.wait_dma2 semaphore(%run_scoped3A_144 : memref<!tpu.dma_semaphore, #tpu.memory_space<semaphore_mem>>) src(%dma_wait3A_151 : memref<1024xf32, #tpu.memory_space<vmem_shared>>) dst(%arg10 : memref<1024xf32, #tpu.memory_space<vmem>>)
        tpu.yield
      }) : () -> ()
      %scan3A_138 = arith.constant 0 : i32
      %scan3A_139 = arith.constant 0 : i32
      %scan3A_140 = arith.constant 64 : i32
      %scan3A_141 = arith.addi %scan3A_139, %scan3A_140 : i32
      %scan3A_142 = arith.constant 1 : i32
      scf.for %scan3A_144 = %scan3A_139 to %scan3A_141 step %scan3A_142  : i32 {
        %mul3A_145 = arith.constant 16 : i32
        %mul3A_146 = arith.muli %scan3A_144, %mul3A_145 : i32
        %mul3A_147 = arith.constant 16 : i32
        %mul3A_148 = arith.muli %scan3A_144, %mul3A_147 : i32
        %get3A = arith.index_cast %mul3A_148 : i32 to index
        %get3A_149 = tpu.vector_load %arg10[%get3A] {strides = array<i32>} : memref<1024xf32, #tpu.memory_space<vmem>>, vector<16xf32>,
        %get3A_150 = vector.shape_cast %get3A_149 : vector<16xf32> to vector<16xf32>
        %swap3A = arith.index_cast %mul3A_146 : i32 to index
        %swap3A_151 = tpu.vector_load %arg11[%swap3A] {strides = array<i32>} : memref<1024xf32, #tpu.memory_space<vmem>>, vector<16xf32>,
        %swap3A_152 = vector.shape_cast %swap3A_151 : vector<16xf32> to vector<16xf32>
        %swap3A_153 = vector.shape_cast %get3A_150 : vector<16xf32> to vector<16xf32>
        tpu.vector_store %arg11[%swap3A], %swap3A_153 {add = true, strides = array<i32>} : memref<1024xf32, #tpu.memory_space<vmem>>, vector<16xf32>,
      }
      %scan3A_143 = arith.constant 64 : i32
    }
    %scan3A_117 = arith.constant 16 : i32
    %run_scoped3A_118 = arith.constant 2 : i32
    "tpu.region"() ({
      %run_scoped3A_135 = tpu.sem_alloc : memref<!tpu.dma_semaphore, #tpu.memory_space<semaphore_mem>>
      %dma_start3A_136 = arith.constant 0 : i32
      %dma_start3A_137 = tpu.memref_slice %arg4[%arg0, %run_scoped3A_118, %arg1, %dma_start3A_136] : memref<2x4x16x1024xf32, #tpu.memory_space<hbm>> -> memref<1x1x1x1024xf32, #tpu.memory_space<hbm>>
      %dma_start3A_138 = tpu.memref_squeeze %dma_start3A_137 : memref<1x1x1x1024xf32, #tpu.memory_space<hbm>> -> memref<1024xf32, #tpu.memory_space<hbm>>
      %dma_start3A_139 = arith.constant 0 : i32
      %dma_start3A_140 = tpu.memref_slice %arg4[%arg0, %run_scoped3A_118, %arg1, %dma_start3A_139] : memref<2x4x16x1024xf32, #tpu.memory_space<hbm>> -> memref<1x1x1x1024xf32, #tpu.memory_space<hbm>>
      %dma_start3A_141 = tpu.memref_squeeze %dma_start3A_140 : memref<1x1x1x1024xf32, #tpu.memory_space<hbm>> -> memref<1024xf32, #tpu.memory_space<hbm>>
      tpu.enqueue_dma source(%arg11 : memref<1024xf32, #tpu.memory_space<vmem>>) target(%dma_start3A_141 : memref<1024xf32, #tpu.memory_space<hbm>>) target_semaphore(%run_scoped3A_135 : memref<!tpu.dma_semaphore, #tpu.memory_space<semaphore_mem>>)
      %dma_wait3A = arith.constant 0 : i32
      %dma_wait3A_142 = tpu.memref_slice %arg4[%arg0, %run_scoped3A_118, %arg1, %dma_wait3A] : memref<2x4x16x1024xf32, #tpu.memory_space<hbm>> -> memref<1x1x1x1024xf32, #tpu.memory_space<hbm>>
      %dma_wait3A_143 = tpu.memref_squeeze %dma_wait3A_142 : memref<1x1x1x1024xf32, #tpu.memory_space<hbm>> -> memref<1024xf32, #tpu.memory_space<hbm>>
      %dma_wait3A_144 = arith.constant 0 : i32
      %dma_wait3A_145 = tpu.memref_slice %arg4[%arg0, %run_scoped3A_118, %arg1, %dma_wait3A_144] : memref<2x4x16x1024xf32, #tpu.memory_space<hbm>> -> memref<1x1x1x1024xf32, #tpu.memory_space<hbm>>
      %dma_wait3A_146 = tpu.memref_squeeze %dma_wait3A_145 : memref<1x1x1x1024xf32, #tpu.memory_space<hbm>> -> memref<1024xf32, #tpu.memory_space<hbm>>
      tpu.wait_dma2 semaphore(%run_scoped3A_135 : memref<!tpu.dma_semaphore, #tpu.memory_space<semaphore_mem>>) src(%arg11 : memref<1024xf32, #tpu.memory_space<vmem>>) dst(%dma_wait3A_146 : memref<1024xf32, #tpu.memory_space<hbm>>)
      tpu.yield
    }) : () -> ()
    %barrier3A_119 = arith.constant 0 : index
    tpu.barrier barrier_id(%barrier3A_119)
    "tpu.region"() ({
      %run_scoped3A_135 = tpu.sem_alloc : memref<!tpu.dma_semaphore, #tpu.memory_space<semaphore_mem>>
      %dma_start3A_136 = arith.constant 49152 : i32
      %dma_start3A_137 = tpu.memref_slice %arg9[%dma_start3A_136] : memref<65536xf32, #tpu.memory_space<vmem>> -> memref<16384xf32, #tpu.memory_space<vmem>>
      %dma_start3A_138 = arith.constant 0 : i32
      %dma_start3A_139 = tpu.memref_slice %arg12[%arg1, %dma_start3A_138] : memref<16x16384xf32, #tpu.memory_space<vmem_shared>> -> memref<1x16384xf32, #tpu.memory_space<vmem_shared>>
      %dma_start3A_140 = tpu.memref_squeeze %dma_start3A_139 : memref<1x16384xf32, #tpu.memory_space<vmem_shared>> -> memref<16384xf32, #tpu.memory_space<vmem_shared>>
      %dma_start3A_141 = arith.constant 0 : i32
      %dma_start3A_142 = tpu.memref_slice %arg12[%arg1, %dma_start3A_141] : memref<16x16384xf32, #tpu.memory_space<vmem_shared>> -> memref<1x16384xf32, #tpu.memory_space<vmem_shared>>
      %dma_start3A_143 = tpu.memref_squeeze %dma_start3A_142 : memref<1x16384xf32, #tpu.memory_space<vmem_shared>> -> memref<16384xf32, #tpu.memory_space<vmem_shared>>
      %dma_start3A_144 = arith.constant 49152 : i32
      %dma_start3A_145 = tpu.memref_slice %arg9[%dma_start3A_144] : memref<65536xf32, #tpu.memory_space<vmem>> -> memref<16384xf32, #tpu.memory_space<vmem>>
      tpu.enqueue_dma source(%dma_start3A_145 : memref<16384xf32, #tpu.memory_space<vmem>>) target(%dma_start3A_143 : memref<16384xf32, #tpu.memory_space<vmem_shared>>) target_semaphore(%run_scoped3A_135 : memref<!tpu.dma_semaphore, #tpu.memory_space<semaphore_mem>>)
      %dma_wait3A = arith.constant 49152 : i32
      %dma_wait3A_146 = tpu.memref_slice %arg9[%dma_wait3A] : memref<65536xf32, #tpu.memory_space<vmem>> -> memref<16384xf32, #tpu.memory_space<vmem>>
      %dma_wait3A_147 = arith.constant 0 : i32
      %dma_wait3A_148 = tpu.memref_slice %arg12[%arg1, %dma_wait3A_147] : memref<16x16384xf32, #tpu.memory_space<vmem_shared>> -> memref<1x16384xf32, #tpu.memory_space<vmem_shared>>
      %dma_wait3A_149 = tpu.memref_squeeze %dma_wait3A_148 : memref<1x16384xf32, #tpu.memory_space<vmem_shared>> -> memref<16384xf32, #tpu.memory_space<vmem_shared>>
      %dma_wait3A_150 = arith.constant 0 : i32
      %dma_wait3A_151 = tpu.memref_slice %arg12[%arg1, %dma_wait3A_150] : memref<16x16384xf32, #tpu.memory_space<vmem_shared>> -> memref<1x16384xf32, #tpu.memory_space<vmem_shared>>
      %dma_wait3A_152 = tpu.memref_squeeze %dma_wait3A_151 : memref<1x16384xf32, #tpu.memory_space<vmem_shared>> -> memref<16384xf32, #tpu.memory_space<vmem_shared>>
      %dma_wait3A_153 = arith.constant 49152 : i32
      %dma_wait3A_154 = tpu.memref_slice %arg9[%dma_wait3A_153] : memref<65536xf32, #tpu.memory_space<vmem>> -> memref<16384xf32, #tpu.memory_space<vmem>>
      tpu.wait_dma2 semaphore(%run_scoped3A_135 : memref<!tpu.dma_semaphore, #tpu.memory_space<semaphore_mem>>) src(%dma_wait3A_154 : memref<16384xf32, #tpu.memory_space<vmem>>) dst(%dma_wait3A_152 : memref<16384xf32, #tpu.memory_space<vmem_shared>>)
      tpu.yield
    }) : () -> ()
    %barrier3A_120 = arith.constant 0 : index
    tpu.barrier barrier_id(%barrier3A_120)
    %scan3A_121 = arith.constant 0 : i32
    %scan3A_122 = arith.constant 0 : i32
    %scan3A_123 = arith.constant 64 : i32
    %scan3A_124 = arith.addi %scan3A_122, %scan3A_123 : i32
    %scan3A_125 = arith.constant 1 : i32
    scf.for %scan3A_135 = %scan3A_122 to %scan3A_124 step %scan3A_125  : i32 {
      %mul3A_136 = arith.constant 16 : i32
      %mul3A_137 = arith.muli %scan3A_135, %mul3A_136 : i32
      %swap3A = arith.index_cast %mul3A_137 : i32 to index
      %swap3A_138 = tpu.vector_load %arg11[%swap3A] {strides = array<i32>} : memref<1024xf32, #tpu.memory_space<vmem>>, vector<16xf32>,
      %swap3A_139 = vector.shape_cast %swap3A_138 : vector<16xf32> to vector<16xf32>
      %swap3A_140 = vector.shape_cast %broadcast_in_dim3A_1 : vector<16xf32> to vector<16xf32>
      tpu.vector_store %arg11[%swap3A], %swap3A_140 {strides = array<i32>} : memref<1024xf32, #tpu.memory_space<vmem>>, vector<16xf32>,
    }
    %scan3A_126 = arith.constant 64 : i32
    %scan3A_127 = arith.constant 0 : i32
    %scan3A_128 = arith.constant 0 : i32
    %scan3A_129 = arith.constant 16 : i32
    %scan3A_130 = arith.addi %scan3A_128, %scan3A_129 : i32
    %scan3A_131 = arith.constant 1 : i32
    scf.for %scan3A_135 = %scan3A_128 to %scan3A_130 step %scan3A_131  : i32 {
      %mul3A_136 = arith.constant 1024 : i32
      %mul3A_137 = arith.muli %arg1, %mul3A_136 : i32
      "tpu.region"() ({
        %run_scoped3A_144 = tpu.sem_alloc : memref<!tpu.dma_semaphore, #tpu.memory_space<semaphore_mem>>
        %dma_start3A_145 = tpu.memref_slice %arg12[%scan3A_135, %mul3A_137] : memref<16x16384xf32, #tpu.memory_space<vmem_shared>> -> memref<1x1024xf32, #tpu.memory_space<vmem_shared>>
        %dma_start3A_146 = tpu.memref_squeeze %dma_start3A_145 : memref<1x1024xf32, #tpu.memory_space<vmem_shared>> -> memref<1024xf32, #tpu.memory_space<vmem_shared>>
        %dma_start3A_147 = tpu.memref_slice %arg12[%scan3A_135, %mul3A_137] : memref<16x16384xf32, #tpu.memory_space<vmem_shared>> -> memref<1x1024xf32, #tpu.memory_space<vmem_shared>>
        %dma_start3A_148 = tpu.memref_squeeze %dma_start3A_147 : memref<1x1024xf32, #tpu.memory_space<vmem_shared>> -> memref<1024xf32, #tpu.memory_space<vmem_shared>>
        tpu.enqueue_dma source(%dma_start3A_148 : memref<1024xf32, #tpu.memory_space<vmem_shared>>) target(%arg10 : memref<1024xf32, #tpu.memory_space<vmem>>) target_semaphore(%run_scoped3A_144 : memref<!tpu.dma_semaphore, #tpu.memory_space<semaphore_mem>>)
        %dma_wait3A = tpu.memref_slice %arg12[%scan3A_135, %mul3A_137] : memref<16x16384xf32, #tpu.memory_space<vmem_shared>> -> memref<1x1024xf32, #tpu.memory_space<vmem_shared>>
        %dma_wait3A_149 = tpu.memref_squeeze %dma_wait3A : memref<1x1024xf32, #tpu.memory_space<vmem_shared>> -> memref<1024xf32, #tpu.memory_space<vmem_shared>>
        %dma_wait3A_150 = tpu.memref_slice %arg12[%scan3A_135, %mul3A_137] : memref<16x16384xf32, #tpu.memory_space<vmem_shared>> -> memref<1x1024xf32, #tpu.memory_space<vmem_shared>>
        %dma_wait3A_151 = tpu.memref_squeeze %dma_wait3A_150 : memref<1x1024xf32, #tpu.memory_space<vmem_shared>> -> memref<1024xf32, #tpu.memory_space<vmem_shared>>
        tpu.wait_dma2 semaphore(%run_scoped3A_144 : memref<!tpu.dma_semaphore, #tpu.memory_space<semaphore_mem>>) src(%dma_wait3A_151 : memref<1024xf32, #tpu.memory_space<vmem_shared>>) dst(%arg10 : memref<1024xf32, #tpu.memory_space<vmem>>)
        tpu.yield
      }) : () -> ()
      %scan3A_138 = arith.constant 0 : i32
      %scan3A_139 = arith.constant 0 : i32
      %scan3A_140 = arith.constant 64 : i32
      %scan3A_141 = arith.addi %scan3A_139, %scan3A_140 : i32
      %scan3A_142 = arith.constant 1 : i32
      scf.for %scan3A_144 = %scan3A_139 to %scan3A_141 step %scan3A_142  : i32 {
        %mul3A_145 = arith.constant 16 : i32
        %mul3A_146 = arith.muli %scan3A_144, %mul3A_145 : i32
        %mul3A_147 = arith.constant 16 : i32
        %mul3A_148 = arith.muli %scan3A_144, %mul3A_147 : i32
        %get3A = arith.index_cast %mul3A_148 : i32 to index
        %get3A_149 = tpu.vector_load %arg10[%get3A] {strides = array<i32>} : memref<1024xf32, #tpu.memory_space<vmem>>, vector<16xf32>,
        %get3A_150 = vector.shape_cast %get3A_149 : vector<16xf32> to vector<16xf32>
        %swap3A = arith.index_cast %mul3A_146 : i32 to index
        %swap3A_151 = tpu.vector_load %arg11[%swap3A] {strides = array<i32>} : memref<1024xf32, #tpu.memory_space<vmem>>, vector<16xf32>,
        %swap3A_152 = vector.shape_cast %swap3A_151 : vector<16xf32> to vector<16xf32>
        %swap3A_153 = vector.shape_cast %get3A_150 : vector<16xf32> to vector<16xf32>
        tpu.vector_store %arg11[%swap3A], %swap3A_153 {add = true, strides = array<i32>} : memref<1024xf32, #tpu.memory_space<vmem>>, vector<16xf32>,
      }
      %scan3A_143 = arith.constant 64 : i32
    }
    %scan3A_132 = arith.constant 16 : i32
    %run_scoped3A_133 = arith.constant 3 : i32
    "tpu.region"() ({
      %run_scoped3A_135 = tpu.sem_alloc : memref<!tpu.dma_semaphore, #tpu.memory_space<semaphore_mem>>
      %dma_start3A_136 = arith.constant 0 : i32
      %dma_start3A_137 = tpu.memref_slice %arg4[%arg0, %run_scoped3A_133, %arg1, %dma_start3A_136] : memref<2x4x16x1024xf32, #tpu.memory_space<hbm>> -> memref<1x1x1x1024xf32, #tpu.memory_space<hbm>>
      %dma_start3A_138 = tpu.memref_squeeze %dma_start3A_137 : memref<1x1x1x1024xf32, #tpu.memory_space<hbm>> -> memref<1024xf32, #tpu.memory_space<hbm>>
      %dma_start3A_139 = arith.constant 0 : i32
      %dma_start3A_140 = tpu.memref_slice %arg4[%arg0, %run_scoped3A_133, %arg1, %dma_start3A_139] : memref<2x4x16x1024xf32, #tpu.memory_space<hbm>> -> memref<1x1x1x1024xf32, #tpu.memory_space<hbm>>
      %dma_start3A_141 = tpu.memref_squeeze %dma_start3A_140 : memref<1x1x1x1024xf32, #tpu.memory_space<hbm>> -> memref<1024xf32, #tpu.memory_space<hbm>>
      tpu.enqueue_dma source(%arg11 : memref<1024xf32, #tpu.memory_space<vmem>>) target(%dma_start3A_141 : memref<1024xf32, #tpu.memory_space<hbm>>) target_semaphore(%run_scoped3A_135 : memref<!tpu.dma_semaphore, #tpu.memory_space<semaphore_mem>>)
      %dma_wait3A = arith.constant 0 : i32
      %dma_wait3A_142 = tpu.memref_slice %arg4[%arg0, %run_scoped3A_133, %arg1, %dma_wait3A] : memref<2x4x16x1024xf32, #tpu.memory_space<hbm>> -> memref<1x1x1x1024xf32, #tpu.memory_space<hbm>>
      %dma_wait3A_143 = tpu.memref_squeeze %dma_wait3A_142 : memref<1x1x1x1024xf32, #tpu.memory_space<hbm>> -> memref<1024xf32, #tpu.memory_space<hbm>>
      %dma_wait3A_144 = arith.constant 0 : i32
      %dma_wait3A_145 = tpu.memref_slice %arg4[%arg0, %run_scoped3A_133, %arg1, %dma_wait3A_144] : memref<2x4x16x1024xf32, #tpu.memory_space<hbm>> -> memref<1x1x1x1024xf32, #tpu.memory_space<hbm>>
      %dma_wait3A_146 = tpu.memref_squeeze %dma_wait3A_145 : memref<1x1x1x1024xf32, #tpu.memory_space<hbm>> -> memref<1024xf32, #tpu.memory_space<hbm>>
      tpu.wait_dma2 semaphore(%run_scoped3A_135 : memref<!tpu.dma_semaphore, #tpu.memory_space<semaphore_mem>>) src(%arg11 : memref<1024xf32, #tpu.memory_space<vmem>>) dst(%dma_wait3A_146 : memref<1024xf32, #tpu.memory_space<hbm>>)
      tpu.yield
    }) : () -> ()
    %barrier3A_134 = arith.constant 0 : index
    tpu.barrier barrier_id(%barrier3A_134)
    return
  }
}

</mosaic_0001>

<sc_bundles>
// kernel: kernel.3.cloned.1.call-start
scs
__scs_entry_jumppad:
0x0: {  	(pc) =	sbr.rel $0x88, $3  }
0x1: {  	(tag) =	ssettag $0x0;
	lr =	simm.s32 $0x1  }
0x2: {  	[smem:$0x3F9E] =	sst lr;
	_ =	strace $0xD0000000  }
0x3: {  	_ = 	snop  }
0x4: {  	_ = 	snop  }
0x5: {  	_ = 	snop  }
0x6: {  	_ = 	snop  }
0x7: {  	_ = 	snop  }
__scs_overlays_trampoline_lowered:
0x8: {  	[smem:$0x3FAD] =	sst s0  }
0x9: {  	[smem:$0x3FAE] =	sst s1  }
0xa: {  	[smem:$0x3FAF] =	sst s2  }
0xb: {  	[smem:$0x3FB0] =	sst s3  }
0xc: {  	[smem:$0x3FB1] =	sst s4  }
0xd: {  	[smem:$0x3FB2] =	sst s5  }
0xe: {  	[smem:$0x3FB3] =	sst s6  }
0xf: {  	[smem:$0x3FB4] =	sst s7  }
0x10: {  	[smem:$0x3FB5] =	sst s8  }
0x11: {  	[smem:$0x3FB6] =	sst s9;
	s0 =	simm.s32 @!p0 $0x0  }
0x12: {  	s1 =	sld [smem:$0x3F9C];
	s0 =	simm.s32 @p0 $0x1  }
0x13: {  	[smem:$0x3FB7] =	sst s0;
	s0 =	simm.s32 @!p1 $0x0  }
0x14: {  	s2 =	sld [smem:$0x3F9B];
	s0 =	simm.s32 @p1 $0x1  }
0x15: {  	[smem:$0x3FB8] =	sst s0;
	s0 =	simm.s32 @!p2 $0x0  }
0x16: {  	s3 =	sld [smem:$0x3FDB];
	s0 =	simm.s32 @p2 $0x1  }
0x17: {  	s4 =	simm.s32 $0x1BF5;
	[smem:$0x3FBA] =	sst s0  }
0x18: {  	s0 =	sld [smem:$0x3F9D];
	_ =	swait.ge [sflag:s4], $0x0  }
0x19: {  	s7 =	sld [smem:$0x3F9E]  }
0x1a: {  	s8 =	sadd.s32 $0xFFFFE003, lr  }
0x1b: {  	s9 =	sadd.s32 $0xFFFFFEF7, lr;
	s5 =	simm.s32 $0xFFFFFFFF;
	p2 =	slt.u32 s8, $0xFFFFF086  }
0x1c: {  	p1 =	slt.u32 s9, $0xF7A;
	s5 =	simm.s32 @!p2 $0x0  }
0x1d: {  	s5 =	simm.s32 @p1 $0x1;
	p0 =	seq.s32 s7, s2  }
0x1e: {  	s7 =	smul.u32 @!p0 $0xF7A, s2;
	p2 =	seq.s32 @!p0 s5, $0x0  }
0x1f: {  	s9 =	smul.u32 $0xF7A, s1;
	s8 =	simm.s32 @!p0 $0x1BF5;
	p2 =	por !p2, p0  }
0x20: {  	[sflag:s8] =	ssyncset.s32 @!p0 $0xFFFFF086;
	s6 =	sadd.s32 @!p0 s3, s7;
	s7 =	simm.s32 @!p0 $0x108  }
0x21: {  	s3 =	sadd.s32 s3, s9;
	s6 =	sadd.s32 @!p0 $0x88, s6;
	s7 =	simm.s32 @p2 $0x1082  }
0x22: {  	[simem:s7], [sflag:s8] =	dma.local @!p0 [hbm:s6], $0xF7A  }
0x23: {  	s9 =	sor.u32 $0xD0000000, s2;
	s6 =	simm.s32 $0x108;
	_ =	swait.ge @!p0 [sflag:s8], $0x0  }
0x24: {  	s3 =	sadd.s32 $0x88, s3;
	s6 =	simm.s32 @!p1 $0x1082;
	[sflag:s4] =	ssyncset.s32 $0xFFFFF086  }
0x25: {  	[simem:s6], [sflag:s4] =	dma.local [hbm:s3], $0xF7A  }
0x26: {  	[smem:$0x3F9E] =	sst s1;
	(tag) =	ssettag s2;
	_ =	strace s9  }
0x27: {  	s1 =	sld [smem:$0x3FAE]  }
0x28: {  	s2 =	sld [smem:$0x3FAF]  }
0x29: {  	s4 =	sld [smem:$0x3FB1]  }
0x2a: {  	p0 =	seq.s32 s5, $0x0;
	s5 =	sld [smem:$0x3FB2]  }
0x2b: {  	s6 =	sld [smem:$0x3FB3]  }
0x2c: {  	s7 =	sld [smem:$0x3FB4]  }
0x2d: {  	s3 =	simm.s32 $0x108;
	s8 =	sld [smem:$0x3FB5]  }
0x2e: {  	s3 =	simm.s32 @!p0 $0x1082;
	s9 =	sld [smem:$0x3FB6]  }
0x2f: {  	lr =	sadd.s32 s0, s3;
	s0 =	sld [smem:$0x3FAD]  }
0x30: {  	s3 =	sld [smem:$0x3FB0]  }
0x31: {  	[smem:$0x3FB9] =	sst s10  }
0x32: {  	s10 =	sld [smem:$0x3FB7];
	_ =	sdelay $0x3  }
0x33: {  	p0 =	seq.s32 s10, $0x1;
	s10 =	sld [smem:$0x3FB9];
	_ =	sdelay $0x3  }
0x34: {  	[smem:$0x3FB9] =	sst s10  }
0x35: {  	s10 =	sld [smem:$0x3FB8];
	_ =	sdelay $0x3  }
0x36: {  	p1 =	seq.s32 s10, $0x1;
	s10 =	sld [smem:$0x3FB9];
	_ =	sdelay $0x3  }
0x37: {  	[smem:$0x3FB9] =	sst s10  }
0x38: {  	s10 =	sld [smem:$0x3FBA]  }
0x39: {  	_ = 	snop;
	(pc) =	sbr.ind lr, $3  }
0x3a: {  	_ = 	snop  }
0x3b: {  	_ = 	snop  }
0x3c: {  	p2 =	seq.s32 s10, $0x1;
	s10 =	sld [smem:$0x3FB9]  }
0x3d: {  	_ =	shalt  }
0x3e: {  	_ =	shalt  }
0x3f: {  	_ =	shalt  }
0x40: {  	_ =	shalt  }
0x41: {  	_ =	shalt  }
0x42: {  	_ =	shalt  }
0x43: {  	_ =	shalt  }
0x44: {  	_ =	shalt  }
0x45: {  	_ =	shalt  }
0x46: {  	_ =	shalt  }
0x47: {  	_ =	shalt  }
0x48: {  	_ =	shalt  }
0x49: {  	_ =	shalt  }
0x4a: {  	_ =	shalt  }
0x4b: {  	_ =	shalt  }
0x4c: {  	_ =	shalt  }
0x4d: {  	_ =	shalt  }
0x4e: {  	_ =	shalt  }
0x4f: {  	_ =	shalt  }
0x50: {  	_ =	shalt  }
0x51: {  	_ =	shalt  }
0x52: {  	_ =	shalt  }
0x53: {  	_ =	shalt  }
0x54: {  	_ =	shalt  }
0x55: {  	_ =	shalt  }
0x56: {  	_ =	shalt  }
0x57: {  	_ =	shalt  }
0x58: {  	_ =	shalt  }
0x59: {  	_ =	shalt  }
0x5a: {  	_ =	shalt  }
0x5b: {  	_ =	shalt  }
0x5c: {  	_ =	shalt  }
0x5d: {  	_ =	shalt  }
0x5e: {  	_ =	shalt  }
0x5f: {  	_ =	shalt  }
0x60: {  	_ =	shalt  }
0x61: {  	_ =	shalt  }
0x62: {  	_ =	shalt  }
0x63: {  	_ =	shalt  }
0x64: {  	_ =	shalt  }
0x65: {  	_ =	shalt  }
0x66: {  	_ =	shalt  }
0x67: {  	_ =	shalt  }
0x68: {  	_ =	shalt  }
0x69: {  	_ =	shalt  }
0x6a: {  	_ =	shalt  }
0x6b: {  	_ =	shalt  }
0x6c: {  	_ =	shalt  }
0x6d: {  	_ =	shalt  }
0x6e: {  	_ =	shalt  }
0x6f: {  	_ =	shalt  }
0x70: {  	_ =	shalt  }
0x71: {  	_ =	shalt  }
0x72: {  	_ =	shalt  }
0x73: {  	_ =	shalt  }
0x74: {  	_ =	shalt  }
0x75: {  	_ =	shalt  }
0x76: {  	_ =	shalt  }
0x77: {  	_ =	shalt  }
0x78: {  	_ =	shalt  }
0x79: {  	_ =	shalt  }
0x7a: {  	_ =	shalt  }
0x7b: {  	_ =	shalt  }
0x7c: {  	_ =	shalt  }
0x7d: {  	_ =	shalt  }
0x7e: {  	_ =	shalt  }
0x7f: {  	_ =	shalt  }
0x80: {  	_ =	shalt  }
0x81: {  	_ =	shalt  }
0x82: {  	_ =	shalt  }
0x83: {  	_ =	shalt  }
0x84: {  	_ =	shalt  }
0x85: {  	_ =	shalt  }
0x86: {  	_ =	shalt  }
0x87: {  	_ =	shalt  }
.Lfunc_end0:
.L_simem_size_0:
called_computation_lowered:
.L_overlay_start_0:
0x88: {  	s2 =	sld [smem:$0x3FD9]  }
0x89: {  	s3 =	sld [smem:$0x3FFE];
	_ =	sdelay $0x1  }
0x8a: {  	s1 =	srdreg.scid  }
0x8b: {  	s0 =	sand.u32 $0x1, s1  }
0x8c: {  	s17 =	sshll.u32 s0, $0xA;
	s2 =	sadd.s32 s3, s2  }
0x8d: {  	s2 =	sadd.s32 s2, s17  }
0x8e: {  	[smem:$0x3FC5] =	sst s2  }
0x8f: {  	_ = 	snop  }
0x90: {  	s2 =	sld [smem:$0x3FC9]  }
0x91: {  	s18 =	sld [smem:$0x3FD0];
	(tm) =	ssettm $0x1  }
0x92: {  	s4 =	sld [smem:$0x3FFB];
	_ =	sdelay $0x3  }
0x93: {  	_ =	strace s4  }
0x94: {  	s4 =	sld [smem:$0x3FFC];
	_ =	sdelay $0x3  }
0x95: {  	_ =	strace s4  }
0x96: {  	s4 =	sld [smem:$0x3FFD];
	_ =	sdelay $0x3  }
0x97: {  	_ =	strace s4  }
0x98: {  	_ =	strace $0x8FFFFFFF  }
0x99: {  	s19 =	sld [smem:$0x3FDB];
	_ =	sdelay $0x1  }
0x9a: {  	s5 =	simm.s32 $_scs_section_size  }
0x9b: {  	s6 =	simm.s32 $_size__tile_overlayer_lowered;
	s7 =	simm.s32 $_tile_overlayer_lowered  }
0x9c: {  	s22 =	simm.s32 $0x1BFF;
	s21 =	sshll.u32 s7, $0x1;
	s4 =	sadd.s32 s5, s19  }
0x9d: {  	s8 =	simm.s32 $0x0;
	s20 =	sshll.u32 s6, $0x1;
	s6 =	sadd.s32 s21, s4  }
0x9e: {  	[timem:s8], [sflag:s22] =	dma.local [hbm:s6], s20  }
0x9f: {  	_ =	swait.ge [sflag:s22], s20  }
0xa0: {  	s5 =	ssub.s32 $0x0, s20;
	[sflag:s22] =	ssyncset.done $0x0  }
0xa1: {  	[sflag:s22] =	ssyncadd.s32 s5;
	_ =	sdelay $0x1  }
0xa2: {  	s23 =	simm.s32 $0x1B8B  }
0xa3: {  	_ =	swait.ge [sflag:s23], $0x1  }
0xa4: {  	[sflag:s23] =	ssyncset.done $0x0  }
0xa5: {  	s25 =	simm.s32 $0x1B8E;
	s24 =	sld [smem:$0x3FFE];
	[sflag:s23] =	ssyncadd.s32 $0xFFFFFFFF  }
0xa6: {  	s26 =	simm.s32 $execute0_lowered;
	[smem:$0x3FD2] =	sst s25  }
0xa7: {  	s6 =	sshll.u32 s26, $0x1;
	_ =	strace $0x80000046;
	[dreg:$0x1] =	wrdreg $0xFFFFFFFF  }
0xa8: {  	s28 =	simm.s32 $_size_execute0_lowered;
	s4 =	sadd.s32 s4, s6;
	[dreg:$0x0] =	wrdreg $0x0  }
0xa9: {  	s6 =	sshll.u32 s28, $0x1;
	[dreg:$0x2] =	wrdreg s4  }
0xaa: {  	[dreg:$0x3] =	wrdreg s6  }
0xab: {  	[dreg:$0x4] =	wrdreg $0xC0  }
0xac: {  	_ =	task [dreg:s8], $0x5FFFF  }
0xad: {  	[dreg:$0x1] =	wrdreg $0xFFFFFFFF  }
0xae: {  	[dreg:$0x0] =	wrdreg $0x60  }
0xaf: {  	[dreg:$0x2] =	wrdreg s2  }
0xb0: {  	[dreg:$0x3] =	wrdreg s24  }
0xb1: {  	[dreg:$0x4] =	wrdreg s18  }
0xb2: {  	[dreg:$0x5] =	wrdreg $0x1A9000  }
0xb3: {  	[dreg:$0x6] =	wrdreg $0x9  }
0xb4: {  	_ =	task.clear_ibuf [dreg:s8], $0x7FFFF;
	_ =	strace $0x90000046  }
0xb5: {  	s29 =	simm.s32 $0x9;
	_ =	strace $0x80000048  }
0xb6: {  	_ =	swait.ge [sflag:s29], $0x1  }
0xb7: {  	[sflag:s29] =	ssyncadd.s32 $0xFFFFFFFF  }
0xb8: {  	_ =	strace $0x90000048  }
0xb9: {  	_ =	sfence  }
0xba: {  	s30 =	sld [smem:$0x0];
	_ =	sdelay $0x2  }
0xbb: {  	s31 =	sshll.u32 s1, $0xD;
	s1 =	sshrl.u32 s1, $0x2  }
0xbc: {  	s3 =	sand.u32 $0x4000, s31;
	s1 =	sadd.s32 s1, s30  }
0xbd: {  	s0 =	sor.u32 s3, s0;
	s1 =	sshll.u32 s1, $0x11  }
0xbe: {  	s0 =	sor.u32 s1, s0  }
0xbf: {  	s0 =	sadd.s32 $0x8F2B, s0  }
0xc0: {  	[sflag:s0] =	ssyncadd.remote.s32 $0x1  }
0xc1: {  	_ =	sfence.sel $0xFFFF  }
0xc2: {  	[dreg:$0x0] =	wrdreg $0xFFFFFFFF;
	(pc) =	sbr.abs _section_cstart, $3  }
0xc3: {  	[dreg:$0x1] =	wrdreg $0xFFFFFFFF  }
0xc4: {  	_ =	task.clear_ibuf [dreg:s8], $0x2FFFF;
	_ =	strace $0x9FFFFFFF  }
0xc5: {  	(tm) =	ssettm $0x7FFFFFFF  }
tec
execute0_lowered:
.L_overlay_start_1:
0x0: {  	(tag) =	ssettag $0x1  }
0x1: {  	s1 =	rddreg [dreg:$0x0]  }
0x2: {  	s0 =	rddreg [dreg:$0x1]  }
0x3: {  	s7 =	rddreg [dreg:$0x2]  }
0x4: {  	s8 =	rddreg [dreg:$0x3]  }
0x5: {  	s3 =	simm.s32 $0x0;
	s4 =	srdreg.scid;
	s2 =	stileid.u32  }
0x6: {  	s17 =	simm.s32 $0x800;
	s18 =	simm.s32 $0x1000;
	s28 =	simm.s32 $0x3  }
0x7: {  	s29 =	simm.s32 $0x1A100;
	[smem:$0x7FF] =	sst s3;
	s9 =	sand.u32 $0x1, s4  }
0x8: {  	s6 =	smul.u32 $0xA000, s2;
	s4 =	sadd.s32 $0x400, s0;
	s11 =	ssub.s32 $0x4F1, s2  }
0x9: {  	s21 =	smul.u32 $0xA, s2;
	s22 =	sshrl.u32 s2, $0x3;
	s23 =	sshll.u32 s2, $0x7  }
0xa: {  	s26 =	sshll.u32 s2, $0xD;
	_ =	strace $0x80000047;
	s19 =	ssub.s32 $0x2, s9  }
0xb: {  	s5 =	sshll.u32 s9, $0xB;
	s9 =	sshll.u32 s9, $0x10;
	s13 =	sshll.u32 s22, $0xD  }
0xc: {  	s24 =	sand.u32 $0x380, s23;
	s23 =	simm.s32 $0x2;
	s10 =	sshrl.u32 s19, $0x1  }
0xd: {  	s12 =	sor.u32 s5, s6;
	s6 =	sshrl.u32 s11, $0x4;
	s25 =	sor.u32 s9, s13  }
0xe: {  	s9 =	sor.u32 $0x10, s2;
	s11 =	sshll.u32 s22, $0x11;
	s20 =	sshrl.u32 s12, $0x3  }
0xf: {  	s22 =	simm.s32 $0x1;
	s0 =	ssub.s32 s19, s10;
	s10 =	sadd.s32 s1, s20  }
0x10: {  	s12 =	sor.u32 s24, s25;
	s0 =	smax.u32 s0, $0x1;
	[dreg:$0x5] =	wrdreg s10  }
0x11: {  	s12 =	sshrl.u32 s12, $0x3;
	s10 =	sadd.s32 s4, s21;
	[dreg:$0xc] =	wrdreg s0  }
0x12: {  	s11 =	sadd.s32 s11, s8;
	s7 =	sadd.s32 s7, s12;
	[dreg:$0x6] =	wrdreg s10  }
0x13: {  	p0 =	sne.s32 s6, $0x4F;
	s30 =	sadd.s32 $0x800, s7;
	[dreg:$0x8] =	wrdreg s7  }
0x14: {  	s25 =	simm.s32 $0x400;
	s31 =	sadd.s32 $0x1000, s7;
	[dreg:$0x9] =	wrdreg s30  }
0x15: {  	s20 =	simm.s32 $0x5000;
	s7 =	sadd.s32 $0x1800, s7;
	[dreg:$0xa] =	wrdreg s31  }
0x16: {  	s21 =	simm.s32 $0xA080;
	s10 =	sadd.s32 s24, s11;
	[dreg:$0xb] =	wrdreg s7  }
0x17: {  	v0 =	vimm.f32 $0.0e+00;
	s11 =	sadd.s32 s26, s8;
	s24 =	simm.s32 $0x80;
	[dreg:$0x7] =	wrdreg s10  }
.LBB2_1:
0x18: {  	s0 =	simm.s32 $0x40;
	s7 =	simm.s32 $0x0  }
.LBB2_2:
0x19: {  	p1 =	sne.s32 s0, $0x3FFC0;
	[tilespmem:s7+$0xA100] =	vst v0;
	s7 =	smov.u32 s0;
	s0 =	sadd.s32 $0x40, s0  }
.Ltmp0:
0x1a: {  	(pc) =	sbr.rel @p1 .LBB2_2-.Ltmp0, $2  }
0x1b: {  	_ =	sdelay $0x2  }
0x1c: {  	s7 =	sshra.s32 s7, $0x2  }
0x1d: {  	[tilespmem:s7+$0xA100] =	vst v0;
	s26 =	simm.s32 $0x0;
	s0 =	rddreg [dreg:$0x5]  }
0x1e: {  	[tilespmem:s26], [sflag:$0x1] =	stream.strided.gather [hbm4b:s0+s17], $0x5000, s18, s17, $0x38;
	[tilespmem:$0x1E900] =	vst v63  }
0x1f: {  	s19 =	rddreg [dreg:$0x6];
	s30 =	simm.s32 $0xA000;
	s31 =	simm.s32 $0x0  }
0x20: {  	[tilespmem:s30], [sflag:$0x1] =	stream.linear.gather [hbm4b:s19+s26], $0x50, $0x38;
	[tilespmem:$0x1E900] =	vst v63  }
.LBB2_4:
0x21: {  	s0 =	sshll.u32 s31, $0x5  }
0x22: {  	s0 =	sor.u32 s9, s0  }
0x23: {  	s7 =	smul.u32 $0xA000, s0;
	_ =	sdelay $0x1  }
0x24: {  	s7 =	sor.u32 s5, s7  }
0x25: {  	s7 =	sshrl.u32 s7, $0x3  }
0x26: {  	s0 =	smul.u32 $0xA, s0;
	s7 =	sadd.s32 s1, s7  }
0x27: {  	[tilespmem:s20], [sflag:$0x2] =	stream.strided.gather [hbm4b:s7+s17], $0x5000, s18, s17, $0x38;
	[tilespmem:$0x1E900] =	vst v63  }
0x28: {  	s0 =	sadd.s32 s4, s0  }
0x29: {  	[tilespmem:s21], [sflag:$0x2] =	stream.linear.gather [hbm4b:s0+s26], $0x50, $0x38;
	[tilespmem:$0x1E900] =	vst v63  }
0x2a: {  	_ =	swait.ge [sflag:s22], $0x5000  }
0x2b: {  	[sflag:s22] =	ssyncset.done $0x0  }
0x2c: {  	[sflag:s22] =	ssyncadd.s32 $0xFFFFB000  }
0x2d: {  	_ =	swait.ge [sflag:s22], $0x50  }
0x2e: {  	[sflag:s22] =	ssyncset.done $0x0  }
0x2f: {  	s12 =	simm.s32 $0xA001;
	[sflag:s22] =	ssyncadd.s32 $0xFFFFFFB0  }
0x30: {  	v1 =	vld [tilespmem:s12+$0x0];
	_ =	sdelay $0x1  }
0x31: {  	v2 =	vld [tilespmem:s12+$0xFFFFFFFF];
	_ =	sdelay $0x2  }
0x32: {  	(v2sf) =	vpush v1, $0x0;
	_ =	sdelay $0x1  }
0x33: {  	(v2sf) =	vpush v2, $0x0;
	_ =	sdelay $0x8  }
0x34: {  	s13 =	sand.u32 $0x7800, s26;
	s14 =	sand.u32 $0x300, s26  }
0x35: {  	s8 =	sor.u32 s14, s13  }
0x36: {  	v1 =	vld [tilespmem:s8+$0x80];
	_ =	sdelay $0x1  }
0x37: {  	v2 =	vld [tilespmem:s8+$0x0];
	s15 =	spop (v2sf)  }
0x38: {  	s0 =	sshll.u32 s15, $0xA  }
0x39: {  	s16 =	spop (v2sf);
	s12 =	sshra.s32 s0, $0x2  }
0x3a: {  	s0 =	sshll.u32 s16, $0xA;
	[tilespmem:s12+$0xA100] =	vst.add.f32.msk $0xffff, v1  }
0x3b: {  	s0 =	sshra.s32 s0, $0x2;
	v1 =	vld [tilespmem:s8+$0x90]  }
0x3c: {  	[tilespmem:s0+$0xA100] =	vst.add.f32.msk $0xffff, v2  }
0x3d: {  	v2 =	vld [tilespmem:s8+$0x10];
	_ =	sdelay $0x2  }
0x3e: {  	[tilespmem:s12+$0xA110] =	vst.add.f32.msk $0xffff, v1  }
0x3f: {  	v1 =	vld [tilespmem:s8+$0xA0]  }
0x40: {  	[tilespmem:s0+$0xA110] =	vst.add.f32.msk $0xffff, v2  }
0x41: {  	v2 =	vld [tilespmem:s8+$0x20];
	_ =	sdelay $0x2  }
0x42: {  	[tilespmem:s12+$0xA120] =	vst.add.f32.msk $0xffff, v1  }
0x43: {  	v1 =	vld [tilespmem:s8+$0xB0]  }
0x44: {  	[tilespmem:s0+$0xA120] =	vst.add.f32.msk $0xffff, v2  }
0x45: {  	s19 =	simm.s32 $0xA003;
	v2 =	vld [tilespmem:s8+$0x30]  }
0x46: {  	v3 =	vld [tilespmem:s19+$0x0]  }
0x47: {  	v4 =	vld [tilespmem:s19+$0xFFFFFFFF]  }
0x48: {  	[tilespmem:s12+$0xA130] =	vst.add.f32.msk $0xffff, v1  }
0x49: {  	v1 =	vld [tilespmem:s8+$0xC0]  }
0x4a: {  	[tilespmem:s0+$0xA130] =	vst.add.f32.msk $0xffff, v2  }
0x4b: {  	(v2sf) =	vpush v3, $0x0;
	v2 =	vld [tilespmem:s8+$0x40]  }
0x4c: {  	(v2sf) =	vpush v4, $0x0;
	_ =	sdelay $0x1  }
0x4d: {  	[tilespmem:s12+$0xA140] =	vst.add.f32.msk $0xffff, v1  }
0x4e: {  	v1 =	vld [tilespmem:s8+$0xD0]  }
0x4f: {  	[tilespmem:s0+$0xA140] =	vst.add.f32.msk $0xffff, v2  }
0x50: {  	v2 =	vld [tilespmem:s8+$0x50];
	_ =	sdelay $0x2  }
0x51: {  	[tilespmem:s12+$0xA150] =	vst.add.f32.msk $0xffff, v1  }
0x52: {  	v1 =	vld [tilespmem:s8+$0xE0]  }
0x53: {  	s10 =	simm.s32 $0x100;
	s13 =	simm.s32 $0x200;
	[tilespmem:s0+$0xA150] =	vst.add.f32.msk $0xffff, v2  }
0x54: {  	s13 =	sand.u32 $0x7800, s13;
	s7 =	sand.u32 $0x300, s10;
	v2 =	vld [tilespmem:s8+$0x60]  }
0x55: {  	s19 =	sor.u32 s7, s13  }
0x56: {  	v4 =	vld [tilespmem:s19+$0x0]  }
0x57: {  	s13 =	spop (v2sf);
	[tilespmem:s12+$0xA160] =	vst.add.f32.msk $0xffff, v1  }
0x58: {  	s7 =	sshll.u32 s13, $0xA;
	s14 =	spop (v2sf);
	v1 =	vld [tilespmem:s8+$0xF0]  }
0x59: {  	s30 =	sshra.s32 s7, $0x2;
	s7 =	sshll.u32 s14, $0xA;
	[tilespmem:s0+$0xA160] =	vst.add.f32.msk $0xffff, v2  }
0x5a: {  	s7 =	sshra.s32 s7, $0x2;
	v2 =	vld [tilespmem:s8+$0x70]  }
0x5b: {  	[tilespmem:s7+$0xA100] =	vst.add.f32.msk $0xffff, v4  }
0x5c: {  	v4 =	vld [tilespmem:s19+$0x10]  }
0x5d: {  	[tilespmem:s12+$0xA170] =	vst.add.f32.msk $0xffff, v1  }
0x5e: {  	v1 =	vld [tilespmem:s8+$0x480]  }
0x5f: {  	[tilespmem:s0+$0xA170] =	vst.add.f32.msk $0xffff, v2  }
0x60: {  	v2 =	vld [tilespmem:s8+$0x400]  }
0x61: {  	[tilespmem:s7+$0xA110] =	vst.add.f32.msk $0xffff, v4  }
0x62: {  	v4 =	vld [tilespmem:s19+$0x20]  }
0x63: {  	[tilespmem:s12+$0xA180] =	vst.add.f32.msk $0xffff, v1  }
0x64: {  	v1 =	vld [tilespmem:s8+$0x490]  }
0x65: {  	[tilespmem:s0+$0xA180] =	vst.add.f32.msk $0xffff, v2  }
0x66: {  	v2 =	vld [tilespmem:s8+$0x410]  }
0x67: {  	[tilespmem:s7+$0xA120] =	vst.add.f32.msk $0xffff, v4  }
0x68: {  	v4 =	vld [tilespmem:s19+$0x30]  }
0x69: {  	[tilespmem:s12+$0xA190] =	vst.add.f32.msk $0xffff, v1  }
0x6a: {  	v1 =	vld [tilespmem:s8+$0x4A0]  }
0x6b: {  	[tilespmem:s0+$0xA190] =	vst.add.f32.msk $0xffff, v2  }
0x6c: {  	v2 =	vld [tilespmem:s19+$0x80]  }
0x6d: {  	[tilespmem:s7+$0xA130] =	vst.add.f32.msk $0xffff, v4  }
0x6e: {  	v3 =	vld [tilespmem:s8+$0x420]  }
0x6f: {  	[tilespmem:s12+$0xA1A0] =	vst.add.f32.msk $0xffff, v1  }
0x70: {  	v1 =	vld [tilespmem:s8+$0x4B0]  }
0x71: {  	[tilespmem:s30+$0xA100] =	vst.add.f32.msk $0xffff, v2  }
0x72: {  	v2 =	vld [tilespmem:s19+$0x90]  }
0x73: {  	[tilespmem:s0+$0xA1A0] =	vst.add.f32.msk $0xffff, v3  }
0x74: {  	v4 =	vld [tilespmem:s8+$0x430]  }
0x75: {  	[tilespmem:s12+$0xA1B0] =	vst.add.f32.msk $0xffff, v1  }
0x76: {  	v1 =	vld [tilespmem:s8+$0x4C0];
	_ =	sdelay $0x1  }
0x77: {  	[tilespmem:s30+$0xA110] =	vst.add.f32.msk $0xffff, v2  }
0x78: {  	v2 =	vld [tilespmem:s19+$0xA0]  }
0x79: {  	[tilespmem:s0+$0xA1B0] =	vst.add.f32.msk $0xffff, v4  }
0x7a: {  	[tilespmem:s12+$0xA1C0] =	vst.add.f32.msk $0xffff, v1  }
0x7b: {  	v1 =	vld [tilespmem:s8+$0x4D0]  }
0x7c: {  	v4 =	vld [tilespmem:s8+$0x440]  }
0x7d: {  	[tilespmem:s30+$0xA120] =	vst.add.f32.msk $0xffff, v2  }
0x7e: {  	v2 =	vld [tilespmem:s19+$0xB0];
	_ =	sdelay $0x1  }
0x7f: {  	[tilespmem:s12+$0xA1D0] =	vst.add.f32.msk $0xffff, v1  }
0x80: {  	v1 =	vld [tilespmem:s8+$0x4E0]  }
0x81: {  	[tilespmem:s0+$0xA1C0] =	vst.add.f32.msk $0xffff, v4  }
0x82: {  	[tilespmem:s30+$0xA130] =	vst.add.f32.msk $0xffff, v2  }
0x83: {  	v2 =	vld [tilespmem:s19+$0xC0]  }
0x84: {  	v4 =	vld [tilespmem:s8+$0x450]  }
0x85: {  	[tilespmem:s12+$0xA1E0] =	vst.add.f32.msk $0xffff, v1  }
0x86: {  	v1 =	vld [tilespmem:s19+$0x40];
	_ =	sdelay $0x1  }
0x87: {  	[tilespmem:s30+$0xA140] =	vst.add.f32.msk $0xffff, v2  }
0x88: {  	v2 =	vld [tilespmem:s19+$0xD0]  }
0x89: {  	[tilespmem:s0+$0xA1D0] =	vst.add.f32.msk $0xffff, v4  }
0x8a: {  	[tilespmem:s7+$0xA140] =	vst.add.f32.msk $0xffff, v1  }
0x8b: {  	s15 =	simm.s32 $0xA005;
	v1 =	vld [tilespmem:s19+$0x50]  }
0x8c: {  	v4 =	vld [tilespmem:s15+$0x0]  }
0x8d: {  	[tilespmem:s30+$0xA150] =	vst.add.f32.msk $0xffff, v2  }
0x8e: {  	v2 =	vld [tilespmem:s19+$0xE0]  }
0x8f: {  	v5 =	vld [tilespmem:s15+$0xFFFFFFFF]  }
0x90: {  	[tilespmem:s7+$0xA150] =	vst.add.f32.msk $0xffff, v1  }
0x91: {  	v1 =	vld [tilespmem:s19+$0x60]  }
0x92: {  	(v2sf) =	vpush v4, $0x0;
	v4 =	vld [tilespmem:s8+$0x460]  }
0x93: {  	[tilespmem:s30+$0xA160] =	vst.add.f32.msk $0xffff, v2  }
0x94: {  	v2 =	vld [tilespmem:s19+$0xF0]  }
0x95: {  	s14 =	simm.s32 $0x200;
	s15 =	simm.s32 $0x400;
	v3 =	vld [tilespmem:s8+$0x4F0]  }
0x96: {  	s10 =	sand.u32 $0x300, s14;
	s16 =	sand.u32 $0x7800, s15;
	(v2sf) =	vpush v5, $0x0;
	[tilespmem:s7+$0xA160] =	vst.add.f32.msk $0xffff, v1  }
0x97: {  	s13 =	sor.u32 s10, s16;
	v1 =	vld [tilespmem:s19+$0x70]  }
0x98: {  	v5 =	vld [tilespmem:s13+$0x0]  }
0x99: {  	[tilespmem:s30+$0xA170] =	vst.add.f32.msk $0xffff, v2  }
0x9a: {  	v2 =	vld [tilespmem:s19+$0x480]  }
0x9b: {  	[tilespmem:s0+$0xA1E0] =	vst.add.f32.msk $0xffff, v4  }
0x9c: {  	[tilespmem:s7+$0xA170] =	vst.add.f32.msk $0xffff, v1  }
0x9d: {  	v1 =	vld [tilespmem:s19+$0x400]  }
0x9e: {  	v4 =	vld [tilespmem:s13+$0x80]  }
0x9f: {  	[tilespmem:s30+$0xA180] =	vst.add.f32.msk $0xffff, v2  }
0xa0: {  	v2 =	vld [tilespmem:s19+$0x490]  }
0xa1: {  	[tilespmem:s12+$0xA1F0] =	vst.add.f32.msk $0xffff, v3  }
0xa2: {  	[tilespmem:s7+$0xA180] =	vst.add.f32.msk $0xffff, v1  }
0xa3: {  	v1 =	vld [tilespmem:s8+$0x470]  }
0xa4: {  	s12 =	spop (v2sf);
	v3 =	vld [tilespmem:s19+$0x410]  }
0xa5: {  	s16 =	spop (v2sf);
	s8 =	sshll.u32 s12, $0xA;
	[tilespmem:s30+$0xA190] =	vst.add.f32.msk $0xffff, v2  }
0xa6: {  	s12 =	sshll.u32 s16, $0xA;
	s8 =	sshra.s32 s8, $0x2;
	v2 =	vld [tilespmem:s19+$0x4A0]  }
0xa7: {  	s16 =	sshra.s32 s12, $0x2;
	[tilespmem:s8+$0xA100] =	vst.add.f32.msk $0xffff, v4  }
0xa8: {  	[tilespmem:s16+$0xA100] =	vst.add.f32.msk $0xffff, v5  }
0xa9: {  	v4 =	vld [tilespmem:s13+$0x10]  }
0xaa: {  	[tilespmem:s7+$0xA190] =	vst.add.f32.msk $0xffff, v3  }
0xab: {  	v3 =	vld [tilespmem:s19+$0x420]  }
0xac: {  	[tilespmem:s30+$0xA1A0] =	vst.add.f32.msk $0xffff, v2  }
0xad: {  	v2 =	vld [tilespmem:s19+$0x4B0];
	_ =	sdelay $0x1  }
0xae: {  	[tilespmem:s16+$0xA110] =	vst.add.f32.msk $0xffff, v4  }
0xaf: {  	[tilespmem:s7+$0xA1A0] =	vst.add.f32.msk $0xffff, v3  }
0xb0: {  	v3 =	vld [tilespmem:s13+$0x90]  }
0xb1: {  	[tilespmem:s30+$0xA1B0] =	vst.add.f32.msk $0xffff, v2  }
0xb2: {  	v2 =	vld [tilespmem:s19+$0x4C0]  }
0xb3: {  	v4 =	vld [tilespmem:s13+$0x20]  }
0xb4: {  	v5 =	vld [tilespmem:s19+$0x430]  }
0xb5: {  	[tilespmem:s8+$0xA110] =	vst.add.f32.msk $0xffff, v3  }
0xb6: {  	v3 =	vld [tilespmem:s13+$0xA0]  }
0xb7: {  	[tilespmem:s30+$0xA1C0] =	vst.add.f32.msk $0xffff, v2  }
0xb8: {  	v2 =	vld [tilespmem:s19+$0x4D0]  }
0xb9: {  	[tilespmem:s16+$0xA120] =	vst.add.f32.msk $0xffff, v4  }
0xba: {  	v4 =	vld [tilespmem:s13+$0x30]  }
0xbb: {  	[tilespmem:s8+$0xA120] =	vst.add.f32.msk $0xffff, v3  }
0xbc: {  	v3 =	vld [tilespmem:s13+$0xB0]  }
0xbd: {  	[tilespmem:s30+$0xA1D0] =	vst.add.f32.msk $0xffff, v2  }
0xbe: {  	v2 =	vld [tilespmem:s19+$0x4E0]  }
0xbf: {  	[tilespmem:s16+$0xA130] =	vst.add.f32.msk $0xffff, v4  }
0xc0: {  	v4 =	vld [tilespmem:s13+$0x40]  }
0xc1: {  	[tilespmem:s8+$0xA130] =	vst.add.f32.msk $0xffff, v3  }
0xc2: {  	v3 =	vld [tilespmem:s13+$0xC0]  }
0xc3: {  	[tilespmem:s30+$0xA1E0] =	vst.add.f32.msk $0xffff, v2  }
0xc4: {  	v2 =	vld [tilespmem:s19+$0x4F0]  }
0xc5: {  	[tilespmem:s7+$0xA1B0] =	vst.add.f32.msk $0xffff, v5  }
0xc6: {  	[tilespmem:s16+$0xA140] =	vst.add.f32.msk $0xffff, v4  }
0xc7: {  	v4 =	vld [tilespmem:s19+$0x440]  }
0xc8: {  	[tilespmem:s8+$0xA140] =	vst.add.f32.msk $0xffff, v3  }
0xc9: {  	[tilespmem:s30+$0xA1F0] =	vst.add.f32.msk $0xffff, v2  }
0xca: {  	v2 =	vld [tilespmem:s13+$0xD0];
	_ =	sdelay $0x2  }
0xcb: {  	v3 =	vld [tilespmem:s13+$0x50]  }
0xcc: {  	[tilespmem:s7+$0xA1C0] =	vst.add.f32.msk $0xffff, v4  }
0xcd: {  	[tilespmem:s8+$0xA150] =	vst.add.f32.msk $0xffff, v2  }
0xce: {  	v2 =	vld [tilespmem:s13+$0xE0]  }
0xcf: {  	v4 =	vld [tilespmem:s19+$0x450]  }
0xd0: {  	[tilespmem:s16+$0xA150] =	vst.add.f32.msk $0xffff, v3  }
0xd1: {  	v5 =	vld [tilespmem:s13+$0x60];
	_ =	sdelay $0x1  }
0xd2: {  	[tilespmem:s8+$0xA160] =	vst.add.f32.msk $0xffff, v2  }
0xd3: {  	v3 =	vld [tilespmem:s13+$0xF0]  }
0xd4: {  	[tilespmem:s7+$0xA1D0] =	vst.add.f32.msk $0xffff, v4  }
0xd5: {  	[tilespmem:s16+$0xA160] =	vst.add.f32.msk $0xffff, v5  }
0xd6: {  	s12 =	simm.s32 $0x4;
	s30 =	simm.s32 $0xA007;
	v2 =	vld [tilespmem:s13+$0x70]  }
.LBB2_5:
0xd7: {  	v4 =	vld [tilespmem:s30+$0x0]  }
0xd8: {  	[tilespmem:s8+$0xA170] =	vst.add.f32.msk $0xffff, v3  }
0xd9: {  	s12 =	sadd.s32 $0x2, s12;
	v3 =	vld [tilespmem:s13+$0x480]  }
0xda: {  	p1 =	slt.u32 s12, $0x4E;
	v5 =	vld [tilespmem:s30+$0xFFFFFFFF]  }
0xdb: {  	[tilespmem:s16+$0xA170] =	vst.add.f32.msk $0xffff, v2  }
0xdc: {  	(v2sf) =	vpush v4, $0x0;
	v2 =	vld [tilespmem:s13+$0x400]  }
0xdd: {  	v4 =	vld [tilespmem:s19+$0x460]  }
0xde: {  	[tilespmem:s8+$0xA180] =	vst.add.f32.msk $0xffff, v3  }
0xdf: {  	(v2sf) =	vpush v5, $0x0;
	v3 =	vld [tilespmem:s13+$0x490]  }
0xe0: {  	[tilespmem:s0+$0xA1F0] =	vst.add.f32.msk $0xffff, v1;
	s0 =	smov.u32 s7;
	s7 =	smov.u32 s16  }
0xe1: {  	[tilespmem:s7+$0xA180] =	vst.add.f32.msk $0xffff, v2  }
0xe2: {  	v2 =	vld [tilespmem:s13+$0x410]  }
0xe3: {  	[tilespmem:s0+$0xA1E0] =	vst.add.f32.msk $0xffff, v4  }
0xe4: {  	[tilespmem:s8+$0xA190] =	vst.add.f32.msk $0xffff, v3  }
0xe5: {  	v3 =	vld [tilespmem:s13+$0x4A0]  }
0xe6: {  	s14 =	sadd.s32 $0x100, s14;
	s15 =	sadd.s32 $0x200, s15;
	v1 =	vld [tilespmem:s19+$0x470];
	s19 =	smov.u32 s13  }
0xe7: {  	s16 =	sand.u32 $0x300, s14;
	s13 =	sand.u32 $0x7800, s15;
	[tilespmem:s7+$0xA190] =	vst.add.f32.msk $0xffff, v2  }
0xe8: {  	s13 =	sor.u32 s16, s13;
	v2 =	vld [tilespmem:s19+$0x420]  }
0xe9: {  	v4 =	vld [tilespmem:s13+$0x80]  }
0xea: {  	[tilespmem:s8+$0xA1A0] =	vst.add.f32.msk $0xffff, v3  }
0xeb: {  	s16 =	spop (v2sf);
	v3 =	vld [tilespmem:s19+$0x4B0]  }
0xec: {  	v5 =	vld [tilespmem:s13+$0x0];
	s16 =	sshll.u32 s16, $0xA  }
0xed: {  	s10 =	sshra.s32 s16, $0x2;
	[tilespmem:s7+$0xA1A0] =	vst.add.f32.msk $0xffff, v2  }
0xee: {  	[tilespmem:s10+$0xA100] =	vst.add.f32.msk $0xffff, v4;
	s16 =	spop (v2sf)  }
0xef: {  	s16 =	sshll.u32 s16, $0xA;
	v2 =	vld [tilespmem:s13+$0x90]  }
0xf0: {  	s16 =	sshra.s32 s16, $0x2;
	[tilespmem:s8+$0xA1B0] =	vst.add.f32.msk $0xffff, v3  }
0xf1: {  	v3 =	vld [tilespmem:s19+$0x4C0]  }
0xf2: {  	[tilespmem:s16+$0xA100] =	vst.add.f32.msk $0xffff, v5  }
0xf3: {  	v4 =	vld [tilespmem:s13+$0x10]  }
0xf4: {  	[tilespmem:s10+$0xA110] =	vst.add.f32.msk $0xffff, v2  }
0xf5: {  	v2 =	vld [tilespmem:s13+$0xA0]  }
0xf6: {  	[tilespmem:s8+$0xA1C0] =	vst.add.f32.msk $0xffff, v3  }
0xf7: {  	v3 =	vld [tilespmem:s19+$0x4D0]  }
0xf8: {  	[tilespmem:s16+$0xA110] =	vst.add.f32.msk $0xffff, v4  }
0xf9: {  	v4 =	vld [tilespmem:s13+$0x20]  }
0xfa: {  	[tilespmem:s10+$0xA120] =	vst.add.f32.msk $0xffff, v2  }
0xfb: {  	v2 =	vld [tilespmem:s13+$0xB0]  }
0xfc: {  	[tilespmem:s8+$0xA1D0] =	vst.add.f32.msk $0xffff, v3  }
0xfd: {  	v3 =	vld [tilespmem:s19+$0x4E0]  }
0xfe: {  	[tilespmem:s16+$0xA120] =	vst.add.f32.msk $0xffff, v4  }
0xff: {  	v4 =	vld [tilespmem:s13+$0x30]  }
0x100: {  	[tilespmem:s10+$0xA130] =	vst.add.f32.msk $0xffff, v2  }
0x101: {  	v2 =	vld [tilespmem:s13+$0xC0]  }
0x102: {  	[tilespmem:s8+$0xA1E0] =	vst.add.f32.msk $0xffff, v3  }
0x103: {  	v3 =	vld [tilespmem:s19+$0x4F0]  }
0x104: {  	[tilespmem:s16+$0xA130] =	vst.add.f32.msk $0xffff, v4  }
0x105: {  	v4 =	vld [tilespmem:s13+$0x40]  }
0x106: {  	v5 =	vld [tilespmem:s19+$0x430]  }
0x107: {  	[tilespmem:s10+$0xA140] =	vst.add.f32.msk $0xffff, v2  }
0x108: {  	[tilespmem:s8+$0xA1F0] =	vst.add.f32.msk $0xffff, v3;
	s8 =	smov.u32 s10  }
0x109: {  	v2 =	vld [tilespmem:s13+$0xD0]  }
0x10a: {  	[tilespmem:s16+$0xA140] =	vst.add.f32.msk $0xffff, v4  }
0x10b: {  	v3 =	vld [tilespmem:s13+$0x50]  }
0x10c: {  	[tilespmem:s7+$0xA1B0] =	vst.add.f32.msk $0xffff, v5  }
0x10d: {  	v4 =	vld [tilespmem:s19+$0x440]  }
0x10e: {  	[tilespmem:s8+$0xA150] =	vst.add.f32.msk $0xffff, v2  }
0x10f: {  	v2 =	vld [tilespmem:s13+$0xE0]  }
0x110: {  	[tilespmem:s16+$0xA150] =	vst.add.f32.msk $0xffff, v3  }
0x111: {  	v5 =	vld [tilespmem:s13+$0x60]  }
0x112: {  	[tilespmem:s7+$0xA1C0] =	vst.add.f32.msk $0xffff, v4  }
0x113: {  	v4 =	vld [tilespmem:s19+$0x450]  }
.Ltmp1:
0x114: {  	[tilespmem:s8+$0xA160] =	vst.add.f32.msk $0xffff, v2;
	(pc) =	sbr.rel @p1 .LBB2_5-.Ltmp1, $4  }
0x115: {  	v3 =	vld [tilespmem:s13+$0xF0]  }
0x116: {  	[tilespmem:s16+$0xA160] =	vst.add.f32.msk $0xffff, v5  }
0x117: {  	v2 =	vld [tilespmem:s13+$0x70]  }
0x118: {  	s30 =	sadd.s32 $0x2, s30;
	[tilespmem:s7+$0xA1D0] =	vst.add.f32.msk $0xffff, v4  }
0x119: {  	_ = 	snop  }
0x11a: {  	[tilespmem:s8+$0xA170] =	vst.add.f32.msk $0xffff, v3  }
0x11b: {  	v3 =	vld [tilespmem:s13+$0x480]  }
0x11c: {  	[tilespmem:s16+$0xA170] =	vst.add.f32.msk $0xffff, v2  }
0x11d: {  	v2 =	vld [tilespmem:s13+$0x400];
	_ =	sdelay $0x2  }
0x11e: {  	[tilespmem:s8+$0xA180] =	vst.add.f32.msk $0xffff, v3  }
0x11f: {  	v3 =	vld [tilespmem:s13+$0x490]  }
0x120: {  	[tilespmem:s16+$0xA180] =	vst.add.f32.msk $0xffff, v2  }
0x121: {  	v2 =	vld [tilespmem:s13+$0x410];
	_ =	sdelay $0x2  }
0x122: {  	[tilespmem:s8+$0xA190] =	vst.add.f32.msk $0xffff, v3  }
0x123: {  	v3 =	vld [tilespmem:s13+$0x4A0]  }
0x124: {  	[tilespmem:s16+$0xA190] =	vst.add.f32.msk $0xffff, v2  }
0x125: {  	v2 =	vld [tilespmem:s13+$0x420];
	_ =	sdelay $0x2  }
0x126: {  	[tilespmem:s8+$0xA1A0] =	vst.add.f32.msk $0xffff, v3  }
0x127: {  	v3 =	vld [tilespmem:s13+$0x4B0]  }
0x128: {  	[tilespmem:s16+$0xA1A0] =	vst.add.f32.msk $0xffff, v2  }
0x129: {  	v2 =	vld [tilespmem:s13+$0x430];
	_ =	sdelay $0x2  }
0x12a: {  	[tilespmem:s8+$0xA1B0] =	vst.add.f32.msk $0xffff, v3  }
0x12b: {  	v3 =	vld [tilespmem:s13+$0x4C0]  }
0x12c: {  	[tilespmem:s16+$0xA1B0] =	vst.add.f32.msk $0xffff, v2  }
0x12d: {  	v2 =	vld [tilespmem:s13+$0x440];
	_ =	sdelay $0x2  }
0x12e: {  	[tilespmem:s8+$0xA1C0] =	vst.add.f32.msk $0xffff, v3  }
0x12f: {  	v3 =	vld [tilespmem:s13+$0x4D0]  }
0x130: {  	[tilespmem:s16+$0xA1C0] =	vst.add.f32.msk $0xffff, v2  }
0x131: {  	v2 =	vld [tilespmem:s13+$0x450];
	_ =	sdelay $0x1  }
0x132: {  	v4 =	vld [tilespmem:s19+$0x460]  }
0x133: {  	[tilespmem:s8+$0xA1D0] =	vst.add.f32.msk $0xffff, v3  }
0x134: {  	v3 =	vld [tilespmem:s13+$0x4E0]  }
0x135: {  	[tilespmem:s16+$0xA1D0] =	vst.add.f32.msk $0xffff, v2  }
0x136: {  	v2 =	vld [tilespmem:s13+$0x460]  }
0x137: {  	[tilespmem:s7+$0xA1E0] =	vst.add.f32.msk $0xffff, v4  }
0x138: {  	s10 =	sshll.u32 s31, $0x1;
	v4 =	vld [tilespmem:s19+$0x470]  }
0x139: {  	s10 =	sadd.s32 $0x2, s10;
	[tilespmem:s8+$0xA1E0] =	vst.add.f32.msk $0xffff, v3  }
0x13a: {  	p1 =	sge.u32 s10, s6;
	v3 =	vld [tilespmem:s13+$0x4F0]  }
0x13b: {  	s10 =	sshll.u32 @!p1 s10, $0x4;
	[tilespmem:s16+$0xA1E0] =	vst.add.f32.msk $0xffff, v2  }
0x13c: {  	s10 =	sor.u32 @!p1 s2, s10;
	v2 =	vld [tilespmem:s13+$0x470]  }
0x13d: {  	s12 =	smul.u32 @!p1 $0xA000, s10  }
0x13e: {  	[tilespmem:s0+$0xA1F0] =	vst.add.f32.msk $0xffff, v1  }
0x13f: {  	s0 =	sor.u32 @!p1 s5, s12;
	[tilespmem:s7+$0xA1F0] =	vst.add.f32.msk $0xffff, v4  }
0x140: {  	s10 =	smul.u32 @!p1 $0xA, s10;
	s12 =	simm.s32 @!p1 $0x0;
	s0 =	sshrl.u32 @!p1 s0, $0x3;
	[tilespmem:s8+$0xA1F0] =	vst.add.f32.msk $0xffff, v3  }
0x141: {  	s0 =	sadd.s32 @!p1 s1, s0;
	s7 =	simm.s32 @!p1 $0x800;
	s8 =	simm.s32 @!p1 $0x1000;
	[tilespmem:s16+$0xA1F0] =	vst.add.f32.msk $0xffff, v2  }
0x142: {  	[tilespmem:s12], [sflag:$0x1] =	stream.strided.gather @!p1 [hbm4b:s0+s7], $0x5000, s8, s7, $0x38;
	[tilespmem:$0x1E900] =	vst v63  }
0x143: {  	s0 =	sadd.s32 @!p1 s4, s10;
	s7 =	simm.s32 @!p1 $0xA000  }
0x144: {  	[tilespmem:s7], [sflag:$0x1] =	stream.linear.gather @!p1 [hbm4b:s0+s12], $0x50, $0x38;
	[tilespmem:$0x1E900] =	vst v63  }
0x145: {  	_ =	swait.ge [sflag:s23], $0x5000  }
0x146: {  	[sflag:s23] =	ssyncset.done $0x0  }
0x147: {  	[sflag:s23] =	ssyncadd.s32 $0xFFFFB000  }
0x148: {  	_ =	swait.ge [sflag:s23], $0x50  }
0x149: {  	[sflag:s23] =	ssyncset.done $0x0  }
0x14a: {  	s10 =	simm.s32 $0xA081;
	[sflag:s23] =	ssyncadd.s32 $0xFFFFFFB0  }
0x14b: {  	v1 =	vld [tilespmem:s10+$0x0];
	_ =	sdelay $0x3  }
0x14c: {  	v2 =	vld [tilespmem:s10+$0xFFFFFFFF]  }
0x14d: {  	(v2sf) =	vpush v1, $0x0;
	_ =	sdelay $0x3  }
0x14e: {  	(v2sf) =	vpush v2, $0x0;
	_ =	sdelay $0x5  }
0x14f: {  	s12 =	simm.s32 $0x0  }
0x150: {  	s13 =	sand.u32 $0x7800, s12;
	s0 =	sand.u32 $0x300, s12  }
0x151: {  	s8 =	sor.u32 s0, s13  }
0x152: {  	v1 =	vld [tilespmem:s8+$0x5080];
	_ =	sdelay $0x1  }
0x153: {  	s14 =	spop (v2sf)  }
0x154: {  	s0 =	sshll.u32 s14, $0xA  }
0x155: {  	v2 =	vld [tilespmem:s8+$0x5000];
	s12 =	sshra.s32 s0, $0x2  }
0x156: {  	[tilespmem:s12+$0xA100] =	vst.add.f32.msk $0xffff, v1  }
0x157: {  	s15 =	spop (v2sf);
	v1 =	vld [tilespmem:s8+$0x5090]  }
0x158: {  	s0 =	sshll.u32 s15, $0xA  }
0x159: {  	s0 =	sshra.s32 s0, $0x2  }
0x15a: {  	[tilespmem:s0+$0xA100] =	vst.add.f32.msk $0xffff, v2  }
0x15b: {  	v2 =	vld [tilespmem:s8+$0x5010]  }
0x15c: {  	[tilespmem:s12+$0xA110] =	vst.add.f32.msk $0xffff, v1  }
0x15d: {  	v1 =	vld [tilespmem:s8+$0x50A0];
	_ =	sdelay $0x2  }
0x15e: {  	[tilespmem:s0+$0xA110] =	vst.add.f32.msk $0xffff, v2  }
0x15f: {  	v2 =	vld [tilespmem:s8+$0x5020]  }
0x160: {  	[tilespmem:s12+$0xA120] =	vst.add.f32.msk $0xffff, v1  }
0x161: {  	v1 =	vld [tilespmem:s8+$0x50B0];
	_ =	sdelay $0x2  }
0x162: {  	[tilespmem:s0+$0xA120] =	vst.add.f32.msk $0xffff, v2  }
0x163: {  	v2 =	vld [tilespmem:s8+$0x5030]  }
0x164: {  	[tilespmem:s12+$0xA130] =	vst.add.f32.msk $0xffff, v1  }
0x165: {  	v1 =	vld [tilespmem:s8+$0x50C0];
	_ =	sdelay $0x2  }
0x166: {  	[tilespmem:s0+$0xA130] =	vst.add.f32.msk $0xffff, v2  }
0x167: {  	v2 =	vld [tilespmem:s8+$0x5040]  }
0x168: {  	[tilespmem:s12+$0xA140] =	vst.add.f32.msk $0xffff, v1  }
0x169: {  	v1 =	vld [tilespmem:s8+$0x50D0];
	_ =	sdelay $0x2  }
0x16a: {  	[tilespmem:s0+$0xA140] =	vst.add.f32.msk $0xffff, v2  }
0x16b: {  	v2 =	vld [tilespmem:s8+$0x5050]  }
0x16c: {  	[tilespmem:s12+$0xA150] =	vst.add.f32.msk $0xffff, v1  }
0x16d: {  	s16 =	simm.s32 $0xA083;
	v1 =	vld [tilespmem:s8+$0x50E0]  }
0x16e: {  	v3 =	vld [tilespmem:s16+$0x0]  }
0x16f: {  	v4 =	vld [tilespmem:s16+$0xFFFFFFFF]  }
0x170: {  	[tilespmem:s0+$0xA150] =	vst.add.f32.msk $0xffff, v2  }
0x171: {  	v2 =	vld [tilespmem:s8+$0x5060]  }
0x172: {  	[tilespmem:s12+$0xA160] =	vst.add.f32.msk $0xffff, v1  }
0x173: {  	(v2sf) =	vpush v3, $0x0;
	v1 =	vld [tilespmem:s8+$0x50F0]  }
0x174: {  	(v2sf) =	vpush v4, $0x0;
	_ =	sdelay $0x1  }
0x175: {  	[tilespmem:s0+$0xA160] =	vst.add.f32.msk $0xffff, v2  }
0x176: {  	v2 =	vld [tilespmem:s8+$0x5070]  }
0x177: {  	[tilespmem:s12+$0xA170] =	vst.add.f32.msk $0xffff, v1  }
0x178: {  	v1 =	vld [tilespmem:s8+$0x5480];
	_ =	sdelay $0x2  }
0x179: {  	[tilespmem:s0+$0xA170] =	vst.add.f32.msk $0xffff, v2  }
0x17a: {  	v2 =	vld [tilespmem:s8+$0x5400]  }
0x17b: {  	s19 =	simm.s32 $0x100;
	s13 =	simm.s32 $0x200;
	[tilespmem:s12+$0xA180] =	vst.add.f32.msk $0xffff, v1  }
0x17c: {  	s7 =	sand.u32 $0x300, s19;
	s10 =	sand.u32 $0x7800, s13;
	s16 =	simm.s32 $0xA085;
	v1 =	vld [tilespmem:s8+$0x5490]  }
0x17d: {  	s7 =	sor.u32 s7, s10;
	v5 =	vld [tilespmem:s16+$0xFFFFFFFF]  }
0x17e: {  	v4 =	vld [tilespmem:s7+$0x5000]  }
0x17f: {  	s14 =	spop (v2sf);
	[tilespmem:s0+$0xA180] =	vst.add.f32.msk $0xffff, v2  }
0x180: {  	s10 =	sshll.u32 s14, $0xA;
	s15 =	spop (v2sf);
	v2 =	vld [tilespmem:s8+$0x5410]  }
0x181: {  	s30 =	sshra.s32 s10, $0x2;
	s10 =	sshll.u32 s15, $0xA;
	[tilespmem:s12+$0xA190] =	vst.add.f32.msk $0xffff, v1  }
0x182: {  	s19 =	sshra.s32 s10, $0x2;
	v1 =	vld [tilespmem:s8+$0x54A0]  }
0x183: {  	[tilespmem:s19+$0xA100] =	vst.add.f32.msk $0xffff, v4  }
0x184: {  	v4 =	vld [tilespmem:s7+$0x5010]  }
0x185: {  	[tilespmem:s0+$0xA190] =	vst.add.f32.msk $0xffff, v2  }
0x186: {  	v2 =	vld [tilespmem:s7+$0x5080]  }
0x187: {  	[tilespmem:s12+$0xA1A0] =	vst.add.f32.msk $0xffff, v1  }
0x188: {  	v1 =	vld [tilespmem:s8+$0x54B0]  }
0x189: {  	[tilespmem:s19+$0xA110] =	vst.add.f32.msk $0xffff, v4  }
0x18a: {  	v4 =	vld [tilespmem:s7+$0x5020]  }
0x18b: {  	[tilespmem:s30+$0xA100] =	vst.add.f32.msk $0xffff, v2  }
0x18c: {  	v2 =	vld [tilespmem:s7+$0x5090]  }
0x18d: {  	[tilespmem:s12+$0xA1B0] =	vst.add.f32.msk $0xffff, v1  }
0x18e: {  	v1 =	vld [tilespmem:s8+$0x54C0]  }
0x18f: {  	[tilespmem:s19+$0xA120] =	vst.add.f32.msk $0xffff, v4  }
0x190: {  	v4 =	vld [tilespmem:s7+$0x5030]  }
0x191: {  	[tilespmem:s30+$0xA110] =	vst.add.f32.msk $0xffff, v2  }
0x192: {  	v2 =	vld [tilespmem:s7+$0x50A0]  }
0x193: {  	[tilespmem:s12+$0xA1C0] =	vst.add.f32.msk $0xffff, v1  }
0x194: {  	v1 =	vld [tilespmem:s8+$0x54D0]  }
0x195: {  	[tilespmem:s19+$0xA130] =	vst.add.f32.msk $0xffff, v4  }
0x196: {  	v3 =	vld [tilespmem:s8+$0x5420]  }
0x197: {  	[tilespmem:s30+$0xA120] =	vst.add.f32.msk $0xffff, v2  }
0x198: {  	v2 =	vld [tilespmem:s7+$0x50B0]  }
0x199: {  	[tilespmem:s12+$0xA1D0] =	vst.add.f32.msk $0xffff, v1  }
0x19a: {  	v1 =	vld [tilespmem:s8+$0x54E0]  }
0x19b: {  	[tilespmem:s0+$0xA1A0] =	vst.add.f32.msk $0xffff, v3  }
0x19c: {  	v4 =	vld [tilespmem:s8+$0x5430]  }
0x19d: {  	[tilespmem:s30+$0xA130] =	vst.add.f32.msk $0xffff, v2  }
0x19e: {  	v2 =	vld [tilespmem:s7+$0x50C0]  }
0x19f: {  	[tilespmem:s12+$0xA1E0] =	vst.add.f32.msk $0xffff, v1  }
0x1a0: {  	v1 =	vld [tilespmem:s7+$0x5040]  }
0x1a1: {  	[tilespmem:s0+$0xA1B0] =	vst.add.f32.msk $0xffff, v4  }
0x1a2: {  	v4 =	vld [tilespmem:s8+$0x5440]  }
0x1a3: {  	[tilespmem:s30+$0xA140] =	vst.add.f32.msk $0xffff, v2  }
0x1a4: {  	v2 =	vld [tilespmem:s7+$0x50D0]  }
0x1a5: {  	[tilespmem:s19+$0xA140] =	vst.add.f32.msk $0xffff, v1  }
0x1a6: {  	v1 =	vld [tilespmem:s7+$0x5050]  }
0x1a7: {  	[tilespmem:s0+$0xA1C0] =	vst.add.f32.msk $0xffff, v4  }
0x1a8: {  	v4 =	vld [tilespmem:s8+$0x5450]  }
0x1a9: {  	[tilespmem:s30+$0xA150] =	vst.add.f32.msk $0xffff, v2  }
0x1aa: {  	v2 =	vld [tilespmem:s7+$0x50E0]  }
0x1ab: {  	[tilespmem:s19+$0xA150] =	vst.add.f32.msk $0xffff, v1  }
0x1ac: {  	v1 =	vld [tilespmem:s7+$0x5060]  }
0x1ad: {  	[tilespmem:s0+$0xA1D0] =	vst.add.f32.msk $0xffff, v4  }
0x1ae: {  	v4 =	vld [tilespmem:s16+$0x0]  }
0x1af: {  	[tilespmem:s30+$0xA160] =	vst.add.f32.msk $0xffff, v2  }
0x1b0: {  	v2 =	vld [tilespmem:s7+$0x50F0]  }
0x1b1: {  	[tilespmem:s19+$0xA160] =	vst.add.f32.msk $0xffff, v1  }
0x1b2: {  	v1 =	vld [tilespmem:s7+$0x5070]  }
0x1b3: {  	(v2sf) =	vpush v4, $0x0;
	v4 =	vld [tilespmem:s8+$0x5460]  }
0x1b4: {  	v3 =	vld [tilespmem:s8+$0x54F0];
	(v2sf) =	vpush v5, $0x0  }
0x1b5: {  	[tilespmem:s30+$0xA170] =	vst.add.f32.msk $0xffff, v2  }
0x1b6: {  	v2 =	vld [tilespmem:s7+$0x5480]  }
0x1b7: {  	[tilespmem:s19+$0xA170] =	vst.add.f32.msk $0xffff, v1  }
0x1b8: {  	v1 =	vld [tilespmem:s7+$0x5400]  }
0x1b9: {  	[tilespmem:s0+$0xA1E0] =	vst.add.f32.msk $0xffff, v4  }
0x1ba: {  	[tilespmem:s12+$0xA1F0] =	vst.add.f32.msk $0xffff, v3  }
0x1bb: {  	[tilespmem:s30+$0xA180] =	vst.add.f32.msk $0xffff, v2  }
0x1bc: {  	v2 =	vld [tilespmem:s7+$0x5490]  }
0x1bd: {  	s14 =	simm.s32 $0x200;
	s15 =	simm.s32 $0x400;
	[tilespmem:s19+$0xA180] =	vst.add.f32.msk $0xffff, v1  }
0x1be: {  	s10 =	sand.u32 $0x7800, s15;
	s12 =	sand.u32 $0x300, s14;
	v1 =	vld [tilespmem:s8+$0x5470]  }
0x1bf: {  	s8 =	sor.u32 s12, s10;
	v3 =	vld [tilespmem:s7+$0x5410]  }
0x1c0: {  	v4 =	vld [tilespmem:s8+$0x5080]  }
0x1c1: {  	v5 =	vld [tilespmem:s8+$0x5000]  }
0x1c2: {  	s13 =	spop (v2sf);
	[tilespmem:s30+$0xA190] =	vst.add.f32.msk $0xffff, v2  }
0x1c3: {  	s16 =	spop (v2sf);
	s10 =	sshll.u32 s13, $0xA;
	v2 =	vld [tilespmem:s7+$0x54A0]  }
0x1c4: {  	s13 =	sshra.s32 s10, $0x2;
	s10 =	sshll.u32 s16, $0xA;
	[tilespmem:s19+$0xA190] =	vst.add.f32.msk $0xffff, v3  }
0x1c5: {  	s16 =	sshra.s32 s10, $0x2;
	[tilespmem:s13+$0xA100] =	vst.add.f32.msk $0xffff, v4  }
0x1c6: {  	[tilespmem:s16+$0xA100] =	vst.add.f32.msk $0xffff, v5  }
0x1c7: {  	v3 =	vld [tilespmem:s7+$0x5420]  }
0x1c8: {  	[tilespmem:s30+$0xA1A0] =	vst.add.f32.msk $0xffff, v2  }
0x1c9: {  	v4 =	vld [tilespmem:s8+$0x5010]  }
0x1ca: {  	v2 =	vld [tilespmem:s7+$0x54B0];
	_ =	sdelay $0x1  }
0x1cb: {  	[tilespmem:s19+$0xA1A0] =	vst.add.f32.msk $0xffff, v3  }
0x1cc: {  	v3 =	vld [tilespmem:s8+$0x5090]  }
0x1cd: {  	[tilespmem:s16+$0xA110] =	vst.add.f32.msk $0xffff, v4  }
0x1ce: {  	[tilespmem:s30+$0xA1B0] =	vst.add.f32.msk $0xffff, v2  }
0x1cf: {  	v2 =	vld [tilespmem:s7+$0x54C0]  }
0x1d0: {  	v4 =	vld [tilespmem:s8+$0x5020]  }
0x1d1: {  	v5 =	vld [tilespmem:s7+$0x5430]  }
0x1d2: {  	[tilespmem:s13+$0xA110] =	vst.add.f32.msk $0xffff, v3  }
0x1d3: {  	v3 =	vld [tilespmem:s8+$0x50A0]  }
0x1d4: {  	[tilespmem:s30+$0xA1C0] =	vst.add.f32.msk $0xffff, v2  }
0x1d5: {  	v2 =	vld [tilespmem:s7+$0x54D0]  }
0x1d6: {  	[tilespmem:s16+$0xA120] =	vst.add.f32.msk $0xffff, v4  }
0x1d7: {  	v4 =	vld [tilespmem:s8+$0x5030]  }
0x1d8: {  	[tilespmem:s13+$0xA120] =	vst.add.f32.msk $0xffff, v3  }
0x1d9: {  	v3 =	vld [tilespmem:s8+$0x50B0]  }
0x1da: {  	[tilespmem:s30+$0xA1D0] =	vst.add.f32.msk $0xffff, v2  }
0x1db: {  	v2 =	vld [tilespmem:s7+$0x54E0]  }
0x1dc: {  	[tilespmem:s16+$0xA130] =	vst.add.f32.msk $0xffff, v4  }
0x1dd: {  	v4 =	vld [tilespmem:s8+$0x5040]  }
0x1de: {  	[tilespmem:s13+$0xA130] =	vst.add.f32.msk $0xffff, v3  }
0x1df: {  	v3 =	vld [tilespmem:s8+$0x50C0]  }
0x1e0: {  	[tilespmem:s30+$0xA1E0] =	vst.add.f32.msk $0xffff, v2  }
0x1e1: {  	v2 =	vld [tilespmem:s7+$0x54F0]  }
0x1e2: {  	[tilespmem:s19+$0xA1B0] =	vst.add.f32.msk $0xffff, v5  }
0x1e3: {  	[tilespmem:s16+$0xA140] =	vst.add.f32.msk $0xffff, v4  }
0x1e4: {  	v4 =	vld [tilespmem:s7+$0x5440]  }
0x1e5: {  	[tilespmem:s13+$0xA140] =	vst.add.f32.msk $0xffff, v3  }
0x1e6: {  	[tilespmem:s30+$0xA1F0] =	vst.add.f32.msk $0xffff, v2  }
0x1e7: {  	v2 =	vld [tilespmem:s8+$0x50D0];
	_ =	sdelay $0x2  }
0x1e8: {  	v3 =	vld [tilespmem:s8+$0x5050]  }
0x1e9: {  	[tilespmem:s19+$0xA1C0] =	vst.add.f32.msk $0xffff, v4  }
0x1ea: {  	[tilespmem:s13+$0xA150] =	vst.add.f32.msk $0xffff, v2  }
0x1eb: {  	v2 =	vld [tilespmem:s8+$0x50E0]  }
0x1ec: {  	v4 =	vld [tilespmem:s7+$0x5450]  }
0x1ed: {  	[tilespmem:s16+$0xA150] =	vst.add.f32.msk $0xffff, v3  }
0x1ee: {  	v5 =	vld [tilespmem:s8+$0x5060];
	_ =	sdelay $0x1  }
0x1ef: {  	[tilespmem:s13+$0xA160] =	vst.add.f32.msk $0xffff, v2  }
0x1f0: {  	v3 =	vld [tilespmem:s8+$0x50F0]  }
0x1f1: {  	[tilespmem:s19+$0xA1D0] =	vst.add.f32.msk $0xffff, v4  }
0x1f2: {  	[tilespmem:s16+$0xA160] =	vst.add.f32.msk $0xffff, v5  }
0x1f3: {  	s12 =	simm.s32 $0x4;
	s30 =	simm.s32 $0xA087;
	v2 =	vld [tilespmem:s8+$0x5070]  }
.LBB2_7:
0x1f4: {  	v4 =	vld [tilespmem:s30+$0x0]  }
0x1f5: {  	[tilespmem:s13+$0xA170] =	vst.add.f32.msk $0xffff, v3  }
0x1f6: {  	s12 =	sadd.s32 $0x2, s12;
	v3 =	vld [tilespmem:s8+$0x5480]  }
0x1f7: {  	p1 =	slt.u32 s12, $0x4E;
	v5 =	vld [tilespmem:s30+$0xFFFFFFFF]  }
0x1f8: {  	[tilespmem:s16+$0xA170] =	vst.add.f32.msk $0xffff, v2  }
0x1f9: {  	(v2sf) =	vpush v4, $0x0;
	v2 =	vld [tilespmem:s8+$0x5400]  }
0x1fa: {  	v4 =	vld [tilespmem:s7+$0x5460]  }
0x1fb: {  	[tilespmem:s13+$0xA180] =	vst.add.f32.msk $0xffff, v3  }
0x1fc: {  	(v2sf) =	vpush v5, $0x0;
	v3 =	vld [tilespmem:s8+$0x5490]  }
0x1fd: {  	[tilespmem:s0+$0xA1F0] =	vst.add.f32.msk $0xffff, v1;
	s0 =	smov.u32 s19;
	s19 =	smov.u32 s16  }
0x1fe: {  	[tilespmem:s19+$0xA180] =	vst.add.f32.msk $0xffff, v2  }
0x1ff: {  	v2 =	vld [tilespmem:s8+$0x5410]  }
0x200: {  	[tilespmem:s0+$0xA1E0] =	vst.add.f32.msk $0xffff, v4  }
0x201: {  	[tilespmem:s13+$0xA190] =	vst.add.f32.msk $0xffff, v3  }
0x202: {  	v3 =	vld [tilespmem:s8+$0x54A0]  }
0x203: {  	s14 =	sadd.s32 $0x100, s14;
	s15 =	sadd.s32 $0x200, s15;
	v1 =	vld [tilespmem:s7+$0x5470];
	s7 =	smov.u32 s8  }
0x204: {  	s10 =	sand.u32 $0x300, s14;
	s8 =	sand.u32 $0x7800, s15;
	[tilespmem:s19+$0xA190] =	vst.add.f32.msk $0xffff, v2  }
0x205: {  	s8 =	sor.u32 s10, s8;
	v2 =	vld [tilespmem:s7+$0x5420]  }
0x206: {  	v4 =	vld [tilespmem:s8+$0x5080]  }
0x207: {  	[tilespmem:s13+$0xA1A0] =	vst.add.f32.msk $0xffff, v3  }
0x208: {  	s10 =	spop (v2sf);
	v3 =	vld [tilespmem:s7+$0x54B0]  }
0x209: {  	v5 =	vld [tilespmem:s8+$0x5000];
	s10 =	sshll.u32 s10, $0xA  }
0x20a: {  	s10 =	sshra.s32 s10, $0x2;
	[tilespmem:s19+$0xA1A0] =	vst.add.f32.msk $0xffff, v2  }
0x20b: {  	[tilespmem:s10+$0xA100] =	vst.add.f32.msk $0xffff, v4;
	s16 =	spop (v2sf)  }
0x20c: {  	s16 =	sshll.u32 s16, $0xA;
	v2 =	vld [tilespmem:s8+$0x5090]  }
0x20d: {  	s16 =	sshra.s32 s16, $0x2;
	[tilespmem:s13+$0xA1B0] =	vst.add.f32.msk $0xffff, v3  }
0x20e: {  	v3 =	vld [tilespmem:s7+$0x54C0]  }
0x20f: {  	[tilespmem:s16+$0xA100] =	vst.add.f32.msk $0xffff, v5  }
0x210: {  	v4 =	vld [tilespmem:s8+$0x5010]  }
0x211: {  	[tilespmem:s10+$0xA110] =	vst.add.f32.msk $0xffff, v2  }
0x212: {  	v2 =	vld [tilespmem:s8+$0x50A0]  }
0x213: {  	[tilespmem:s13+$0xA1C0] =	vst.add.f32.msk $0xffff, v3  }
0x214: {  	v3 =	vld [tilespmem:s7+$0x54D0]  }
0x215: {  	[tilespmem:s16+$0xA110] =	vst.add.f32.msk $0xffff, v4  }
0x216: {  	v4 =	vld [tilespmem:s8+$0x5020]  }
0x217: {  	[tilespmem:s10+$0xA120] =	vst.add.f32.msk $0xffff, v2  }
0x218: {  	v2 =	vld [tilespmem:s8+$0x50B0]  }
0x219: {  	[tilespmem:s13+$0xA1D0] =	vst.add.f32.msk $0xffff, v3  }
0x21a: {  	v3 =	vld [tilespmem:s7+$0x54E0]  }
0x21b: {  	[tilespmem:s16+$0xA120] =	vst.add.f32.msk $0xffff, v4  }
0x21c: {  	v4 =	vld [tilespmem:s8+$0x5030]  }
0x21d: {  	[tilespmem:s10+$0xA130] =	vst.add.f32.msk $0xffff, v2  }
0x21e: {  	v2 =	vld [tilespmem:s8+$0x50C0]  }
0x21f: {  	[tilespmem:s13+$0xA1E0] =	vst.add.f32.msk $0xffff, v3  }
0x220: {  	v3 =	vld [tilespmem:s7+$0x54F0]  }
0x221: {  	[tilespmem:s16+$0xA130] =	vst.add.f32.msk $0xffff, v4  }
0x222: {  	v4 =	vld [tilespmem:s8+$0x5040]  }
0x223: {  	v5 =	vld [tilespmem:s7+$0x5430]  }
0x224: {  	[tilespmem:s10+$0xA140] =	vst.add.f32.msk $0xffff, v2  }
0x225: {  	[tilespmem:s13+$0xA1F0] =	vst.add.f32.msk $0xffff, v3;
	s13 =	smov.u32 s10  }
0x226: {  	v2 =	vld [tilespmem:s8+$0x50D0]  }
0x227: {  	[tilespmem:s16+$0xA140] =	vst.add.f32.msk $0xffff, v4  }
0x228: {  	v3 =	vld [tilespmem:s8+$0x5050]  }
0x229: {  	[tilespmem:s19+$0xA1B0] =	vst.add.f32.msk $0xffff, v5  }
0x22a: {  	v4 =	vld [tilespmem:s7+$0x5440]  }
0x22b: {  	[tilespmem:s13+$0xA150] =	vst.add.f32.msk $0xffff, v2  }
0x22c: {  	v2 =	vld [tilespmem:s8+$0x50E0]  }
0x22d: {  	[tilespmem:s16+$0xA150] =	vst.add.f32.msk $0xffff, v3  }
0x22e: {  	v5 =	vld [tilespmem:s8+$0x5060]  }
0x22f: {  	[tilespmem:s19+$0xA1C0] =	vst.add.f32.msk $0xffff, v4  }
0x230: {  	v4 =	vld [tilespmem:s7+$0x5450]  }
.Ltmp2:
0x231: {  	[tilespmem:s13+$0xA160] =	vst.add.f32.msk $0xffff, v2;
	(pc) =	sbr.rel @p1 .LBB2_7-.Ltmp2, $4  }
0x232: {  	v3 =	vld [tilespmem:s8+$0x50F0]  }
0x233: {  	[tilespmem:s16+$0xA160] =	vst.add.f32.msk $0xffff, v5  }
0x234: {  	v2 =	vld [tilespmem:s8+$0x5070]  }
0x235: {  	s30 =	sadd.s32 $0x2, s30;
	[tilespmem:s19+$0xA1D0] =	vst.add.f32.msk $0xffff, v4  }
0x236: {  	_ = 	snop  }
0x237: {  	[tilespmem:s13+$0xA170] =	vst.add.f32.msk $0xffff, v3  }
0x238: {  	v3 =	vld [tilespmem:s8+$0x5480]  }
0x239: {  	[tilespmem:s16+$0xA170] =	vst.add.f32.msk $0xffff, v2  }
0x23a: {  	v2 =	vld [tilespmem:s8+$0x5400];
	_ =	sdelay $0x2  }
0x23b: {  	[tilespmem:s13+$0xA180] =	vst.add.f32.msk $0xffff, v3  }
0x23c: {  	v3 =	vld [tilespmem:s8+$0x5490]  }
0x23d: {  	[tilespmem:s16+$0xA180] =	vst.add.f32.msk $0xffff, v2  }
0x23e: {  	v2 =	vld [tilespmem:s8+$0x5410];
	_ =	sdelay $0x2  }
0x23f: {  	[tilespmem:s13+$0xA190] =	vst.add.f32.msk $0xffff, v3  }
0x240: {  	v3 =	vld [tilespmem:s8+$0x54A0]  }
0x241: {  	[tilespmem:s16+$0xA190] =	vst.add.f32.msk $0xffff, v2  }
0x242: {  	v2 =	vld [tilespmem:s8+$0x5420];
	_ =	sdelay $0x2  }
0x243: {  	[tilespmem:s13+$0xA1A0] =	vst.add.f32.msk $0xffff, v3  }
0x244: {  	v3 =	vld [tilespmem:s8+$0x54B0]  }
0x245: {  	[tilespmem:s16+$0xA1A0] =	vst.add.f32.msk $0xffff, v2  }
0x246: {  	v2 =	vld [tilespmem:s8+$0x5430];
	_ =	sdelay $0x2  }
0x247: {  	[tilespmem:s13+$0xA1B0] =	vst.add.f32.msk $0xffff, v3  }
0x248: {  	v3 =	vld [tilespmem:s8+$0x54C0]  }
0x249: {  	[tilespmem:s16+$0xA1B0] =	vst.add.f32.msk $0xffff, v2  }
0x24a: {  	v2 =	vld [tilespmem:s8+$0x5440];
	_ =	sdelay $0x2  }
0x24b: {  	[tilespmem:s13+$0xA1C0] =	vst.add.f32.msk $0xffff, v3  }
0x24c: {  	v3 =	vld [tilespmem:s8+$0x54D0]  }
0x24d: {  	[tilespmem:s16+$0xA1C0] =	vst.add.f32.msk $0xffff, v2  }
0x24e: {  	v2 =	vld [tilespmem:s8+$0x5450];
	_ =	sdelay $0x1  }
0x24f: {  	v4 =	vld [tilespmem:s7+$0x5460]  }
0x250: {  	[tilespmem:s13+$0xA1D0] =	vst.add.f32.msk $0xffff, v3  }
0x251: {  	v3 =	vld [tilespmem:s8+$0x54E0]  }
0x252: {  	[tilespmem:s16+$0xA1D0] =	vst.add.f32.msk $0xffff, v2  }
0x253: {  	v2 =	vld [tilespmem:s8+$0x5460]  }
0x254: {  	[tilespmem:s19+$0xA1E0] =	vst.add.f32.msk $0xffff, v4  }
0x255: {  	v4 =	vld [tilespmem:s7+$0x5470]  }
0x256: {  	[tilespmem:s13+$0xA1E0] =	vst.add.f32.msk $0xffff, v3  }
0x257: {  	v3 =	vld [tilespmem:s8+$0x54F0]  }
0x258: {  	s31 =	sadd.s32 $0x1, s31;
	[tilespmem:s16+$0xA1E0] =	vst.add.f32.msk $0xffff, v2  }
0x259: {  	p1 =	sne.s32 s31, $0x27;
	v2 =	vld [tilespmem:s8+$0x5470]  }
.Ltmp3:
0x25a: {  	_ = 	snop;
	(pc) =	sbr.rel @p1 .LBB2_4-.Ltmp3, $4  }
0x25b: {  	[tilespmem:s0+$0xA1F0] =	vst.add.f32.msk $0xffff, v1  }
0x25c: {  	[tilespmem:s19+$0xA1F0] =	vst.add.f32.msk $0xffff, v4  }
0x25d: {  	[tilespmem:s13+$0xA1F0] =	vst.add.f32.msk $0xffff, v3  }
0x25e: {  	[tilespmem:s16+$0xA1F0] =	vst.add.f32.msk $0xffff, v2  }
.Ltmp4:
0x25f: {  	(pc) =	sbr.rel @p0 .LBB2_13-.Ltmp4, $1  }
0x260: {  	_ =	sdelay $0x3  }
0x261: {  	_ =	swait.ge [sflag:s22], $0x5000  }
0x262: {  	[sflag:s22] =	ssyncset.done $0x0  }
0x263: {  	[sflag:s22] =	ssyncadd.s32 $0xFFFFB000  }
0x264: {  	_ =	swait.ge [sflag:s22], $0x50  }
0x265: {  	[sflag:s22] =	ssyncset.done $0x0  }
0x266: {  	s0 =	simm.s32 $0xA001;
	[sflag:s22] =	ssyncadd.s32 $0xFFFFFFB0  }
0x267: {  	v1 =	vld [tilespmem:s0+$0x0];
	_ =	sdelay $0x3  }
0x268: {  	v2 =	vld [tilespmem:s0+$0xFFFFFFFF]  }
0x269: {  	(v2sf) =	vpush v1, $0x0;
	_ =	sdelay $0x3  }
0x26a: {  	(v2sf) =	vpush v2, $0x0;
	_ =	sdelay $0x5  }
0x26b: {  	s13 =	simm.s32 $0x0  }
0x26c: {  	s7 =	sand.u32 $0x7800, s13;
	s0 =	sand.u32 $0x300, s13  }
0x26d: {  	s8 =	sor.u32 s0, s7  }
0x26e: {  	v1 =	vld [tilespmem:s8+$0x80];
	_ =	sdelay $0x1  }
0x26f: {  	s14 =	spop (v2sf)  }
0x270: {  	s0 =	sshll.u32 s14, $0xA  }
0x271: {  	v2 =	vld [tilespmem:s8+$0x0];
	s12 =	sshra.s32 s0, $0x2  }
0x272: {  	[tilespmem:s12+$0xA100] =	vst.add.f32.msk $0xffff, v1  }
0x273: {  	s15 =	spop (v2sf);
	v1 =	vld [tilespmem:s8+$0x90]  }
0x274: {  	s0 =	sshll.u32 s15, $0xA  }
0x275: {  	s0 =	sshra.s32 s0, $0x2  }
0x276: {  	[tilespmem:s0+$0xA100] =	vst.add.f32.msk $0xffff, v2  }
0x277: {  	v2 =	vld [tilespmem:s8+$0x10]  }
0x278: {  	[tilespmem:s12+$0xA110] =	vst.add.f32.msk $0xffff, v1  }
0x279: {  	v1 =	vld [tilespmem:s8+$0xA0];
	_ =	sdelay $0x2  }
0x27a: {  	[tilespmem:s0+$0xA110] =	vst.add.f32.msk $0xffff, v2  }
0x27b: {  	v2 =	vld [tilespmem:s8+$0x20]  }
0x27c: {  	[tilespmem:s12+$0xA120] =	vst.add.f32.msk $0xffff, v1  }
0x27d: {  	v1 =	vld [tilespmem:s8+$0xB0];
	_ =	sdelay $0x2  }
0x27e: {  	[tilespmem:s0+$0xA120] =	vst.add.f32.msk $0xffff, v2  }
0x27f: {  	v2 =	vld [tilespmem:s8+$0x30]  }
0x280: {  	[tilespmem:s12+$0xA130] =	vst.add.f32.msk $0xffff, v1  }
0x281: {  	v1 =	vld [tilespmem:s8+$0xC0];
	_ =	sdelay $0x2  }
0x282: {  	[tilespmem:s0+$0xA130] =	vst.add.f32.msk $0xffff, v2  }
0x283: {  	v2 =	vld [tilespmem:s8+$0x40]  }
0x284: {  	[tilespmem:s12+$0xA140] =	vst.add.f32.msk $0xffff, v1  }
0x285: {  	v1 =	vld [tilespmem:s8+$0xD0];
	_ =	sdelay $0x2  }
0x286: {  	[tilespmem:s0+$0xA140] =	vst.add.f32.msk $0xffff, v2  }
0x287: {  	v2 =	vld [tilespmem:s8+$0x50]  }
0x288: {  	[tilespmem:s12+$0xA150] =	vst.add.f32.msk $0xffff, v1  }
0x289: {  	s16 =	simm.s32 $0xA003;
	v1 =	vld [tilespmem:s8+$0xE0]  }
0x28a: {  	v3 =	vld [tilespmem:s16+$0x0]  }
0x28b: {  	v4 =	vld [tilespmem:s16+$0xFFFFFFFF]  }
0x28c: {  	[tilespmem:s0+$0xA150] =	vst.add.f32.msk $0xffff, v2  }
0x28d: {  	v2 =	vld [tilespmem:s8+$0x60]  }
0x28e: {  	[tilespmem:s12+$0xA160] =	vst.add.f32.msk $0xffff, v1  }
0x28f: {  	(v2sf) =	vpush v3, $0x0;
	v1 =	vld [tilespmem:s8+$0xF0]  }
0x290: {  	(v2sf) =	vpush v4, $0x0;
	_ =	sdelay $0x1  }
0x291: {  	[tilespmem:s0+$0xA160] =	vst.add.f32.msk $0xffff, v2  }
0x292: {  	v2 =	vld [tilespmem:s8+$0x70]  }
0x293: {  	[tilespmem:s12+$0xA170] =	vst.add.f32.msk $0xffff, v1  }
0x294: {  	v1 =	vld [tilespmem:s8+$0x480];
	_ =	sdelay $0x2  }
0x295: {  	[tilespmem:s0+$0xA170] =	vst.add.f32.msk $0xffff, v2  }
0x296: {  	v2 =	vld [tilespmem:s8+$0x400]  }
0x297: {  	s19 =	simm.s32 $0x100;
	s10 =	simm.s32 $0x200;
	[tilespmem:s12+$0xA180] =	vst.add.f32.msk $0xffff, v1  }
0x298: {  	s31 =	simm.s32 $0xA005;
	s10 =	sand.u32 $0x7800, s10;
	s7 =	sand.u32 $0x300, s19;
	v1 =	vld [tilespmem:s8+$0x490]  }
0x299: {  	v5 =	vld [tilespmem:s31+$0xFFFFFFFF];
	s7 =	sor.u32 s7, s10  }
0x29a: {  	v4 =	vld [tilespmem:s7+$0x0]  }
0x29b: {  	s26 =	spop (v2sf);
	[tilespmem:s0+$0xA180] =	vst.add.f32.msk $0xffff, v2  }
0x29c: {  	s10 =	sshll.u32 s26, $0xA;
	s30 =	spop (v2sf);
	v2 =	vld [tilespmem:s8+$0x410]  }
0x29d: {  	s26 =	sshra.s32 s10, $0x2;
	s10 =	sshll.u32 s30, $0xA;
	[tilespmem:s12+$0xA190] =	vst.add.f32.msk $0xffff, v1  }
0x29e: {  	s19 =	sshra.s32 s10, $0x2;
	v1 =	vld [tilespmem:s8+$0x4A0]  }
0x29f: {  	[tilespmem:s19+$0xA100] =	vst.add.f32.msk $0xffff, v4  }
0x2a0: {  	v4 =	vld [tilespmem:s7+$0x10]  }
0x2a1: {  	[tilespmem:s0+$0xA190] =	vst.add.f32.msk $0xffff, v2  }
0x2a2: {  	v2 =	vld [tilespmem:s7+$0x80]  }
0x2a3: {  	[tilespmem:s12+$0xA1A0] =	vst.add.f32.msk $0xffff, v1  }
0x2a4: {  	v1 =	vld [tilespmem:s8+$0x4B0]  }
0x2a5: {  	[tilespmem:s19+$0xA110] =	vst.add.f32.msk $0xffff, v4  }
0x2a6: {  	v4 =	vld [tilespmem:s7+$0x20]  }
0x2a7: {  	[tilespmem:s26+$0xA100] =	vst.add.f32.msk $0xffff, v2  }
0x2a8: {  	v2 =	vld [tilespmem:s7+$0x90]  }
0x2a9: {  	[tilespmem:s12+$0xA1B0] =	vst.add.f32.msk $0xffff, v1  }
0x2aa: {  	v1 =	vld [tilespmem:s8+$0x4C0]  }
0x2ab: {  	[tilespmem:s19+$0xA120] =	vst.add.f32.msk $0xffff, v4  }
0x2ac: {  	v4 =	vld [tilespmem:s7+$0x30]  }
0x2ad: {  	[tilespmem:s26+$0xA110] =	vst.add.f32.msk $0xffff, v2  }
0x2ae: {  	v2 =	vld [tilespmem:s7+$0xA0]  }
0x2af: {  	[tilespmem:s12+$0xA1C0] =	vst.add.f32.msk $0xffff, v1  }
0x2b0: {  	v1 =	vld [tilespmem:s8+$0x4D0]  }
0x2b1: {  	[tilespmem:s19+$0xA130] =	vst.add.f32.msk $0xffff, v4  }
0x2b2: {  	v3 =	vld [tilespmem:s8+$0x420]  }
0x2b3: {  	[tilespmem:s26+$0xA120] =	vst.add.f32.msk $0xffff, v2  }
0x2b4: {  	v2 =	vld [tilespmem:s7+$0xB0]  }
0x2b5: {  	[tilespmem:s12+$0xA1D0] =	vst.add.f32.msk $0xffff, v1  }
0x2b6: {  	v1 =	vld [tilespmem:s8+$0x4E0]  }
0x2b7: {  	[tilespmem:s0+$0xA1A0] =	vst.add.f32.msk $0xffff, v3  }
0x2b8: {  	v4 =	vld [tilespmem:s8+$0x430]  }
0x2b9: {  	[tilespmem:s26+$0xA130] =	vst.add.f32.msk $0xffff, v2  }
0x2ba: {  	v2 =	vld [tilespmem:s7+$0xC0]  }
0x2bb: {  	[tilespmem:s12+$0xA1E0] =	vst.add.f32.msk $0xffff, v1  }
0x2bc: {  	v1 =	vld [tilespmem:s7+$0x40]  }
0x2bd: {  	[tilespmem:s0+$0xA1B0] =	vst.add.f32.msk $0xffff, v4  }
0x2be: {  	v4 =	vld [tilespmem:s8+$0x440]  }
0x2bf: {  	[tilespmem:s26+$0xA140] =	vst.add.f32.msk $0xffff, v2  }
0x2c0: {  	v2 =	vld [tilespmem:s7+$0xD0]  }
0x2c1: {  	[tilespmem:s19+$0xA140] =	vst.add.f32.msk $0xffff, v1  }
0x2c2: {  	v1 =	vld [tilespmem:s7+$0x50]  }
0x2c3: {  	[tilespmem:s0+$0xA1C0] =	vst.add.f32.msk $0xffff, v4  }
0x2c4: {  	v4 =	vld [tilespmem:s8+$0x450]  }
0x2c5: {  	[tilespmem:s26+$0xA150] =	vst.add.f32.msk $0xffff, v2  }
0x2c6: {  	v2 =	vld [tilespmem:s7+$0xE0]  }
0x2c7: {  	[tilespmem:s19+$0xA150] =	vst.add.f32.msk $0xffff, v1  }
0x2c8: {  	v1 =	vld [tilespmem:s7+$0x60]  }
0x2c9: {  	[tilespmem:s0+$0xA1D0] =	vst.add.f32.msk $0xffff, v4  }
0x2ca: {  	v4 =	vld [tilespmem:s31+$0x0]  }
0x2cb: {  	[tilespmem:s26+$0xA160] =	vst.add.f32.msk $0xffff, v2  }
0x2cc: {  	v2 =	vld [tilespmem:s7+$0xF0]  }
0x2cd: {  	[tilespmem:s19+$0xA160] =	vst.add.f32.msk $0xffff, v1  }
0x2ce: {  	v1 =	vld [tilespmem:s7+$0x70]  }
0x2cf: {  	(v2sf) =	vpush v4, $0x0;
	v4 =	vld [tilespmem:s8+$0x460]  }
0x2d0: {  	v3 =	vld [tilespmem:s8+$0x4F0];
	(v2sf) =	vpush v5, $0x0  }
0x2d1: {  	[tilespmem:s26+$0xA170] =	vst.add.f32.msk $0xffff, v2  }
0x2d2: {  	v2 =	vld [tilespmem:s7+$0x480]  }
0x2d3: {  	[tilespmem:s19+$0xA170] =	vst.add.f32.msk $0xffff, v1  }
0x2d4: {  	v1 =	vld [tilespmem:s7+$0x400]  }
0x2d5: {  	[tilespmem:s0+$0xA1E0] =	vst.add.f32.msk $0xffff, v4  }
0x2d6: {  	[tilespmem:s12+$0xA1F0] =	vst.add.f32.msk $0xffff, v3  }
0x2d7: {  	[tilespmem:s26+$0xA180] =	vst.add.f32.msk $0xffff, v2  }
0x2d8: {  	v2 =	vld [tilespmem:s7+$0x490]  }
0x2d9: {  	s14 =	simm.s32 $0x200;
	s15 =	simm.s32 $0x400;
	[tilespmem:s19+$0xA180] =	vst.add.f32.msk $0xffff, v1  }
0x2da: {  	s16 =	sand.u32 $0x300, s14;
	s13 =	sand.u32 $0x7800, s15;
	v1 =	vld [tilespmem:s8+$0x470]  }
0x2db: {  	s8 =	sor.u32 s16, s13;
	v3 =	vld [tilespmem:s7+$0x410]  }
0x2dc: {  	v4 =	vld [tilespmem:s8+$0x80]  }
0x2dd: {  	v5 =	vld [tilespmem:s8+$0x0]  }
0x2de: {  	s30 =	spop (v2sf);
	[tilespmem:s26+$0xA190] =	vst.add.f32.msk $0xffff, v2  }
0x2df: {  	s10 =	sshll.u32 s30, $0xA;
	s31 =	spop (v2sf);
	v2 =	vld [tilespmem:s7+$0x4A0]  }
0x2e0: {  	s13 =	sshra.s32 s10, $0x2;
	s10 =	sshll.u32 s31, $0xA;
	[tilespmem:s19+$0xA190] =	vst.add.f32.msk $0xffff, v3  }
0x2e1: {  	s16 =	sshra.s32 s10, $0x2;
	[tilespmem:s13+$0xA100] =	vst.add.f32.msk $0xffff, v4  }
0x2e2: {  	[tilespmem:s16+$0xA100] =	vst.add.f32.msk $0xffff, v5  }
0x2e3: {  	v3 =	vld [tilespmem:s7+$0x420]  }
0x2e4: {  	[tilespmem:s26+$0xA1A0] =	vst.add.f32.msk $0xffff, v2  }
0x2e5: {  	v4 =	vld [tilespmem:s8+$0x10]  }
0x2e6: {  	v2 =	vld [tilespmem:s7+$0x4B0];
	_ =	sdelay $0x1  }
0x2e7: {  	[tilespmem:s19+$0xA1A0] =	vst.add.f32.msk $0xffff, v3  }
0x2e8: {  	v3 =	vld [tilespmem:s8+$0x90]  }
0x2e9: {  	[tilespmem:s16+$0xA110] =	vst.add.f32.msk $0xffff, v4  }
0x2ea: {  	[tilespmem:s26+$0xA1B0] =	vst.add.f32.msk $0xffff, v2  }
0x2eb: {  	v2 =	vld [tilespmem:s7+$0x4C0]  }
0x2ec: {  	v4 =	vld [tilespmem:s8+$0x20]  }
0x2ed: {  	v5 =	vld [tilespmem:s7+$0x430]  }
0x2ee: {  	[tilespmem:s13+$0xA110] =	vst.add.f32.msk $0xffff, v3  }
0x2ef: {  	v3 =	vld [tilespmem:s8+$0xA0]  }
0x2f0: {  	[tilespmem:s26+$0xA1C0] =	vst.add.f32.msk $0xffff, v2  }
0x2f1: {  	v2 =	vld [tilespmem:s7+$0x4D0]  }
0x2f2: {  	[tilespmem:s16+$0xA120] =	vst.add.f32.msk $0xffff, v4  }
0x2f3: {  	v4 =	vld [tilespmem:s8+$0x30]  }
0x2f4: {  	[tilespmem:s13+$0xA120] =	vst.add.f32.msk $0xffff, v3  }
0x2f5: {  	v3 =	vld [tilespmem:s8+$0xB0]  }
0x2f6: {  	[tilespmem:s26+$0xA1D0] =	vst.add.f32.msk $0xffff, v2  }
0x2f7: {  	v2 =	vld [tilespmem:s7+$0x4E0]  }
0x2f8: {  	[tilespmem:s16+$0xA130] =	vst.add.f32.msk $0xffff, v4  }
0x2f9: {  	v4 =	vld [tilespmem:s8+$0x40]  }
0x2fa: {  	[tilespmem:s13+$0xA130] =	vst.add.f32.msk $0xffff, v3  }
0x2fb: {  	v3 =	vld [tilespmem:s8+$0xC0]  }
0x2fc: {  	[tilespmem:s26+$0xA1E0] =	vst.add.f32.msk $0xffff, v2  }
0x2fd: {  	v2 =	vld [tilespmem:s7+$0x4F0]  }
0x2fe: {  	[tilespmem:s19+$0xA1B0] =	vst.add.f32.msk $0xffff, v5  }
0x2ff: {  	[tilespmem:s16+$0xA140] =	vst.add.f32.msk $0xffff, v4  }
0x300: {  	v4 =	vld [tilespmem:s7+$0x440]  }
0x301: {  	[tilespmem:s13+$0xA140] =	vst.add.f32.msk $0xffff, v3  }
0x302: {  	[tilespmem:s26+$0xA1F0] =	vst.add.f32.msk $0xffff, v2  }
0x303: {  	v2 =	vld [tilespmem:s8+$0xD0];
	_ =	sdelay $0x2  }
0x304: {  	v3 =	vld [tilespmem:s8+$0x50]  }
0x305: {  	[tilespmem:s19+$0xA1C0] =	vst.add.f32.msk $0xffff, v4  }
0x306: {  	[tilespmem:s13+$0xA150] =	vst.add.f32.msk $0xffff, v2  }
0x307: {  	v2 =	vld [tilespmem:s8+$0xE0]  }
0x308: {  	v4 =	vld [tilespmem:s7+$0x450]  }
0x309: {  	[tilespmem:s16+$0xA150] =	vst.add.f32.msk $0xffff, v3  }
0x30a: {  	v5 =	vld [tilespmem:s8+$0x60];
	_ =	sdelay $0x1  }
0x30b: {  	[tilespmem:s13+$0xA160] =	vst.add.f32.msk $0xffff, v2  }
0x30c: {  	v3 =	vld [tilespmem:s8+$0xF0]  }
0x30d: {  	[tilespmem:s19+$0xA1D0] =	vst.add.f32.msk $0xffff, v4  }
0x30e: {  	[tilespmem:s16+$0xA160] =	vst.add.f32.msk $0xffff, v5  }
0x30f: {  	s12 =	simm.s32 $0x4;
	s26 =	simm.s32 $0xA007;
	v2 =	vld [tilespmem:s8+$0x70]  }
.LBB2_11:
0x310: {  	v4 =	vld [tilespmem:s26+$0x0]  }
0x311: {  	[tilespmem:s13+$0xA170] =	vst.add.f32.msk $0xffff, v3  }
0x312: {  	s12 =	sadd.s32 $0x2, s12;
	v3 =	vld [tilespmem:s8+$0x480]  }
0x313: {  	p1 =	slt.u32 s12, $0x4E;
	v5 =	vld [tilespmem:s26+$0xFFFFFFFF]  }
0x314: {  	[tilespmem:s16+$0xA170] =	vst.add.f32.msk $0xffff, v2  }
0x315: {  	(v2sf) =	vpush v4, $0x0;
	v2 =	vld [tilespmem:s8+$0x400]  }
0x316: {  	v4 =	vld [tilespmem:s7+$0x460]  }
0x317: {  	[tilespmem:s13+$0xA180] =	vst.add.f32.msk $0xffff, v3  }
0x318: {  	(v2sf) =	vpush v5, $0x0;
	v3 =	vld [tilespmem:s8+$0x490]  }
0x319: {  	[tilespmem:s0+$0xA1F0] =	vst.add.f32.msk $0xffff, v1;
	s0 =	smov.u32 s19;
	s19 =	smov.u32 s16  }
0x31a: {  	[tilespmem:s19+$0xA180] =	vst.add.f32.msk $0xffff, v2  }
0x31b: {  	v2 =	vld [tilespmem:s8+$0x410]  }
0x31c: {  	[tilespmem:s0+$0xA1E0] =	vst.add.f32.msk $0xffff, v4  }
0x31d: {  	[tilespmem:s13+$0xA190] =	vst.add.f32.msk $0xffff, v3  }
0x31e: {  	v3 =	vld [tilespmem:s8+$0x4A0]  }
0x31f: {  	s14 =	sadd.s32 $0x100, s14;
	s15 =	sadd.s32 $0x200, s15;
	v1 =	vld [tilespmem:s7+$0x470];
	s7 =	smov.u32 s8  }
0x320: {  	s10 =	sand.u32 $0x300, s14;
	s8 =	sand.u32 $0x7800, s15;
	[tilespmem:s19+$0xA190] =	vst.add.f32.msk $0xffff, v2  }
0x321: {  	s8 =	sor.u32 s10, s8;
	v2 =	vld [tilespmem:s7+$0x420]  }
0x322: {  	v4 =	vld [tilespmem:s8+$0x80]  }
0x323: {  	[tilespmem:s13+$0xA1A0] =	vst.add.f32.msk $0xffff, v3  }
0x324: {  	s10 =	spop (v2sf);
	v3 =	vld [tilespmem:s7+$0x4B0]  }
0x325: {  	v5 =	vld [tilespmem:s8+$0x0];
	s10 =	sshll.u32 s10, $0xA  }
0x326: {  	s10 =	sshra.s32 s10, $0x2;
	[tilespmem:s19+$0xA1A0] =	vst.add.f32.msk $0xffff, v2  }
0x327: {  	[tilespmem:s10+$0xA100] =	vst.add.f32.msk $0xffff, v4;
	s16 =	spop (v2sf)  }
0x328: {  	s16 =	sshll.u32 s16, $0xA;
	v2 =	vld [tilespmem:s8+$0x90]  }
0x329: {  	s16 =	sshra.s32 s16, $0x2;
	[tilespmem:s13+$0xA1B0] =	vst.add.f32.msk $0xffff, v3  }
0x32a: {  	v3 =	vld [tilespmem:s7+$0x4C0]  }
0x32b: {  	[tilespmem:s16+$0xA100] =	vst.add.f32.msk $0xffff, v5  }
0x32c: {  	v4 =	vld [tilespmem:s8+$0x10]  }
0x32d: {  	[tilespmem:s10+$0xA110] =	vst.add.f32.msk $0xffff, v2  }
0x32e: {  	v2 =	vld [tilespmem:s8+$0xA0]  }
0x32f: {  	[tilespmem:s13+$0xA1C0] =	vst.add.f32.msk $0xffff, v3  }
0x330: {  	v3 =	vld [tilespmem:s7+$0x4D0]  }
0x331: {  	[tilespmem:s16+$0xA110] =	vst.add.f32.msk $0xffff, v4  }
0x332: {  	v4 =	vld [tilespmem:s8+$0x20]  }
0x333: {  	[tilespmem:s10+$0xA120] =	vst.add.f32.msk $0xffff, v2  }
0x334: {  	v2 =	vld [tilespmem:s8+$0xB0]  }
0x335: {  	[tilespmem:s13+$0xA1D0] =	vst.add.f32.msk $0xffff, v3  }
0x336: {  	v3 =	vld [tilespmem:s7+$0x4E0]  }
0x337: {  	[tilespmem:s16+$0xA120] =	vst.add.f32.msk $0xffff, v4  }
0x338: {  	v4 =	vld [tilespmem:s8+$0x30]  }
0x339: {  	[tilespmem:s10+$0xA130] =	vst.add.f32.msk $0xffff, v2  }
0x33a: {  	v2 =	vld [tilespmem:s8+$0xC0]  }
0x33b: {  	[tilespmem:s13+$0xA1E0] =	vst.add.f32.msk $0xffff, v3  }
0x33c: {  	v3 =	vld [tilespmem:s7+$0x4F0]  }
0x33d: {  	[tilespmem:s16+$0xA130] =	vst.add.f32.msk $0xffff, v4  }
0x33e: {  	v4 =	vld [tilespmem:s8+$0x40]  }
0x33f: {  	v5 =	vld [tilespmem:s7+$0x430]  }
0x340: {  	[tilespmem:s10+$0xA140] =	vst.add.f32.msk $0xffff, v2  }
0x341: {  	[tilespmem:s13+$0xA1F0] =	vst.add.f32.msk $0xffff, v3;
	s13 =	smov.u32 s10  }
0x342: {  	v2 =	vld [tilespmem:s8+$0xD0]  }
0x343: {  	[tilespmem:s16+$0xA140] =	vst.add.f32.msk $0xffff, v4  }
0x344: {  	v3 =	vld [tilespmem:s8+$0x50]  }
0x345: {  	[tilespmem:s19+$0xA1B0] =	vst.add.f32.msk $0xffff, v5  }
0x346: {  	v4 =	vld [tilespmem:s7+$0x440]  }
0x347: {  	[tilespmem:s13+$0xA150] =	vst.add.f32.msk $0xffff, v2  }
0x348: {  	v2 =	vld [tilespmem:s8+$0xE0]  }
0x349: {  	[tilespmem:s16+$0xA150] =	vst.add.f32.msk $0xffff, v3  }
0x34a: {  	v5 =	vld [tilespmem:s8+$0x60]  }
0x34b: {  	[tilespmem:s19+$0xA1C0] =	vst.add.f32.msk $0xffff, v4  }
0x34c: {  	v4 =	vld [tilespmem:s7+$0x450]  }
.Ltmp5:
0x34d: {  	[tilespmem:s13+$0xA160] =	vst.add.f32.msk $0xffff, v2;
	(pc) =	sbr.rel @p1 .LBB2_11-.Ltmp5, $4  }
0x34e: {  	v3 =	vld [tilespmem:s8+$0xF0]  }
0x34f: {  	[tilespmem:s16+$0xA160] =	vst.add.f32.msk $0xffff, v5  }
0x350: {  	v2 =	vld [tilespmem:s8+$0x70]  }
0x351: {  	s26 =	sadd.s32 $0x2, s26;
	[tilespmem:s19+$0xA1D0] =	vst.add.f32.msk $0xffff, v4  }
0x352: {  	_ = 	snop  }
0x353: {  	[tilespmem:s13+$0xA170] =	vst.add.f32.msk $0xffff, v3  }
0x354: {  	v3 =	vld [tilespmem:s8+$0x480]  }
0x355: {  	[tilespmem:s16+$0xA170] =	vst.add.f32.msk $0xffff, v2  }
0x356: {  	v2 =	vld [tilespmem:s8+$0x400];
	_ =	sdelay $0x2  }
0x357: {  	[tilespmem:s13+$0xA180] =	vst.add.f32.msk $0xffff, v3  }
0x358: {  	v3 =	vld [tilespmem:s8+$0x490]  }
0x359: {  	[tilespmem:s16+$0xA180] =	vst.add.f32.msk $0xffff, v2  }
0x35a: {  	v2 =	vld [tilespmem:s8+$0x410];
	_ =	sdelay $0x2  }
0x35b: {  	[tilespmem:s13+$0xA190] =	vst.add.f32.msk $0xffff, v3  }
0x35c: {  	v3 =	vld [tilespmem:s8+$0x4A0]  }
0x35d: {  	[tilespmem:s16+$0xA190] =	vst.add.f32.msk $0xffff, v2  }
0x35e: {  	v2 =	vld [tilespmem:s8+$0x420];
	_ =	sdelay $0x2  }
0x35f: {  	[tilespmem:s13+$0xA1A0] =	vst.add.f32.msk $0xffff, v3  }
0x360: {  	v3 =	vld [tilespmem:s8+$0x4B0]  }
0x361: {  	[tilespmem:s16+$0xA1A0] =	vst.add.f32.msk $0xffff, v2  }
0x362: {  	v2 =	vld [tilespmem:s8+$0x430];
	_ =	sdelay $0x2  }
0x363: {  	[tilespmem:s13+$0xA1B0] =	vst.add.f32.msk $0xffff, v3  }
0x364: {  	v3 =	vld [tilespmem:s8+$0x4C0]  }
0x365: {  	[tilespmem:s16+$0xA1B0] =	vst.add.f32.msk $0xffff, v2  }
0x366: {  	v2 =	vld [tilespmem:s8+$0x440];
	_ =	sdelay $0x2  }
0x367: {  	[tilespmem:s13+$0xA1C0] =	vst.add.f32.msk $0xffff, v3  }
0x368: {  	v3 =	vld [tilespmem:s8+$0x4D0]  }
0x369: {  	[tilespmem:s16+$0xA1C0] =	vst.add.f32.msk $0xffff, v2  }
0x36a: {  	v2 =	vld [tilespmem:s8+$0x450];
	_ =	sdelay $0x1  }
0x36b: {  	v4 =	vld [tilespmem:s7+$0x460]  }
0x36c: {  	[tilespmem:s13+$0xA1D0] =	vst.add.f32.msk $0xffff, v3  }
0x36d: {  	v3 =	vld [tilespmem:s8+$0x4E0]  }
0x36e: {  	[tilespmem:s16+$0xA1D0] =	vst.add.f32.msk $0xffff, v2  }
0x36f: {  	v2 =	vld [tilespmem:s8+$0x460]  }
0x370: {  	[tilespmem:s19+$0xA1E0] =	vst.add.f32.msk $0xffff, v4  }
0x371: {  	v4 =	vld [tilespmem:s7+$0x470]  }
0x372: {  	[tilespmem:s13+$0xA1E0] =	vst.add.f32.msk $0xffff, v3  }
0x373: {  	v3 =	vld [tilespmem:s8+$0x4F0]  }
0x374: {  	[tilespmem:s16+$0xA1E0] =	vst.add.f32.msk $0xffff, v2  }
0x375: {  	v2 =	vld [tilespmem:s8+$0x470];
	_ =	sdelay $0x1  }
0x376: {  	[tilespmem:s0+$0xA1F0] =	vst.add.f32.msk $0xffff, v1  }
0x377: {  	[tilespmem:s19+$0xA1F0] =	vst.add.f32.msk $0xffff, v4  }
0x378: {  	[tilespmem:s13+$0xA1F0] =	vst.add.f32.msk $0xffff, v3  }
0x379: {  	[tilespmem:s16+$0xA1F0] =	vst.add.f32.msk $0xffff, v2  }
.LBB2_13:
0x37a: {  	s10 =	rddreg [dreg:$0x7];
	s0 =	simm.s32 $0xA100  }
0x37b: {  	[spmem:s10] =	stream.strided.scatter [tilespmem:s0], [sflag:$0x3], $0x4000, s25, s24, $0x38;
	[tilespmem:$0x1E900] =	vst v63  }
0x37c: {  	_ =	swait.ge [sflag:s28], $0x4000  }
0x37d: {  	[sflag:s28] =	ssyncset.done $0x0  }
0x37e: {  	s7 =	simm.s32 $0x40;
	[sflag:s28] =	ssyncadd.s32 $0xFFFFC000  }
0x37f: {  	s8 =	simm.s32 $0x0;
	s0 =	simm.s32 $0x0;
	[bflag:$0x0] =	sbarrier.arrive $0xFFFF  }
.LBB2_14:
0x380: {  	p1 =	sne.s32 s7, $0xFC0;
	[tilespmem:s8+$0x1A500] =	vst v0;
	s8 =	smov.u32 s7;
	s7 =	sadd.s32 $0x40, s7  }
.Ltmp6:
0x381: {  	(pc) =	sbr.rel @p1 .LBB2_14-.Ltmp6, $2  }
0x382: {  	_ =	sdelay $0x2  }
0x383: {  	s8 =	sshra.s32 s8, $0x2  }
0x384: {  	[tilespmem:s8+$0x1A500] =	vst v0;
	s12 =	simm.s32 $0x1A500  }
.LBB2_16:
0x385: {  	s7 =	sshll.u32 s0, $0xE  }
0x386: {  	s8 =	sshll.u32 s0, $0x7;
	s7 =	sand.u32 $0x20000, s7  }
0x387: {  	s8 =	sand.u32 $0x380, s8;
	s7 =	sadd.s32 s7, s11  }
0x388: {  	s7 =	sadd.s32 s8, s7  }
0x389: {  	[tilespmem:s29], [sflag:$0x3] =	stream.strided.gather [spmem:s7], $0x400, s25, s24, $0x38;
	[tilespmem:$0x1E900] =	vst v63  }
0x38a: {  	_ =	swait.ge [sflag:s28], $0x400  }
0x38b: {  	[sflag:s28] =	ssyncset.done $0x0  }
0x38c: {  	s7 =	simm.s32 $0x0;
	[sflag:s28] =	ssyncadd.s32 $0xFFFFFC00  }
0x38d: {  	s8 =	simm.s32 $0x40;
	v1 =	vld [tilespmem:s7+$0x1A100]  }
.LBB2_17:
0x38e: {  	p1 =	sne.s32 s8, $0xFC0  }
.Ltmp7:
0x38f: {  	_ = 	snop;
	(pc) =	sbr.rel @p1 .LBB2_17-.Ltmp7, $3  }
0x390: {  	_ =	sdelay $0x1  }
0x391: {  	[tilespmem:s7+$0x1A500] =	vst.add.f32.msk $0xffff, v1;
	s7 =	sshra.s32 s8, $0x2;
	s8 =	sadd.s32 $0x40, s8  }
0x392: {  	v1 =	vld [tilespmem:s7+$0x1A100]  }
0x393: {  	s0 =	sadd.s32 $0x1, s0  }
0x394: {  	p1 =	sne.s32 s0, $0x10  }
.Ltmp8:
0x395: {  	_ = 	snop;
	(pc) =	sbr.rel @p1 .LBB2_16-.Ltmp8, $2  }
0x396: {  	_ =	sdelay $0x2  }
0x397: {  	[tilespmem:s7+$0x1A500] =	vst.add.f32.msk $0xffff, v1  }
0x398: {  	s0 =	rddreg [dreg:$0x8]  }
0x399: {  	[hbm4b:s0+s24] =	stream.strided.scatter [tilespmem:s12], [sflag:$0x3], $0x400, s25, s24, $0x38;
	[tilespmem:$0x1E900] =	vst v63  }
0x39a: {  	_ =	swait.ge [sflag:s28], $0x400  }
0x39b: {  	[sflag:s28] =	ssyncset.done $0x0  }
0x39c: {  	[sflag:s28] =	ssyncadd.s32 $0xFFFFFC00  }
0x39d: {  	s31 =	simm.s32 $0xE100;
	[bflag:$0x0] =	sbarrier.arrive $0xFFFF  }
0x39e: {  	[spmem:s10] =	stream.strided.scatter [tilespmem:s31], [sflag:$0x3], $0x4000, s25, s24, $0x38;
	[tilespmem:$0x1E900] =	vst v63  }
0x39f: {  	_ =	swait.ge [sflag:s28], $0x4000  }
0x3a0: {  	[sflag:s28] =	ssyncset.done $0x0  }
0x3a1: {  	s7 =	simm.s32 $0x40;
	[sflag:s28] =	ssyncadd.s32 $0xFFFFC000  }
0x3a2: {  	s8 =	simm.s32 $0x0;
	s0 =	simm.s32 $0x0;
	[bflag:$0x0] =	sbarrier.arrive $0xFFFF  }
.LBB2_20:
0x3a3: {  	p1 =	sne.s32 s7, $0xFC0;
	[tilespmem:s8+$0x1A500] =	vst v0;
	s8 =	smov.u32 s7;
	s7 =	sadd.s32 $0x40, s7  }
.Ltmp9:
0x3a4: {  	(pc) =	sbr.rel @p1 .LBB2_20-.Ltmp9, $2  }
0x3a5: {  	_ =	sdelay $0x2  }
0x3a6: {  	s8 =	sshra.s32 s8, $0x2  }
0x3a7: {  	[tilespmem:s8+$0x1A500] =	vst v0  }
.LBB2_22:
0x3a8: {  	s7 =	sshll.u32 s0, $0xE  }
0x3a9: {  	s8 =	sshll.u32 s0, $0x7;
	s7 =	sand.u32 $0x20000, s7  }
0x3aa: {  	s8 =	sand.u32 $0x380, s8;
	s7 =	sadd.s32 s7, s11  }
0x3ab: {  	s7 =	sadd.s32 s8, s7  }
0x3ac: {  	[tilespmem:s29], [sflag:$0x3] =	stream.strided.gather [spmem:s7], $0x400, s25, s24, $0x38;
	[tilespmem:$0x1E900] =	vst v63  }
0x3ad: {  	_ =	swait.ge [sflag:s28], $0x400  }
0x3ae: {  	[sflag:s28] =	ssyncset.done $0x0  }
0x3af: {  	s7 =	simm.s32 $0x0;
	[sflag:s28] =	ssyncadd.s32 $0xFFFFFC00  }
0x3b0: {  	s8 =	simm.s32 $0x40;
	v1 =	vld [tilespmem:s7+$0x1A100]  }
.LBB2_23:
0x3b1: {  	p1 =	sne.s32 s8, $0xFC0  }
.Ltmp10:
0x3b2: {  	_ = 	snop;
	(pc) =	sbr.rel @p1 .LBB2_23-.Ltmp10, $3  }
0x3b3: {  	_ =	sdelay $0x1  }
0x3b4: {  	[tilespmem:s7+$0x1A500] =	vst.add.f32.msk $0xffff, v1;
	s7 =	sshra.s32 s8, $0x2;
	s8 =	sadd.s32 $0x40, s8  }
0x3b5: {  	v1 =	vld [tilespmem:s7+$0x1A100]  }
0x3b6: {  	s0 =	sadd.s32 $0x1, s0  }
0x3b7: {  	p1 =	sne.s32 s0, $0x10  }
.Ltmp11:
0x3b8: {  	_ = 	snop;
	(pc) =	sbr.rel @p1 .LBB2_22-.Ltmp11, $2  }
0x3b9: {  	_ =	sdelay $0x2  }
0x3ba: {  	[tilespmem:s7+$0x1A500] =	vst.add.f32.msk $0xffff, v1  }
0x3bb: {  	s0 =	rddreg [dreg:$0x9]  }
0x3bc: {  	[hbm4b:s0+s24] =	stream.strided.scatter [tilespmem:s12], [sflag:$0x3], $0x400, s25, s24, $0x38;
	[tilespmem:$0x1E900] =	vst v63  }
0x3bd: {  	_ =	swait.ge [sflag:s28], $0x400  }
0x3be: {  	[sflag:s28] =	ssyncset.done $0x0  }
0x3bf: {  	[sflag:s28] =	ssyncadd.s32 $0xFFFFFC00  }
0x3c0: {  	s31 =	simm.s32 $0x12100;
	[bflag:$0x0] =	sbarrier.arrive $0xFFFF  }
0x3c1: {  	[spmem:s10] =	stream.strided.scatter [tilespmem:s31], [sflag:$0x3], $0x4000, s25, s24, $0x38;
	[tilespmem:$0x1E900] =	vst v63  }
0x3c2: {  	_ =	swait.ge [sflag:s28], $0x4000  }
0x3c3: {  	[sflag:s28] =	ssyncset.done $0x0  }
0x3c4: {  	s7 =	simm.s32 $0x40;
	[sflag:s28] =	ssyncadd.s32 $0xFFFFC000  }
0x3c5: {  	s8 =	simm.s32 $0x0;
	s0 =	simm.s32 $0x0;
	[bflag:$0x0] =	sbarrier.arrive $0xFFFF  }
.LBB2_26:
0x3c6: {  	p1 =	sne.s32 s7, $0xFC0;
	[tilespmem:s8+$0x1A500] =	vst v0;
	s8 =	smov.u32 s7;
	s7 =	sadd.s32 $0x40, s7  }
.Ltmp12:
0x3c7: {  	(pc) =	sbr.rel @p1 .LBB2_26-.Ltmp12, $2  }
0x3c8: {  	_ =	sdelay $0x2  }
0x3c9: {  	s8 =	sshra.s32 s8, $0x2  }
0x3ca: {  	[tilespmem:s8+$0x1A500] =	vst v0  }
.LBB2_28:
0x3cb: {  	s7 =	sshll.u32 s0, $0xE  }
0x3cc: {  	s8 =	sshll.u32 s0, $0x7;
	s7 =	sand.u32 $0x20000, s7  }
0x3cd: {  	s8 =	sand.u32 $0x380, s8;
	s7 =	sadd.s32 s7, s11  }
0x3ce: {  	s7 =	sadd.s32 s8, s7  }
0x3cf: {  	[tilespmem:s29], [sflag:$0x3] =	stream.strided.gather [spmem:s7], $0x400, s25, s24, $0x38;
	[tilespmem:$0x1E900] =	vst v63  }
0x3d0: {  	_ =	swait.ge [sflag:s28], $0x400  }
0x3d1: {  	[sflag:s28] =	ssyncset.done $0x0  }
0x3d2: {  	s7 =	simm.s32 $0x0;
	[sflag:s28] =	ssyncadd.s32 $0xFFFFFC00  }
0x3d3: {  	s8 =	simm.s32 $0x40;
	v1 =	vld [tilespmem:s7+$0x1A100]  }
.LBB2_29:
0x3d4: {  	p1 =	sne.s32 s8, $0xFC0  }
.Ltmp13:
0x3d5: {  	_ = 	snop;
	(pc) =	sbr.rel @p1 .LBB2_29-.Ltmp13, $3  }
0x3d6: {  	_ =	sdelay $0x1  }
0x3d7: {  	[tilespmem:s7+$0x1A500] =	vst.add.f32.msk $0xffff, v1;
	s7 =	sshra.s32 s8, $0x2;
	s8 =	sadd.s32 $0x40, s8  }
0x3d8: {  	v1 =	vld [tilespmem:s7+$0x1A100]  }
0x3d9: {  	s0 =	sadd.s32 $0x1, s0  }
0x3da: {  	p1 =	sne.s32 s0, $0x10  }
.Ltmp14:
0x3db: {  	_ = 	snop;
	(pc) =	sbr.rel @p1 .LBB2_28-.Ltmp14, $2  }
0x3dc: {  	_ =	sdelay $0x2  }
0x3dd: {  	[tilespmem:s7+$0x1A500] =	vst.add.f32.msk $0xffff, v1  }
0x3de: {  	s0 =	rddreg [dreg:$0xa]  }
0x3df: {  	[hbm4b:s0+s24] =	stream.strided.scatter [tilespmem:s12], [sflag:$0x3], $0x400, s25, s24, $0x38;
	[tilespmem:$0x1E900] =	vst v63  }
0x3e0: {  	_ =	swait.ge [sflag:s28], $0x400  }
0x3e1: {  	[sflag:s28] =	ssyncset.done $0x0  }
0x3e2: {  	[sflag:s28] =	ssyncadd.s32 $0xFFFFFC00  }
0x3e3: {  	s31 =	simm.s32 $0x16100;
	[bflag:$0x0] =	sbarrier.arrive $0xFFFF  }
0x3e4: {  	[spmem:s10] =	stream.strided.scatter [tilespmem:s31], [sflag:$0x3], $0x4000, s25, s24, $0x38;
	[tilespmem:$0x1E900] =	vst v63  }
0x3e5: {  	_ =	swait.ge [sflag:s28], $0x4000  }
0x3e6: {  	[sflag:s28] =	ssyncset.done $0x0  }
0x3e7: {  	s7 =	simm.s32 $0x40;
	[sflag:s28] =	ssyncadd.s32 $0xFFFFC000  }
0x3e8: {  	s8 =	simm.s32 $0x0;
	s0 =	simm.s32 $0x0;
	[bflag:$0x0] =	sbarrier.arrive $0xFFFF  }
.LBB2_32:
0x3e9: {  	p1 =	sne.s32 s7, $0xFC0;
	[tilespmem:s8+$0x1A500] =	vst v0;
	s8 =	smov.u32 s7;
	s7 =	sadd.s32 $0x40, s7  }
.Ltmp15:
0x3ea: {  	(pc) =	sbr.rel @p1 .LBB2_32-.Ltmp15, $2  }
0x3eb: {  	_ =	sdelay $0x2  }
0x3ec: {  	s8 =	sshra.s32 s8, $0x2  }
0x3ed: {  	[tilespmem:s8+$0x1A500] =	vst v0  }
.LBB2_34:
0x3ee: {  	s7 =	sshll.u32 s0, $0xE  }
0x3ef: {  	s8 =	sshll.u32 s0, $0x7;
	s7 =	sand.u32 $0x20000, s7  }
0x3f0: {  	s8 =	sand.u32 $0x380, s8;
	s7 =	sadd.s32 s7, s11  }
0x3f1: {  	s7 =	sadd.s32 s8, s7  }
0x3f2: {  	[tilespmem:s29], [sflag:$0x3] =	stream.strided.gather [spmem:s7], $0x400, s25, s24, $0x38;
	[tilespmem:$0x1E900] =	vst v63  }
0x3f3: {  	_ =	swait.ge [sflag:s28], $0x400  }
0x3f4: {  	[sflag:s28] =	ssyncset.done $0x0  }
0x3f5: {  	s7 =	simm.s32 $0x0;
	[sflag:s28] =	ssyncadd.s32 $0xFFFFFC00  }
0x3f6: {  	s8 =	simm.s32 $0x40;
	v1 =	vld [tilespmem:s7+$0x1A100]  }
.LBB2_35:
0x3f7: {  	p1 =	sne.s32 s8, $0xFC0  }
.Ltmp16:
0x3f8: {  	_ = 	snop;
	(pc) =	sbr.rel @p1 .LBB2_35-.Ltmp16, $3  }
0x3f9: {  	_ =	sdelay $0x1  }
0x3fa: {  	[tilespmem:s7+$0x1A500] =	vst.add.f32.msk $0xffff, v1;
	s7 =	sshra.s32 s8, $0x2;
	s8 =	sadd.s32 $0x40, s8  }
0x3fb: {  	v1 =	vld [tilespmem:s7+$0x1A100]  }
0x3fc: {  	s0 =	sadd.s32 $0x1, s0  }
0x3fd: {  	p1 =	sne.s32 s0, $0x10  }
.Ltmp17:
0x3fe: {  	_ = 	snop;
	(pc) =	sbr.rel @p1 .LBB2_34-.Ltmp17, $2  }
0x3ff: {  	_ =	sdelay $0x2  }
0x400: {  	[tilespmem:s7+$0x1A500] =	vst.add.f32.msk $0xffff, v1  }
0x401: {  	s0 =	rddreg [dreg:$0xb]  }
0x402: {  	[hbm4b:s0+s24] =	stream.strided.scatter [tilespmem:s12], [sflag:$0x3], $0x400, s25, s24, $0x38;
	[tilespmem:$0x1E900] =	vst v63  }
0x403: {  	_ =	swait.ge [sflag:s28], $0x400  }
0x404: {  	s3 =	sadd.s32 $0x1, s3;
	s31 =	rddreg [dreg:$0xc]  }
0x405: {  	p1 =	sne.s32 s3, s31  }
.Ltmp18:
0x406: {  	_ = 	snop;
	(pc) =	sbr.rel @p1 .LBB2_1-.Ltmp18, $3  }
0x407: {  	[sflag:s28] =	ssyncset.done $0x0  }
0x408: {  	[sflag:s28] =	ssyncadd.s32 $0xFFFFFC00  }
0x409: {  	[bflag:$0x0] =	sbarrier.arrive $0xFFFF;
	_ =	sdelay $0x1  }
0x40a: {  	_ =	sfence.sel $0x180000  }
0x40b: {  	[bflag:$0x0] =	sbarrier.arrive $0xFFFF  }
0x40c: {  	_ =	strace $0x90000047  }
0x40d: {  	[bflag:$0x2] =	sbarrier.arrive $0xFFFF  }
0x40e: {  	p0 =	sne.s32 s2, $0x0;
	s0 =	rddreg [dreg:$0x4]  }
0x40f: {  	s0 =	sadd.s32 @!p0 $0x100000, s0  }
0x410: {  	[sflag:s0] =	ssyncadd.tile.s32 @!p0 $0x1;
	_ =	shalt  }
.Lfunc_end2:
_tile_overlayer_lowered:
.L_overlay_start_2:
0x411: {  	(tag) =	ssettag $0x2  }
0x412: {  	s0 =	rddreg [dreg:$0x0];
	s2 =	stileid.u32  }
0x413: {  	s1 =	rddreg [dreg:$0x1];
	p0 =	sne.s32 s2, $0x0  }
0x414: {  	s3 =	rddreg [dreg:$0x2];
	[bflag:$0x3] =	sbarrier.arrive $0xFFFF;
	s2 =	simm.s32 @!p0 $0x1C03  }
0x415: {  	[timem:s3], [sflag:s2] =	dma.local @!p0 [hbm:s0], s1  }
0x416: {  	s0 =	simm.s32 @!p0 $0x3  }
0x417: {  	_ =	swait.ge @!p0 [sflag:s0], s1  }
0x418: {  	s1 =	ssub.s32 @!p0 $0x0, s1;
	[sflag:s0] =	ssyncset.done @!p0 $0x0  }
0x419: {  	[sflag:s0] =	ssyncadd.s32 @!p0 s1  }
0x41a: {  	[bflag:$0x3] =	sbarrier.arrive $0xFFFF  }
0x41b: {  	_ =	shalt  }

</sc_bundles>
